<compile_context>
chip_gen: v7x
topology: tpu7x:2x2x1
jax: 0.10.2.dev20260603
libtpu: 0.0.44.dev20260713+nightly
codegen_flags: <defaults>
</compile_context>

<pallas_src>
import functools

import jax
import jax.numpy as jnp
from jax import lax
from jax.experimental import pallas as pl
from jax.experimental.pallas import tpu as pltpu
from jax.experimental.pallas import tpu_sc as plsc

_EPS = 1e-5


def _dot(a, b, ca, cb, precision=None):
    return jax.lax.dot_general(
        a, b, (((ca,), (cb,)), ((), ())),
        preferred_element_type=jnp.float32, precision=precision)


def _knn_body(k, kp, orig_ref, q_ref, rel_ref, idxg_ref, srel_ref,
              srelsq_ref, oh_ref, m_const):
    b = pl.program_id(0)
    n = pl.program_id(1)
    orig = orig_ref[0]
    q = q_ref[0]
    tn = q.shape[1]

    cross = _dot(orig, q, 0, 0)
    q2 = jnp.sum(q * q, axis=0, keepdims=True)
    o2row = jnp.sum(orig * orig, axis=0, keepdims=True)
    o2col = jnp.swapaxes(o2row, 0, 1)
    dist = (q2 - 2.0 * cross) + o2col

    srel = jnp.zeros((3, 1), jnp.float32)
    srelsq = jnp.zeros((3, 3), jnp.float32)
    hp = jax.lax.Precision.HIGHEST

    def split3(x):
        bf = jnp.bfloat16
        hi = x.astype(bf)
        r1 = x - hi.astype(jnp.float32)
        mid = r1.astype(bf)
        lo = (r1 - mid.astype(jnp.float32)).astype(bf)
        return hi, mid, lo

    def oh_dot(parts, ohb):
        acc = None
        for p in parts:
            t = _dot(p, ohb, 1, 0)
            acc = t if acc is None else acc + t
        return acc

    orig3 = split3(orig)
    q4 = jnp.concatenate([q] * 4, axis=1)
    iota = jax.lax.broadcasted_iota(jnp.int32, dist.shape, 0)
    idxs = []
    for j in range(k):
        idx = jnp.argmin(dist, axis=0)[None, :]
        hit = iota == idx
        g = (j % 4) * tn
        oh_ref[:, g:g + tn] = hit.astype(jnp.bfloat16)
        dist = jnp.where(hit, jnp.float32(jnp.inf), dist)
        if j < kp:
            idxs.append(idx)
            if j == kp - 1:
                idxg_ref[0, 0] = jnp.concatenate(idxs, axis=0) + b * m_const
        if (j + 1) % 4 == 0:
            ohcat = oh_ref[...]
            ptsc = oh_dot(orig3, ohcat)
            rel4 = ptsc - q4
            for jj in range(4):
                rel_ref[0, j - 3 + jj] = rel4[:, jj * tn:(jj + 1) * tn]
            srel = srel + jnp.sum(rel4, axis=1, keepdims=True)
            srelsq = srelsq + _dot(rel4, rel4, 1, 1, precision=hp)

    first = (b == 0) & (n == 0)

    @pl.when(first)
    def _():
        srel_ref[...] = jnp.zeros_like(srel_ref)
        srelsq_ref[...] = jnp.zeros_like(srelsq_ref)

    srel_ref[...] += srel
    srelsq_ref[...] += srelsq


def _mid_body(k, kp, cnt, rel_ref, srel_ref, srelsq_ref, w0_ref, g0_ref,
              be0_ref, w1_ref, y14_ref, fg_ref, ssum1_ref, ssq1_ref):
    b = pl.program_id(0)
    n = pl.program_id(1)
    w0 = w0_ref[...]
    w1 = w1_ref[...]
    mean_rel = srel_ref[...] / cnt
    cov = (srelsq_ref[...] / cnt
           - _dot(mean_rel, mean_rel, 1, 1))
    mean0 = _dot(w0, mean_rel, 1, 0)
    wc = _dot(w0, cov, 1, 0)
    var0 = jnp.sum(wc * w0, axis=1, keepdims=True)
    scale0 = g0_ref[...] * jax.lax.rsqrt(var0 + _EPS)
    shift0 = be0_ref[...] - mean0 * scale0

    tn = fg_ref.shape[2]
    relcat = jnp.concatenate([rel_ref[0, j] for j in range(k)], axis=1)
    y0cat = _dot(w0, relcat, 1, 0)
    f0cat = jax.nn.relu(y0cat * scale0 + shift0)
    fg = None
    for j in range(k):
        f0 = f0cat[:, j * tn:(j + 1) * tn]
        fg = f0 if fg is None else jnp.maximum(fg, f0)
    y1cat = _dot(w1, f0cat, 1, 0)
    ssum1 = jnp.sum(y1cat, axis=1, keepdims=True)
    ssq1 = jnp.sum(y1cat * y1cat, axis=1, keepdims=True)
    for j in range(kp):
        y14_ref[0, :, j] = y1cat[:, j * tn:(j + 1) * tn]
    fg_ref[0] = fg

    first = (b == 0) & (n == 0)

    @pl.when(first)
    def _():
        ssum1_ref[...] = jnp.zeros_like(ssum1_ref)
        ssq1_ref[...] = jnp.zeros_like(ssq1_ref)

    ssum1_ref[...] += ssum1
    ssq1_ref[...] += ssq1


def _sc_gather(table, gidx):
    tot = gidx.shape[0]
    d = table.shape[1]
    info = plsc.get_sparse_core_info()
    nc, ns = info.num_cores, info.num_subcores
    nw = nc * ns
    per = tot // nw
    ch = 128
    mesh = plsc.VectorSubcoreMesh(core_axis_name="c", subcore_axis_name="s")

    @functools.partial(
        pl.kernel, mesh=mesh,
        out_type=jax.ShapeDtypeStruct((tot, d), jnp.float32),
        scratch_types=[
            pltpu.VMEM((ch,), jnp.int32),
            pltpu.VMEM((ch, d), jnp.float32),
            pltpu.SemaphoreType.DMA,
        ],
    )
    def k(table_hbm, idx_hbm, out_hbm, idx_v, rows_v, sem):
        wid = lax.axis_index("s") * nc + lax.axis_index("c")
        base = wid * per
        for c in range(per // ch):
            off = base + c * ch
            pltpu.sync_copy(idx_hbm.at[pl.ds(off, ch)], idx_v)
            pltpu.async_copy(table_hbm.at[idx_v], rows_v, sem).wait()
            pltpu.sync_copy(rows_v, out_hbm.at[pl.ds(off, ch)])

    return k(table, gidx)


def _out_body(kp, cnt, y14_ref, fg_ref, patch_ref, ssum1_ref, ssq1_ref,
              g1_ref, be1_ref, w2a_ref, w2b_ref, b2_ref, out_ref):
    mean1 = ssum1_ref[...] / cnt
    var1 = ssq1_ref[...] / cnt - mean1 * mean1
    scale1 = g1_ref[...] * jax.lax.rsqrt(var1 + _EPS)
    shift1 = be1_ref[...] - mean1 * scale1

    fg = fg_ref[0]
    fterm = _dot(w2b_ref[...], fg, 1, 0) + b2_ref[...]
    acc = None
    for j in range(kp):
        rf = jax.nn.relu(y14_ref[0, :, j] * scale1 + shift1)
        logit = _dot(w2a_ref[...], rf, 1, 0) + fterm
        w = jax.nn.sigmoid(logit)
        pj = jnp.swapaxes(patch_ref[0, j], 0, 1)
        term = (1.0 - w) * rf + w * pj
        acc = term if acc is None else acc + term
    out_ref[0] = acc


def kernel(original_pts, query_pts, local_feat, w0, b0, g0, be0, w1, b1, g1,
           be1, w2, b2):
    del b0, b1
    B, _, M = original_pts.shape
    N = query_pts.shape[2]
    D = local_feat.shape[1]
    K = 16
    KP = K // 4
    TN = 512 if N % 512 == 0 else N
    NT = N // TN
    cnt = float(B * N * K)
    f32 = jnp.float32

    g0c = g0.reshape(D, 1)
    be0c = be0.reshape(D, 1)
    g1c = g1.reshape(D, 1)
    be1c = be1.reshape(D, 1)
    w2a = w2[0, :D].reshape(1, D)
    w2b = w2[0, D:].reshape(1, D)
    b2c = b2.reshape(1, 1)

    const2 = lambda shape: pl.BlockSpec(shape, lambda b, n: (0,) * len(shape))

    rel, idx4, srel, srelsq = pl.pallas_call(
        functools.partial(_knn_body, K, KP, m_const=M),
        grid=(B, NT),
        in_specs=[
            pl.BlockSpec((1, 3, M), lambda b, n: (b, 0, 0)),
            pl.BlockSpec((1, 3, TN), lambda b, n: (b, 0, n)),
        ],
        out_specs=[
            pl.BlockSpec((1, K, 3, TN), lambda b, n: (b, 0, 0, n)),
            pl.BlockSpec((1, 1, KP, TN), lambda b, n: (b, n, 0, 0)),
            const2((3, 1)),
            const2((3, 3)),
        ],
        out_shape=[
            jax.ShapeDtypeStruct((B, K, 3, N), f32),
            jax.ShapeDtypeStruct((B, NT, KP, TN), jnp.int32),
            jax.ShapeDtypeStruct((3, 1), f32),
            jax.ShapeDtypeStruct((3, 3), f32),
        ],
        scratch_shapes=[pltpu.VMEM((M, 4 * TN), jnp.bfloat16)],
    )(original_pts, query_pts)

    table = jnp.swapaxes(local_feat, 1, 2).reshape(B * M, D)
    rows = _sc_gather(table, idx4.reshape(B * NT * KP * TN))
    patch = rows.reshape(B * NT, KP, TN, D)

    y14, fg, ssum1, ssq1 = pl.pallas_call(
        functools.partial(_mid_body, K, KP, cnt),
        grid=(B, NT),
        in_specs=[
            pl.BlockSpec((1, K, 3, TN), lambda b, n: (b, 0, 0, n)),
            const2((3, 1)),
            const2((3, 3)),
            const2((D, 3)),
            const2((D, 1)),
            const2((D, 1)),
            const2((D, D)),
        ],
        out_specs=[
            pl.BlockSpec((1, D, KP, TN), lambda b, n: (b, 0, 0, n)),
            pl.BlockSpec((1, D, TN), lambda b, n: (b, 0, n)),
            const2((D, 1)),
            const2((D, 1)),
        ],
        out_shape=[
            jax.ShapeDtypeStruct((B, D, KP, N), f32),
            jax.ShapeDtypeStruct((B, D, N), f32),
            jax.ShapeDtypeStruct((D, 1), f32),
            jax.ShapeDtypeStruct((D, 1), f32),
        ],
    )(rel, srel, srelsq, w0, g0c, be0c, w1)

    out = pl.pallas_call(
        functools.partial(_out_body, KP, cnt),
        grid=(B, NT),
        in_specs=[
            pl.BlockSpec((1, D, KP, TN), lambda b, n: (b, 0, 0, n)),
            pl.BlockSpec((1, D, TN), lambda b, n: (b, 0, n)),
            pl.BlockSpec((1, KP, TN, D), lambda b, n: (b * NT + n, 0, 0, 0)),
            const2((D, 1)),
            const2((D, 1)),
            const2((D, 1)),
            const2((D, 1)),
            const2((1, D)),
            const2((1, D)),
            const2((1, 1)),
        ],
        out_specs=pl.BlockSpec((1, D, TN), lambda b, n: (b, 0, n)),
        out_shape=jax.ShapeDtypeStruct((B, D, N), f32),
    )(y14, fg, patch, ssum1, ssq1, g1c, be1c, w2a, w2b, b2c)

    return out

# --- scband reference (transcript-rebuilt; emitter-appended) ---
"""Pipeline reference for scband-weight-layer-62852551410336 (READ-ONLY COPY).

The authoritative reference and input builder live on the scoring server;
editing this copy changes nothing except your own understanding.
"""

import jax, jax.numpy as jnp
import numpy as np

FEAT_DIM = 128
K = 16

def conv1x1(x, w, b):
    return jnp.einsum('oc,bcnk->bonk', w, x) + b.reshape(1, -1, 1, 1)

def batchnorm(x, gamma, beta, eps=1e-5):
    mean = jnp.mean(x, axis=(0, 2, 3), keepdims=True)
    var = jnp.var(x, axis=(0, 2, 3), keepdims=True)
    xn = (x - mean) / jnp.sqrt(var + eps)
    return xn * gamma.reshape(1, -1, 1, 1) + beta.reshape(1, -1, 1, 1)

def _forward(original_pts, query_pts, local_feat, w0, b0, g0, be0, w1, b1, g1, be1, w2, b2):
    k = K
    B, _, N = query_pts.shape
    # brute-force knn of query_pts into original_pts (squared euclidean)
    q2 = jnp.sum(query_pts ** 2, axis=1)            # (B, N)
    o2 = jnp.sum(original_pts ** 2, axis=1)         # (B, M)
    cross = jnp.einsum('bcn,bcm->bnm', query_pts, original_pts)
    dist = q2[:, :, None] - 2.0 * cross + o2[:, None, :]   # (B, N, M)
    _, knn_idx = jax.lax.top_k(-dist, k)            # (B, N, k)
    gather = jax.vmap(lambda pts, idx: pts[:, idx])  # (C, M), (N, k) -> (C, N, k)
    knn_pts = gather(original_pts, knn_idx)          # (B, 3, N, k)
    patch_feat = gather(local_feat, knn_idx)[:, :, :, : k // 4]  # (B, D, N, k//4)
    relative_pts = knn_pts - query_pts[:, :, :, None]
    feat0 = jax.nn.relu(batchnorm(conv1x1(relative_pts, w0, b0), g0, be0))
    feat_g = jnp.max(feat0, axis=3, keepdims=True)
    relative_feat = jax.nn.relu(batchnorm(conv1x1(feat0, w1, b1), g1, be1))[:, :, :, : k // 4]
    feat2 = jnp.concatenate([relative_feat, jnp.broadcast_to(feat_g, (B, FEAT_DIM, N, k // 4))], axis=1)
    weight = jax.nn.sigmoid(conv1x1(feat2, w2, b2))
    weight_d = 1.0 - weight
    query_feat = jnp.sum(weight_d * relative_feat + weight * patch_feat, axis=-1)
    return query_feat

def setup_inputs(seed: int = 0):
    key = jax.random.key(seed)
    ks = jax.random.split(key, 10)
    B, M, N, D = 4, 2048, 4096, FEAT_DIM
    return {
        'original_pts': jax.random.normal(ks[0], (B, 3, M), jnp.float32),
        'query_pts': jax.random.normal(ks[1], (B, 3, N), jnp.float32),
        'local_feat': jax.random.normal(ks[2], (B, D, M), jnp.float32),
        'w0': jax.random.normal(ks[3], (D, 3), jnp.float32) * 0.1,
        'b0': jnp.zeros((D,), jnp.float32),
        'g0': jnp.ones((D,), jnp.float32),
        'be0': jnp.zeros((D,), jnp.float32),
        'w1': jax.random.normal(ks[4], (D, D), jnp.float32) * 0.05,
        'b1': jnp.zeros((D,), jnp.float32),
        'g1': jnp.ones((D,), jnp.float32),
        'be1': jnp.zeros((D,), jnp.float32),
        'w2': jax.random.normal(ks[5], (1, 2 * D), jnp.float32) * 0.05,
        'b2': jnp.zeros((1,), jnp.float32),
    }

def reference(original_pts, query_pts, local_feat, w0, b0, g0, be0, w1, b1, g1, be1, w2, b2):
    return _forward(original_pts, query_pts, local_feat, w0, b0, g0, be0, w1, b1, g1, be1, w2, b2)

if __name__ == "__main__":
    import jax
    _d = setup_inputs()
    print(jax.jit(kernel)(*tuple(_d.values())))

</pallas_src>

<mosaic_0001>
#map = affine_map<(d0, d1) -> (0, 0)>
#map1 = affine_map<(d0, d1) -> (0)>
module attributes {stable_mosaic.version = 14 : i64} {
  func.func @k(%arg0: i32, %arg1: i32, %arg2: memref<8192x128xf32, #tpu.memory_space<hbm>>, %arg3: memref<65536xi32, #tpu.memory_space<hbm>>, %arg4: memref<65536x128xf32, #tpu.memory_space<hbm>>, %arg5: memref<128xi32, #tpu.memory_space<vmem>>, %arg6: memref<128x128xf32, #tpu.memory_space<vmem>>, %arg7: memref<!tpu.dma_semaphore, #tpu.memory_space<semaphore_mem>>) attributes {dimension_semantics = [#tpu.dimension_semantics<core_parallel>, #tpu.dimension_semantics<subcore_parallel>], iteration_bounds = array<i64: 2, 16>, scalar_prefetch = 0 : i64, scratch_operands = 3 : i64, tpu.core_type = #tpu.core_type<sc_vector_subcore>, window_params = [{transform_indices = #map}, {transform_indices = #map1}, {transform_indices = #map}]} {
    %mul3A = arith.constant 2 : i32
    %mul3A_0 = arith.muli %arg1, %mul3A : i32
    %add3A = arith.addi %mul3A_0, %arg0 : i32
    %mul3A_1 = arith.constant 2048 : i32
    %mul3A_2 = arith.muli %add3A, %mul3A_1 : i32
    %add3A_3 = arith.constant 0 : i32
    %add3A_4 = arith.addi %mul3A_2, %add3A_3 : i32
    "tpu.region"() ({
      %run_scoped3A = tpu.sem_alloc : memref<!tpu.dma_semaphore, #tpu.memory_space<semaphore_mem>>
      %dma_start3A_129 = tpu.memref_slice %arg3[%add3A_4] : memref<65536xi32, #tpu.memory_space<hbm>> -> memref<128xi32, #tpu.memory_space<hbm>>
      %dma_start3A_130 = tpu.memref_slice %arg3[%add3A_4] : memref<65536xi32, #tpu.memory_space<hbm>> -> memref<128xi32, #tpu.memory_space<hbm>>
      tpu.enqueue_dma source(%dma_start3A_130 : memref<128xi32, #tpu.memory_space<hbm>>) target(%arg5 : memref<128xi32, #tpu.memory_space<vmem>>) target_semaphore(%run_scoped3A : memref<!tpu.dma_semaphore, #tpu.memory_space<semaphore_mem>>)
      %dma_wait3A_131 = tpu.memref_slice %arg3[%add3A_4] : memref<65536xi32, #tpu.memory_space<hbm>> -> memref<128xi32, #tpu.memory_space<hbm>>
      %dma_wait3A_132 = tpu.memref_slice %arg3[%add3A_4] : memref<65536xi32, #tpu.memory_space<hbm>> -> memref<128xi32, #tpu.memory_space<hbm>>
      tpu.wait_dma2 semaphore(%run_scoped3A : memref<!tpu.dma_semaphore, #tpu.memory_space<semaphore_mem>>) src(%dma_wait3A_132 : memref<128xi32, #tpu.memory_space<hbm>>) dst(%arg5 : memref<128xi32, #tpu.memory_space<vmem>>)
      tpu.yield
    }) : () -> ()
    %dma_start3A = arith.constant 0 : i32
    %dma_start3A_5 = arith.constant 0 : i32
    %dma_start3A_6 = tpu.memref_slice %arg2[%dma_start3A, %dma_start3A_5] : memref<8192x128xf32, #tpu.memory_space<hbm>> -> memref<8192x128xf32, #tpu.memory_space<hbm>>
    tpu.enqueue_indirect_dma source(%dma_start3A_6 : memref<8192x128xf32, #tpu.memory_space<hbm>>) target(%arg6 : memref<128x128xf32, #tpu.memory_space<vmem>>) offsets(%arg5 : memref<128xi32, #tpu.memory_space<vmem>>) semaphore(%arg7 : memref<!tpu.dma_semaphore, #tpu.memory_space<semaphore_mem>>)
    %dma_wait3A = arith.constant 0 : i32
    %dma_wait3A_7 = arith.constant 0 : i32
    %dma_wait3A_8 = tpu.memref_slice %arg2[%dma_wait3A, %dma_wait3A_7] : memref<8192x128xf32, #tpu.memory_space<hbm>> -> memref<8192x128xf32, #tpu.memory_space<hbm>>
    tpu.wait_indirect_dma semaphore(%arg7 : memref<!tpu.dma_semaphore, #tpu.memory_space<semaphore_mem>>) src(%dma_wait3A_8 : memref<8192x128xf32, #tpu.memory_space<hbm>>) dst(%arg6 : memref<128x128xf32, #tpu.memory_space<vmem>>)
    "tpu.region"() ({
      %run_scoped3A = tpu.sem_alloc : memref<!tpu.dma_semaphore, #tpu.memory_space<semaphore_mem>>
      %dma_start3A_129 = arith.constant 0 : i32
      %dma_start3A_130 = tpu.memref_slice %arg4[%add3A_4, %dma_start3A_129] : memref<65536x128xf32, #tpu.memory_space<hbm>> -> memref<128x128xf32, #tpu.memory_space<hbm>>
      %dma_start3A_131 = arith.constant 0 : i32
      %dma_start3A_132 = tpu.memref_slice %arg4[%add3A_4, %dma_start3A_131] : memref<65536x128xf32, #tpu.memory_space<hbm>> -> memref<128x128xf32, #tpu.memory_space<hbm>>
      tpu.enqueue_dma source(%arg6 : memref<128x128xf32, #tpu.memory_space<vmem>>) target(%dma_start3A_132 : memref<128x128xf32, #tpu.memory_space<hbm>>) target_semaphore(%run_scoped3A : memref<!tpu.dma_semaphore, #tpu.memory_space<semaphore_mem>>)
      %dma_wait3A_133 = arith.constant 0 : i32
      %dma_wait3A_134 = tpu.memref_slice %arg4[%add3A_4, %dma_wait3A_133] : memref<65536x128xf32, #tpu.memory_space<hbm>> -> memref<128x128xf32, #tpu.memory_space<hbm>>
      %dma_wait3A_135 = arith.constant 0 : i32
      %dma_wait3A_136 = tpu.memref_slice %arg4[%add3A_4, %dma_wait3A_135] : memref<65536x128xf32, #tpu.memory_space<hbm>> -> memref<128x128xf32, #tpu.memory_space<hbm>>
      tpu.wait_dma2 semaphore(%run_scoped3A : memref<!tpu.dma_semaphore, #tpu.memory_space<semaphore_mem>>) src(%arg6 : memref<128x128xf32, #tpu.memory_space<vmem>>) dst(%dma_wait3A_136 : memref<128x128xf32, #tpu.memory_space<hbm>>)
      tpu.yield
    }) : () -> ()
    %add3A_9 = arith.constant 128 : i32
    %add3A_10 = arith.addi %mul3A_2, %add3A_9 : i32
    "tpu.region"() ({
      %run_scoped3A = tpu.sem_alloc : memref<!tpu.dma_semaphore, #tpu.memory_space<semaphore_mem>>
      %dma_start3A_129 = tpu.memref_slice %arg3[%add3A_10] : memref<65536xi32, #tpu.memory_space<hbm>> -> memref<128xi32, #tpu.memory_space<hbm>>
      %dma_start3A_130 = tpu.memref_slice %arg3[%add3A_10] : memref<65536xi32, #tpu.memory_space<hbm>> -> memref<128xi32, #tpu.memory_space<hbm>>
      tpu.enqueue_dma source(%dma_start3A_130 : memref<128xi32, #tpu.memory_space<hbm>>) target(%arg5 : memref<128xi32, #tpu.memory_space<vmem>>) target_semaphore(%run_scoped3A : memref<!tpu.dma_semaphore, #tpu.memory_space<semaphore_mem>>)
      %dma_wait3A_131 = tpu.memref_slice %arg3[%add3A_10] : memref<65536xi32, #tpu.memory_space<hbm>> -> memref<128xi32, #tpu.memory_space<hbm>>
      %dma_wait3A_132 = tpu.memref_slice %arg3[%add3A_10] : memref<65536xi32, #tpu.memory_space<hbm>> -> memref<128xi32, #tpu.memory_space<hbm>>
      tpu.wait_dma2 semaphore(%run_scoped3A : memref<!tpu.dma_semaphore, #tpu.memory_space<semaphore_mem>>) src(%dma_wait3A_132 : memref<128xi32, #tpu.memory_space<hbm>>) dst(%arg5 : memref<128xi32, #tpu.memory_space<vmem>>)
      tpu.yield
    }) : () -> ()
    %dma_start3A_11 = arith.constant 0 : i32
    %dma_start3A_12 = arith.constant 0 : i32
    %dma_start3A_13 = tpu.memref_slice %arg2[%dma_start3A_11, %dma_start3A_12] : memref<8192x128xf32, #tpu.memory_space<hbm>> -> memref<8192x128xf32, #tpu.memory_space<hbm>>
    tpu.enqueue_indirect_dma source(%dma_start3A_13 : memref<8192x128xf32, #tpu.memory_space<hbm>>) target(%arg6 : memref<128x128xf32, #tpu.memory_space<vmem>>) offsets(%arg5 : memref<128xi32, #tpu.memory_space<vmem>>) semaphore(%arg7 : memref<!tpu.dma_semaphore, #tpu.memory_space<semaphore_mem>>)
    %dma_wait3A_14 = arith.constant 0 : i32
    %dma_wait3A_15 = arith.constant 0 : i32
    %dma_wait3A_16 = tpu.memref_slice %arg2[%dma_wait3A_14, %dma_wait3A_15] : memref<8192x128xf32, #tpu.memory_space<hbm>> -> memref<8192x128xf32, #tpu.memory_space<hbm>>
    tpu.wait_indirect_dma semaphore(%arg7 : memref<!tpu.dma_semaphore, #tpu.memory_space<semaphore_mem>>) src(%dma_wait3A_16 : memref<8192x128xf32, #tpu.memory_space<hbm>>) dst(%arg6 : memref<128x128xf32, #tpu.memory_space<vmem>>)
    "tpu.region"() ({
      %run_scoped3A = tpu.sem_alloc : memref<!tpu.dma_semaphore, #tpu.memory_space<semaphore_mem>>
      %dma_start3A_129 = arith.constant 0 : i32
      %dma_start3A_130 = tpu.memref_slice %arg4[%add3A_10, %dma_start3A_129] : memref<65536x128xf32, #tpu.memory_space<hbm>> -> memref<128x128xf32, #tpu.memory_space<hbm>>
      %dma_start3A_131 = arith.constant 0 : i32
      %dma_start3A_132 = tpu.memref_slice %arg4[%add3A_10, %dma_start3A_131] : memref<65536x128xf32, #tpu.memory_space<hbm>> -> memref<128x128xf32, #tpu.memory_space<hbm>>
      tpu.enqueue_dma source(%arg6 : memref<128x128xf32, #tpu.memory_space<vmem>>) target(%dma_start3A_132 : memref<128x128xf32, #tpu.memory_space<hbm>>) target_semaphore(%run_scoped3A : memref<!tpu.dma_semaphore, #tpu.memory_space<semaphore_mem>>)
      %dma_wait3A_133 = arith.constant 0 : i32
      %dma_wait3A_134 = tpu.memref_slice %arg4[%add3A_10, %dma_wait3A_133] : memref<65536x128xf32, #tpu.memory_space<hbm>> -> memref<128x128xf32, #tpu.memory_space<hbm>>
      %dma_wait3A_135 = arith.constant 0 : i32
      %dma_wait3A_136 = tpu.memref_slice %arg4[%add3A_10, %dma_wait3A_135] : memref<65536x128xf32, #tpu.memory_space<hbm>> -> memref<128x128xf32, #tpu.memory_space<hbm>>
      tpu.wait_dma2 semaphore(%run_scoped3A : memref<!tpu.dma_semaphore, #tpu.memory_space<semaphore_mem>>) src(%arg6 : memref<128x128xf32, #tpu.memory_space<vmem>>) dst(%dma_wait3A_136 : memref<128x128xf32, #tpu.memory_space<hbm>>)
      tpu.yield
    }) : () -> ()
    %add3A_17 = arith.constant 256 : i32
    %add3A_18 = arith.addi %mul3A_2, %add3A_17 : i32
    "tpu.region"() ({
      %run_scoped3A = tpu.sem_alloc : memref<!tpu.dma_semaphore, #tpu.memory_space<semaphore_mem>>
      %dma_start3A_129 = tpu.memref_slice %arg3[%add3A_18] : memref<65536xi32, #tpu.memory_space<hbm>> -> memref<128xi32, #tpu.memory_space<hbm>>
      %dma_start3A_130 = tpu.memref_slice %arg3[%add3A_18] : memref<65536xi32, #tpu.memory_space<hbm>> -> memref<128xi32, #tpu.memory_space<hbm>>
      tpu.enqueue_dma source(%dma_start3A_130 : memref<128xi32, #tpu.memory_space<hbm>>) target(%arg5 : memref<128xi32, #tpu.memory_space<vmem>>) target_semaphore(%run_scoped3A : memref<!tpu.dma_semaphore, #tpu.memory_space<semaphore_mem>>)
      %dma_wait3A_131 = tpu.memref_slice %arg3[%add3A_18] : memref<65536xi32, #tpu.memory_space<hbm>> -> memref<128xi32, #tpu.memory_space<hbm>>
      %dma_wait3A_132 = tpu.memref_slice %arg3[%add3A_18] : memref<65536xi32, #tpu.memory_space<hbm>> -> memref<128xi32, #tpu.memory_space<hbm>>
      tpu.wait_dma2 semaphore(%run_scoped3A : memref<!tpu.dma_semaphore, #tpu.memory_space<semaphore_mem>>) src(%dma_wait3A_132 : memref<128xi32, #tpu.memory_space<hbm>>) dst(%arg5 : memref<128xi32, #tpu.memory_space<vmem>>)
      tpu.yield
    }) : () -> ()
    %dma_start3A_19 = arith.constant 0 : i32
    %dma_start3A_20 = arith.constant 0 : i32
    %dma_start3A_21 = tpu.memref_slice %arg2[%dma_start3A_19, %dma_start3A_20] : memref<8192x128xf32, #tpu.memory_space<hbm>> -> memref<8192x128xf32, #tpu.memory_space<hbm>>
    tpu.enqueue_indirect_dma source(%dma_start3A_21 : memref<8192x128xf32, #tpu.memory_space<hbm>>) target(%arg6 : memref<128x128xf32, #tpu.memory_space<vmem>>) offsets(%arg5 : memref<128xi32, #tpu.memory_space<vmem>>) semaphore(%arg7 : memref<!tpu.dma_semaphore, #tpu.memory_space<semaphore_mem>>)
    %dma_wait3A_22 = arith.constant 0 : i32
    %dma_wait3A_23 = arith.constant 0 : i32
    %dma_wait3A_24 = tpu.memref_slice %arg2[%dma_wait3A_22, %dma_wait3A_23] : memref<8192x128xf32, #tpu.memory_space<hbm>> -> memref<8192x128xf32, #tpu.memory_space<hbm>>
    tpu.wait_indirect_dma semaphore(%arg7 : memref<!tpu.dma_semaphore, #tpu.memory_space<semaphore_mem>>) src(%dma_wait3A_24 : memref<8192x128xf32, #tpu.memory_space<hbm>>) dst(%arg6 : memref<128x128xf32, #tpu.memory_space<vmem>>)
    "tpu.region"() ({
      %run_scoped3A = tpu.sem_alloc : memref<!tpu.dma_semaphore, #tpu.memory_space<semaphore_mem>>
      %dma_start3A_129 = arith.constant 0 : i32
      %dma_start3A_130 = tpu.memref_slice %arg4[%add3A_18, %dma_start3A_129] : memref<65536x128xf32, #tpu.memory_space<hbm>> -> memref<128x128xf32, #tpu.memory_space<hbm>>
      %dma_start3A_131 = arith.constant 0 : i32
      %dma_start3A_132 = tpu.memref_slice %arg4[%add3A_18, %dma_start3A_131] : memref<65536x128xf32, #tpu.memory_space<hbm>> -> memref<128x128xf32, #tpu.memory_space<hbm>>
      tpu.enqueue_dma source(%arg6 : memref<128x128xf32, #tpu.memory_space<vmem>>) target(%dma_start3A_132 : memref<128x128xf32, #tpu.memory_space<hbm>>) target_semaphore(%run_scoped3A : memref<!tpu.dma_semaphore, #tpu.memory_space<semaphore_mem>>)
      %dma_wait3A_133 = arith.constant 0 : i32
      %dma_wait3A_134 = tpu.memref_slice %arg4[%add3A_18, %dma_wait3A_133] : memref<65536x128xf32, #tpu.memory_space<hbm>> -> memref<128x128xf32, #tpu.memory_space<hbm>>
      %dma_wait3A_135 = arith.constant 0 : i32
      %dma_wait3A_136 = tpu.memref_slice %arg4[%add3A_18, %dma_wait3A_135] : memref<65536x128xf32, #tpu.memory_space<hbm>> -> memref<128x128xf32, #tpu.memory_space<hbm>>
      tpu.wait_dma2 semaphore(%run_scoped3A : memref<!tpu.dma_semaphore, #tpu.memory_space<semaphore_mem>>) src(%arg6 : memref<128x128xf32, #tpu.memory_space<vmem>>) dst(%dma_wait3A_136 : memref<128x128xf32, #tpu.memory_space<hbm>>)
      tpu.yield
    }) : () -> ()
    %add3A_25 = arith.constant 384 : i32
    %add3A_26 = arith.addi %mul3A_2, %add3A_25 : i32
    "tpu.region"() ({
      %run_scoped3A = tpu.sem_alloc : memref<!tpu.dma_semaphore, #tpu.memory_space<semaphore_mem>>
      %dma_start3A_129 = tpu.memref_slice %arg3[%add3A_26] : memref<65536xi32, #tpu.memory_space<hbm>> -> memref<128xi32, #tpu.memory_space<hbm>>
      %dma_start3A_130 = tpu.memref_slice %arg3[%add3A_26] : memref<65536xi32, #tpu.memory_space<hbm>> -> memref<128xi32, #tpu.memory_space<hbm>>
      tpu.enqueue_dma source(%dma_start3A_130 : memref<128xi32, #tpu.memory_space<hbm>>) target(%arg5 : memref<128xi32, #tpu.memory_space<vmem>>) target_semaphore(%run_scoped3A : memref<!tpu.dma_semaphore, #tpu.memory_space<semaphore_mem>>)
      %dma_wait3A_131 = tpu.memref_slice %arg3[%add3A_26] : memref<65536xi32, #tpu.memory_space<hbm>> -> memref<128xi32, #tpu.memory_space<hbm>>
      %dma_wait3A_132 = tpu.memref_slice %arg3[%add3A_26] : memref<65536xi32, #tpu.memory_space<hbm>> -> memref<128xi32, #tpu.memory_space<hbm>>
      tpu.wait_dma2 semaphore(%run_scoped3A : memref<!tpu.dma_semaphore, #tpu.memory_space<semaphore_mem>>) src(%dma_wait3A_132 : memref<128xi32, #tpu.memory_space<hbm>>) dst(%arg5 : memref<128xi32, #tpu.memory_space<vmem>>)
      tpu.yield
    }) : () -> ()
    %dma_start3A_27 = arith.constant 0 : i32
    %dma_start3A_28 = arith.constant 0 : i32
    %dma_start3A_29 = tpu.memref_slice %arg2[%dma_start3A_27, %dma_start3A_28] : memref<8192x128xf32, #tpu.memory_space<hbm>> -> memref<8192x128xf32, #tpu.memory_space<hbm>>
    tpu.enqueue_indirect_dma source(%dma_start3A_29 : memref<8192x128xf32, #tpu.memory_space<hbm>>) target(%arg6 : memref<128x128xf32, #tpu.memory_space<vmem>>) offsets(%arg5 : memref<128xi32, #tpu.memory_space<vmem>>) semaphore(%arg7 : memref<!tpu.dma_semaphore, #tpu.memory_space<semaphore_mem>>)
    %dma_wait3A_30 = arith.constant 0 : i32
    %dma_wait3A_31 = arith.constant 0 : i32
    %dma_wait3A_32 = tpu.memref_slice %arg2[%dma_wait3A_30, %dma_wait3A_31] : memref<8192x128xf32, #tpu.memory_space<hbm>> -> memref<8192x128xf32, #tpu.memory_space<hbm>>
    tpu.wait_indirect_dma semaphore(%arg7 : memref<!tpu.dma_semaphore, #tpu.memory_space<semaphore_mem>>) src(%dma_wait3A_32 : memref<8192x128xf32, #tpu.memory_space<hbm>>) dst(%arg6 : memref<128x128xf32, #tpu.memory_space<vmem>>)
    "tpu.region"() ({
      %run_scoped3A = tpu.sem_alloc : memref<!tpu.dma_semaphore, #tpu.memory_space<semaphore_mem>>
      %dma_start3A_129 = arith.constant 0 : i32
      %dma_start3A_130 = tpu.memref_slice %arg4[%add3A_26, %dma_start3A_129] : memref<65536x128xf32, #tpu.memory_space<hbm>> -> memref<128x128xf32, #tpu.memory_space<hbm>>
      %dma_start3A_131 = arith.constant 0 : i32
      %dma_start3A_132 = tpu.memref_slice %arg4[%add3A_26, %dma_start3A_131] : memref<65536x128xf32, #tpu.memory_space<hbm>> -> memref<128x128xf32, #tpu.memory_space<hbm>>
      tpu.enqueue_dma source(%arg6 : memref<128x128xf32, #tpu.memory_space<vmem>>) target(%dma_start3A_132 : memref<128x128xf32, #tpu.memory_space<hbm>>) target_semaphore(%run_scoped3A : memref<!tpu.dma_semaphore, #tpu.memory_space<semaphore_mem>>)
      %dma_wait3A_133 = arith.constant 0 : i32
      %dma_wait3A_134 = tpu.memref_slice %arg4[%add3A_26, %dma_wait3A_133] : memref<65536x128xf32, #tpu.memory_space<hbm>> -> memref<128x128xf32, #tpu.memory_space<hbm>>
      %dma_wait3A_135 = arith.constant 0 : i32
      %dma_wait3A_136 = tpu.memref_slice %arg4[%add3A_26, %dma_wait3A_135] : memref<65536x128xf32, #tpu.memory_space<hbm>> -> memref<128x128xf32, #tpu.memory_space<hbm>>
      tpu.wait_dma2 semaphore(%run_scoped3A : memref<!tpu.dma_semaphore, #tpu.memory_space<semaphore_mem>>) src(%arg6 : memref<128x128xf32, #tpu.memory_space<vmem>>) dst(%dma_wait3A_136 : memref<128x128xf32, #tpu.memory_space<hbm>>)
      tpu.yield
    }) : () -> ()
    %add3A_33 = arith.constant 512 : i32
    %add3A_34 = arith.addi %mul3A_2, %add3A_33 : i32
    "tpu.region"() ({
      %run_scoped3A = tpu.sem_alloc : memref<!tpu.dma_semaphore, #tpu.memory_space<semaphore_mem>>
      %dma_start3A_129 = tpu.memref_slice %arg3[%add3A_34] : memref<65536xi32, #tpu.memory_space<hbm>> -> memref<128xi32, #tpu.memory_space<hbm>>
      %dma_start3A_130 = tpu.memref_slice %arg3[%add3A_34] : memref<65536xi32, #tpu.memory_space<hbm>> -> memref<128xi32, #tpu.memory_space<hbm>>
      tpu.enqueue_dma source(%dma_start3A_130 : memref<128xi32, #tpu.memory_space<hbm>>) target(%arg5 : memref<128xi32, #tpu.memory_space<vmem>>) target_semaphore(%run_scoped3A : memref<!tpu.dma_semaphore, #tpu.memory_space<semaphore_mem>>)
      %dma_wait3A_131 = tpu.memref_slice %arg3[%add3A_34] : memref<65536xi32, #tpu.memory_space<hbm>> -> memref<128xi32, #tpu.memory_space<hbm>>
      %dma_wait3A_132 = tpu.memref_slice %arg3[%add3A_34] : memref<65536xi32, #tpu.memory_space<hbm>> -> memref<128xi32, #tpu.memory_space<hbm>>
      tpu.wait_dma2 semaphore(%run_scoped3A : memref<!tpu.dma_semaphore, #tpu.memory_space<semaphore_mem>>) src(%dma_wait3A_132 : memref<128xi32, #tpu.memory_space<hbm>>) dst(%arg5 : memref<128xi32, #tpu.memory_space<vmem>>)
      tpu.yield
    }) : () -> ()
    %dma_start3A_35 = arith.constant 0 : i32
    %dma_start3A_36 = arith.constant 0 : i32
    %dma_start3A_37 = tpu.memref_slice %arg2[%dma_start3A_35, %dma_start3A_36] : memref<8192x128xf32, #tpu.memory_space<hbm>> -> memref<8192x128xf32, #tpu.memory_space<hbm>>
    tpu.enqueue_indirect_dma source(%dma_start3A_37 : memref<8192x128xf32, #tpu.memory_space<hbm>>) target(%arg6 : memref<128x128xf32, #tpu.memory_space<vmem>>) offsets(%arg5 : memref<128xi32, #tpu.memory_space<vmem>>) semaphore(%arg7 : memref<!tpu.dma_semaphore, #tpu.memory_space<semaphore_mem>>)
    %dma_wait3A_38 = arith.constant 0 : i32
    %dma_wait3A_39 = arith.constant 0 : i32
    %dma_wait3A_40 = tpu.memref_slice %arg2[%dma_wait3A_38, %dma_wait3A_39] : memref<8192x128xf32, #tpu.memory_space<hbm>> -> memref<8192x128xf32, #tpu.memory_space<hbm>>
    tpu.wait_indirect_dma semaphore(%arg7 : memref<!tpu.dma_semaphore, #tpu.memory_space<semaphore_mem>>) src(%dma_wait3A_40 : memref<8192x128xf32, #tpu.memory_space<hbm>>) dst(%arg6 : memref<128x128xf32, #tpu.memory_space<vmem>>)
    "tpu.region"() ({
      %run_scoped3A = tpu.sem_alloc : memref<!tpu.dma_semaphore, #tpu.memory_space<semaphore_mem>>
      %dma_start3A_129 = arith.constant 0 : i32
      %dma_start3A_130 = tpu.memref_slice %arg4[%add3A_34, %dma_start3A_129] : memref<65536x128xf32, #tpu.memory_space<hbm>> -> memref<128x128xf32, #tpu.memory_space<hbm>>
      %dma_start3A_131 = arith.constant 0 : i32
      %dma_start3A_132 = tpu.memref_slice %arg4[%add3A_34, %dma_start3A_131] : memref<65536x128xf32, #tpu.memory_space<hbm>> -> memref<128x128xf32, #tpu.memory_space<hbm>>
      tpu.enqueue_dma source(%arg6 : memref<128x128xf32, #tpu.memory_space<vmem>>) target(%dma_start3A_132 : memref<128x128xf32, #tpu.memory_space<hbm>>) target_semaphore(%run_scoped3A : memref<!tpu.dma_semaphore, #tpu.memory_space<semaphore_mem>>)
      %dma_wait3A_133 = arith.constant 0 : i32
      %dma_wait3A_134 = tpu.memref_slice %arg4[%add3A_34, %dma_wait3A_133] : memref<65536x128xf32, #tpu.memory_space<hbm>> -> memref<128x128xf32, #tpu.memory_space<hbm>>
      %dma_wait3A_135 = arith.constant 0 : i32
      %dma_wait3A_136 = tpu.memref_slice %arg4[%add3A_34, %dma_wait3A_135] : memref<65536x128xf32, #tpu.memory_space<hbm>> -> memref<128x128xf32, #tpu.memory_space<hbm>>
      tpu.wait_dma2 semaphore(%run_scoped3A : memref<!tpu.dma_semaphore, #tpu.memory_space<semaphore_mem>>) src(%arg6 : memref<128x128xf32, #tpu.memory_space<vmem>>) dst(%dma_wait3A_136 : memref<128x128xf32, #tpu.memory_space<hbm>>)
      tpu.yield
    }) : () -> ()
    %add3A_41 = arith.constant 640 : i32
    %add3A_42 = arith.addi %mul3A_2, %add3A_41 : i32
    "tpu.region"() ({
      %run_scoped3A = tpu.sem_alloc : memref<!tpu.dma_semaphore, #tpu.memory_space<semaphore_mem>>
      %dma_start3A_129 = tpu.memref_slice %arg3[%add3A_42] : memref<65536xi32, #tpu.memory_space<hbm>> -> memref<128xi32, #tpu.memory_space<hbm>>
      %dma_start3A_130 = tpu.memref_slice %arg3[%add3A_42] : memref<65536xi32, #tpu.memory_space<hbm>> -> memref<128xi32, #tpu.memory_space<hbm>>
      tpu.enqueue_dma source(%dma_start3A_130 : memref<128xi32, #tpu.memory_space<hbm>>) target(%arg5 : memref<128xi32, #tpu.memory_space<vmem>>) target_semaphore(%run_scoped3A : memref<!tpu.dma_semaphore, #tpu.memory_space<semaphore_mem>>)
      %dma_wait3A_131 = tpu.memref_slice %arg3[%add3A_42] : memref<65536xi32, #tpu.memory_space<hbm>> -> memref<128xi32, #tpu.memory_space<hbm>>
      %dma_wait3A_132 = tpu.memref_slice %arg3[%add3A_42] : memref<65536xi32, #tpu.memory_space<hbm>> -> memref<128xi32, #tpu.memory_space<hbm>>
      tpu.wait_dma2 semaphore(%run_scoped3A : memref<!tpu.dma_semaphore, #tpu.memory_space<semaphore_mem>>) src(%dma_wait3A_132 : memref<128xi32, #tpu.memory_space<hbm>>) dst(%arg5 : memref<128xi32, #tpu.memory_space<vmem>>)
      tpu.yield
    }) : () -> ()
    %dma_start3A_43 = arith.constant 0 : i32
    %dma_start3A_44 = arith.constant 0 : i32
    %dma_start3A_45 = tpu.memref_slice %arg2[%dma_start3A_43, %dma_start3A_44] : memref<8192x128xf32, #tpu.memory_space<hbm>> -> memref<8192x128xf32, #tpu.memory_space<hbm>>
    tpu.enqueue_indirect_dma source(%dma_start3A_45 : memref<8192x128xf32, #tpu.memory_space<hbm>>) target(%arg6 : memref<128x128xf32, #tpu.memory_space<vmem>>) offsets(%arg5 : memref<128xi32, #tpu.memory_space<vmem>>) semaphore(%arg7 : memref<!tpu.dma_semaphore, #tpu.memory_space<semaphore_mem>>)
    %dma_wait3A_46 = arith.constant 0 : i32
    %dma_wait3A_47 = arith.constant 0 : i32
    %dma_wait3A_48 = tpu.memref_slice %arg2[%dma_wait3A_46, %dma_wait3A_47] : memref<8192x128xf32, #tpu.memory_space<hbm>> -> memref<8192x128xf32, #tpu.memory_space<hbm>>
    tpu.wait_indirect_dma semaphore(%arg7 : memref<!tpu.dma_semaphore, #tpu.memory_space<semaphore_mem>>) src(%dma_wait3A_48 : memref<8192x128xf32, #tpu.memory_space<hbm>>) dst(%arg6 : memref<128x128xf32, #tpu.memory_space<vmem>>)
    "tpu.region"() ({
      %run_scoped3A = tpu.sem_alloc : memref<!tpu.dma_semaphore, #tpu.memory_space<semaphore_mem>>
      %dma_start3A_129 = arith.constant 0 : i32
      %dma_start3A_130 = tpu.memref_slice %arg4[%add3A_42, %dma_start3A_129] : memref<65536x128xf32, #tpu.memory_space<hbm>> -> memref<128x128xf32, #tpu.memory_space<hbm>>
      %dma_start3A_131 = arith.constant 0 : i32
      %dma_start3A_132 = tpu.memref_slice %arg4[%add3A_42, %dma_start3A_131] : memref<65536x128xf32, #tpu.memory_space<hbm>> -> memref<128x128xf32, #tpu.memory_space<hbm>>
      tpu.enqueue_dma source(%arg6 : memref<128x128xf32, #tpu.memory_space<vmem>>) target(%dma_start3A_132 : memref<128x128xf32, #tpu.memory_space<hbm>>) target_semaphore(%run_scoped3A : memref<!tpu.dma_semaphore, #tpu.memory_space<semaphore_mem>>)
      %dma_wait3A_133 = arith.constant 0 : i32
      %dma_wait3A_134 = tpu.memref_slice %arg4[%add3A_42, %dma_wait3A_133] : memref<65536x128xf32, #tpu.memory_space<hbm>> -> memref<128x128xf32, #tpu.memory_space<hbm>>
      %dma_wait3A_135 = arith.constant 0 : i32
      %dma_wait3A_136 = tpu.memref_slice %arg4[%add3A_42, %dma_wait3A_135] : memref<65536x128xf32, #tpu.memory_space<hbm>> -> memref<128x128xf32, #tpu.memory_space<hbm>>
      tpu.wait_dma2 semaphore(%run_scoped3A : memref<!tpu.dma_semaphore, #tpu.memory_space<semaphore_mem>>) src(%arg6 : memref<128x128xf32, #tpu.memory_space<vmem>>) dst(%dma_wait3A_136 : memref<128x128xf32, #tpu.memory_space<hbm>>)
      tpu.yield
    }) : () -> ()
    %add3A_49 = arith.constant 768 : i32
    %add3A_50 = arith.addi %mul3A_2, %add3A_49 : i32
    "tpu.region"() ({
      %run_scoped3A = tpu.sem_alloc : memref<!tpu.dma_semaphore, #tpu.memory_space<semaphore_mem>>
      %dma_start3A_129 = tpu.memref_slice %arg3[%add3A_50] : memref<65536xi32, #tpu.memory_space<hbm>> -> memref<128xi32, #tpu.memory_space<hbm>>
      %dma_start3A_130 = tpu.memref_slice %arg3[%add3A_50] : memref<65536xi32, #tpu.memory_space<hbm>> -> memref<128xi32, #tpu.memory_space<hbm>>
      tpu.enqueue_dma source(%dma_start3A_130 : memref<128xi32, #tpu.memory_space<hbm>>) target(%arg5 : memref<128xi32, #tpu.memory_space<vmem>>) target_semaphore(%run_scoped3A : memref<!tpu.dma_semaphore, #tpu.memory_space<semaphore_mem>>)
      %dma_wait3A_131 = tpu.memref_slice %arg3[%add3A_50] : memref<65536xi32, #tpu.memory_space<hbm>> -> memref<128xi32, #tpu.memory_space<hbm>>
      %dma_wait3A_132 = tpu.memref_slice %arg3[%add3A_50] : memref<65536xi32, #tpu.memory_space<hbm>> -> memref<128xi32, #tpu.memory_space<hbm>>
      tpu.wait_dma2 semaphore(%run_scoped3A : memref<!tpu.dma_semaphore, #tpu.memory_space<semaphore_mem>>) src(%dma_wait3A_132 : memref<128xi32, #tpu.memory_space<hbm>>) dst(%arg5 : memref<128xi32, #tpu.memory_space<vmem>>)
      tpu.yield
    }) : () -> ()
    %dma_start3A_51 = arith.constant 0 : i32
    %dma_start3A_52 = arith.constant 0 : i32
    %dma_start3A_53 = tpu.memref_slice %arg2[%dma_start3A_51, %dma_start3A_52] : memref<8192x128xf32, #tpu.memory_space<hbm>> -> memref<8192x128xf32, #tpu.memory_space<hbm>>
    tpu.enqueue_indirect_dma source(%dma_start3A_53 : memref<8192x128xf32, #tpu.memory_space<hbm>>) target(%arg6 : memref<128x128xf32, #tpu.memory_space<vmem>>) offsets(%arg5 : memref<128xi32, #tpu.memory_space<vmem>>) semaphore(%arg7 : memref<!tpu.dma_semaphore, #tpu.memory_space<semaphore_mem>>)
    %dma_wait3A_54 = arith.constant 0 : i32
    %dma_wait3A_55 = arith.constant 0 : i32
    %dma_wait3A_56 = tpu.memref_slice %arg2[%dma_wait3A_54, %dma_wait3A_55] : memref<8192x128xf32, #tpu.memory_space<hbm>> -> memref<8192x128xf32, #tpu.memory_space<hbm>>
    tpu.wait_indirect_dma semaphore(%arg7 : memref<!tpu.dma_semaphore, #tpu.memory_space<semaphore_mem>>) src(%dma_wait3A_56 : memref<8192x128xf32, #tpu.memory_space<hbm>>) dst(%arg6 : memref<128x128xf32, #tpu.memory_space<vmem>>)
    "tpu.region"() ({
      %run_scoped3A = tpu.sem_alloc : memref<!tpu.dma_semaphore, #tpu.memory_space<semaphore_mem>>
      %dma_start3A_129 = arith.constant 0 : i32
      %dma_start3A_130 = tpu.memref_slice %arg4[%add3A_50, %dma_start3A_129] : memref<65536x128xf32, #tpu.memory_space<hbm>> -> memref<128x128xf32, #tpu.memory_space<hbm>>
      %dma_start3A_131 = arith.constant 0 : i32
      %dma_start3A_132 = tpu.memref_slice %arg4[%add3A_50, %dma_start3A_131] : memref<65536x128xf32, #tpu.memory_space<hbm>> -> memref<128x128xf32, #tpu.memory_space<hbm>>
      tpu.enqueue_dma source(%arg6 : memref<128x128xf32, #tpu.memory_space<vmem>>) target(%dma_start3A_132 : memref<128x128xf32, #tpu.memory_space<hbm>>) target_semaphore(%run_scoped3A : memref<!tpu.dma_semaphore, #tpu.memory_space<semaphore_mem>>)
      %dma_wait3A_133 = arith.constant 0 : i32
      %dma_wait3A_134 = tpu.memref_slice %arg4[%add3A_50, %dma_wait3A_133] : memref<65536x128xf32, #tpu.memory_space<hbm>> -> memref<128x128xf32, #tpu.memory_space<hbm>>
      %dma_wait3A_135 = arith.constant 0 : i32
      %dma_wait3A_136 = tpu.memref_slice %arg4[%add3A_50, %dma_wait3A_135] : memref<65536x128xf32, #tpu.memory_space<hbm>> -> memref<128x128xf32, #tpu.memory_space<hbm>>
      tpu.wait_dma2 semaphore(%run_scoped3A : memref<!tpu.dma_semaphore, #tpu.memory_space<semaphore_mem>>) src(%arg6 : memref<128x128xf32, #tpu.memory_space<vmem>>) dst(%dma_wait3A_136 : memref<128x128xf32, #tpu.memory_space<hbm>>)
      tpu.yield
    }) : () -> ()
    %add3A_57 = arith.constant 896 : i32
    %add3A_58 = arith.addi %mul3A_2, %add3A_57 : i32
    "tpu.region"() ({
      %run_scoped3A = tpu.sem_alloc : memref<!tpu.dma_semaphore, #tpu.memory_space<semaphore_mem>>
      %dma_start3A_129 = tpu.memref_slice %arg3[%add3A_58] : memref<65536xi32, #tpu.memory_space<hbm>> -> memref<128xi32, #tpu.memory_space<hbm>>
      %dma_start3A_130 = tpu.memref_slice %arg3[%add3A_58] : memref<65536xi32, #tpu.memory_space<hbm>> -> memref<128xi32, #tpu.memory_space<hbm>>
      tpu.enqueue_dma source(%dma_start3A_130 : memref<128xi32, #tpu.memory_space<hbm>>) target(%arg5 : memref<128xi32, #tpu.memory_space<vmem>>) target_semaphore(%run_scoped3A : memref<!tpu.dma_semaphore, #tpu.memory_space<semaphore_mem>>)
      %dma_wait3A_131 = tpu.memref_slice %arg3[%add3A_58] : memref<65536xi32, #tpu.memory_space<hbm>> -> memref<128xi32, #tpu.memory_space<hbm>>
      %dma_wait3A_132 = tpu.memref_slice %arg3[%add3A_58] : memref<65536xi32, #tpu.memory_space<hbm>> -> memref<128xi32, #tpu.memory_space<hbm>>
      tpu.wait_dma2 semaphore(%run_scoped3A : memref<!tpu.dma_semaphore, #tpu.memory_space<semaphore_mem>>) src(%dma_wait3A_132 : memref<128xi32, #tpu.memory_space<hbm>>) dst(%arg5 : memref<128xi32, #tpu.memory_space<vmem>>)
      tpu.yield
    }) : () -> ()
    %dma_start3A_59 = arith.constant 0 : i32
    %dma_start3A_60 = arith.constant 0 : i32
    %dma_start3A_61 = tpu.memref_slice %arg2[%dma_start3A_59, %dma_start3A_60] : memref<8192x128xf32, #tpu.memory_space<hbm>> -> memref<8192x128xf32, #tpu.memory_space<hbm>>
    tpu.enqueue_indirect_dma source(%dma_start3A_61 : memref<8192x128xf32, #tpu.memory_space<hbm>>) target(%arg6 : memref<128x128xf32, #tpu.memory_space<vmem>>) offsets(%arg5 : memref<128xi32, #tpu.memory_space<vmem>>) semaphore(%arg7 : memref<!tpu.dma_semaphore, #tpu.memory_space<semaphore_mem>>)
    %dma_wait3A_62 = arith.constant 0 : i32
    %dma_wait3A_63 = arith.constant 0 : i32
    %dma_wait3A_64 = tpu.memref_slice %arg2[%dma_wait3A_62, %dma_wait3A_63] : memref<8192x128xf32, #tpu.memory_space<hbm>> -> memref<8192x128xf32, #tpu.memory_space<hbm>>
    tpu.wait_indirect_dma semaphore(%arg7 : memref<!tpu.dma_semaphore, #tpu.memory_space<semaphore_mem>>) src(%dma_wait3A_64 : memref<8192x128xf32, #tpu.memory_space<hbm>>) dst(%arg6 : memref<128x128xf32, #tpu.memory_space<vmem>>)
    "tpu.region"() ({
      %run_scoped3A = tpu.sem_alloc : memref<!tpu.dma_semaphore, #tpu.memory_space<semaphore_mem>>
      %dma_start3A_129 = arith.constant 0 : i32
      %dma_start3A_130 = tpu.memref_slice %arg4[%add3A_58, %dma_start3A_129] : memref<65536x128xf32, #tpu.memory_space<hbm>> -> memref<128x128xf32, #tpu.memory_space<hbm>>
      %dma_start3A_131 = arith.constant 0 : i32
      %dma_start3A_132 = tpu.memref_slice %arg4[%add3A_58, %dma_start3A_131] : memref<65536x128xf32, #tpu.memory_space<hbm>> -> memref<128x128xf32, #tpu.memory_space<hbm>>
      tpu.enqueue_dma source(%arg6 : memref<128x128xf32, #tpu.memory_space<vmem>>) target(%dma_start3A_132 : memref<128x128xf32, #tpu.memory_space<hbm>>) target_semaphore(%run_scoped3A : memref<!tpu.dma_semaphore, #tpu.memory_space<semaphore_mem>>)
      %dma_wait3A_133 = arith.constant 0 : i32
      %dma_wait3A_134 = tpu.memref_slice %arg4[%add3A_58, %dma_wait3A_133] : memref<65536x128xf32, #tpu.memory_space<hbm>> -> memref<128x128xf32, #tpu.memory_space<hbm>>
      %dma_wait3A_135 = arith.constant 0 : i32
      %dma_wait3A_136 = tpu.memref_slice %arg4[%add3A_58, %dma_wait3A_135] : memref<65536x128xf32, #tpu.memory_space<hbm>> -> memref<128x128xf32, #tpu.memory_space<hbm>>
      tpu.wait_dma2 semaphore(%run_scoped3A : memref<!tpu.dma_semaphore, #tpu.memory_space<semaphore_mem>>) src(%arg6 : memref<128x128xf32, #tpu.memory_space<vmem>>) dst(%dma_wait3A_136 : memref<128x128xf32, #tpu.memory_space<hbm>>)
      tpu.yield
    }) : () -> ()
    %add3A_65 = arith.constant 1024 : i32
    %add3A_66 = arith.addi %mul3A_2, %add3A_65 : i32
    "tpu.region"() ({
      %run_scoped3A = tpu.sem_alloc : memref<!tpu.dma_semaphore, #tpu.memory_space<semaphore_mem>>
      %dma_start3A_129 = tpu.memref_slice %arg3[%add3A_66] : memref<65536xi32, #tpu.memory_space<hbm>> -> memref<128xi32, #tpu.memory_space<hbm>>
      %dma_start3A_130 = tpu.memref_slice %arg3[%add3A_66] : memref<65536xi32, #tpu.memory_space<hbm>> -> memref<128xi32, #tpu.memory_space<hbm>>
      tpu.enqueue_dma source(%dma_start3A_130 : memref<128xi32, #tpu.memory_space<hbm>>) target(%arg5 : memref<128xi32, #tpu.memory_space<vmem>>) target_semaphore(%run_scoped3A : memref<!tpu.dma_semaphore, #tpu.memory_space<semaphore_mem>>)
      %dma_wait3A_131 = tpu.memref_slice %arg3[%add3A_66] : memref<65536xi32, #tpu.memory_space<hbm>> -> memref<128xi32, #tpu.memory_space<hbm>>
      %dma_wait3A_132 = tpu.memref_slice %arg3[%add3A_66] : memref<65536xi32, #tpu.memory_space<hbm>> -> memref<128xi32, #tpu.memory_space<hbm>>
      tpu.wait_dma2 semaphore(%run_scoped3A : memref<!tpu.dma_semaphore, #tpu.memory_space<semaphore_mem>>) src(%dma_wait3A_132 : memref<128xi32, #tpu.memory_space<hbm>>) dst(%arg5 : memref<128xi32, #tpu.memory_space<vmem>>)
      tpu.yield
    }) : () -> ()
    %dma_start3A_67 = arith.constant 0 : i32
    %dma_start3A_68 = arith.constant 0 : i32
    %dma_start3A_69 = tpu.memref_slice %arg2[%dma_start3A_67, %dma_start3A_68] : memref<8192x128xf32, #tpu.memory_space<hbm>> -> memref<8192x128xf32, #tpu.memory_space<hbm>>
    tpu.enqueue_indirect_dma source(%dma_start3A_69 : memref<8192x128xf32, #tpu.memory_space<hbm>>) target(%arg6 : memref<128x128xf32, #tpu.memory_space<vmem>>) offsets(%arg5 : memref<128xi32, #tpu.memory_space<vmem>>) semaphore(%arg7 : memref<!tpu.dma_semaphore, #tpu.memory_space<semaphore_mem>>)
    %dma_wait3A_70 = arith.constant 0 : i32
    %dma_wait3A_71 = arith.constant 0 : i32
    %dma_wait3A_72 = tpu.memref_slice %arg2[%dma_wait3A_70, %dma_wait3A_71] : memref<8192x128xf32, #tpu.memory_space<hbm>> -> memref<8192x128xf32, #tpu.memory_space<hbm>>
    tpu.wait_indirect_dma semaphore(%arg7 : memref<!tpu.dma_semaphore, #tpu.memory_space<semaphore_mem>>) src(%dma_wait3A_72 : memref<8192x128xf32, #tpu.memory_space<hbm>>) dst(%arg6 : memref<128x128xf32, #tpu.memory_space<vmem>>)
    "tpu.region"() ({
      %run_scoped3A = tpu.sem_alloc : memref<!tpu.dma_semaphore, #tpu.memory_space<semaphore_mem>>
      %dma_start3A_129 = arith.constant 0 : i32
      %dma_start3A_130 = tpu.memref_slice %arg4[%add3A_66, %dma_start3A_129] : memref<65536x128xf32, #tpu.memory_space<hbm>> -> memref<128x128xf32, #tpu.memory_space<hbm>>
      %dma_start3A_131 = arith.constant 0 : i32
      %dma_start3A_132 = tpu.memref_slice %arg4[%add3A_66, %dma_start3A_131] : memref<65536x128xf32, #tpu.memory_space<hbm>> -> memref<128x128xf32, #tpu.memory_space<hbm>>
      tpu.enqueue_dma source(%arg6 : memref<128x128xf32, #tpu.memory_space<vmem>>) target(%dma_start3A_132 : memref<128x128xf32, #tpu.memory_space<hbm>>) target_semaphore(%run_scoped3A : memref<!tpu.dma_semaphore, #tpu.memory_space<semaphore_mem>>)
      %dma_wait3A_133 = arith.constant 0 : i32
      %dma_wait3A_134 = tpu.memref_slice %arg4[%add3A_66, %dma_wait3A_133] : memref<65536x128xf32, #tpu.memory_space<hbm>> -> memref<128x128xf32, #tpu.memory_space<hbm>>
      %dma_wait3A_135 = arith.constant 0 : i32
      %dma_wait3A_136 = tpu.memref_slice %arg4[%add3A_66, %dma_wait3A_135] : memref<65536x128xf32, #tpu.memory_space<hbm>> -> memref<128x128xf32, #tpu.memory_space<hbm>>
      tpu.wait_dma2 semaphore(%run_scoped3A : memref<!tpu.dma_semaphore, #tpu.memory_space<semaphore_mem>>) src(%arg6 : memref<128x128xf32, #tpu.memory_space<vmem>>) dst(%dma_wait3A_136 : memref<128x128xf32, #tpu.memory_space<hbm>>)
      tpu.yield
    }) : () -> ()
    %add3A_73 = arith.constant 1152 : i32
    %add3A_74 = arith.addi %mul3A_2, %add3A_73 : i32
    "tpu.region"() ({
      %run_scoped3A = tpu.sem_alloc : memref<!tpu.dma_semaphore, #tpu.memory_space<semaphore_mem>>
      %dma_start3A_129 = tpu.memref_slice %arg3[%add3A_74] : memref<65536xi32, #tpu.memory_space<hbm>> -> memref<128xi32, #tpu.memory_space<hbm>>
      %dma_start3A_130 = tpu.memref_slice %arg3[%add3A_74] : memref<65536xi32, #tpu.memory_space<hbm>> -> memref<128xi32, #tpu.memory_space<hbm>>
      tpu.enqueue_dma source(%dma_start3A_130 : memref<128xi32, #tpu.memory_space<hbm>>) target(%arg5 : memref<128xi32, #tpu.memory_space<vmem>>) target_semaphore(%run_scoped3A : memref<!tpu.dma_semaphore, #tpu.memory_space<semaphore_mem>>)
      %dma_wait3A_131 = tpu.memref_slice %arg3[%add3A_74] : memref<65536xi32, #tpu.memory_space<hbm>> -> memref<128xi32, #tpu.memory_space<hbm>>
      %dma_wait3A_132 = tpu.memref_slice %arg3[%add3A_74] : memref<65536xi32, #tpu.memory_space<hbm>> -> memref<128xi32, #tpu.memory_space<hbm>>
      tpu.wait_dma2 semaphore(%run_scoped3A : memref<!tpu.dma_semaphore, #tpu.memory_space<semaphore_mem>>) src(%dma_wait3A_132 : memref<128xi32, #tpu.memory_space<hbm>>) dst(%arg5 : memref<128xi32, #tpu.memory_space<vmem>>)
      tpu.yield
    }) : () -> ()
    %dma_start3A_75 = arith.constant 0 : i32
    %dma_start3A_76 = arith.constant 0 : i32
    %dma_start3A_77 = tpu.memref_slice %arg2[%dma_start3A_75, %dma_start3A_76] : memref<8192x128xf32, #tpu.memory_space<hbm>> -> memref<8192x128xf32, #tpu.memory_space<hbm>>
    tpu.enqueue_indirect_dma source(%dma_start3A_77 : memref<8192x128xf32, #tpu.memory_space<hbm>>) target(%arg6 : memref<128x128xf32, #tpu.memory_space<vmem>>) offsets(%arg5 : memref<128xi32, #tpu.memory_space<vmem>>) semaphore(%arg7 : memref<!tpu.dma_semaphore, #tpu.memory_space<semaphore_mem>>)
    %dma_wait3A_78 = arith.constant 0 : i32
    %dma_wait3A_79 = arith.constant 0 : i32
    %dma_wait3A_80 = tpu.memref_slice %arg2[%dma_wait3A_78, %dma_wait3A_79] : memref<8192x128xf32, #tpu.memory_space<hbm>> -> memref<8192x128xf32, #tpu.memory_space<hbm>>
    tpu.wait_indirect_dma semaphore(%arg7 : memref<!tpu.dma_semaphore, #tpu.memory_space<semaphore_mem>>) src(%dma_wait3A_80 : memref<8192x128xf32, #tpu.memory_space<hbm>>) dst(%arg6 : memref<128x128xf32, #tpu.memory_space<vmem>>)
    "tpu.region"() ({
      %run_scoped3A = tpu.sem_alloc : memref<!tpu.dma_semaphore, #tpu.memory_space<semaphore_mem>>
      %dma_start3A_129 = arith.constant 0 : i32
      %dma_start3A_130 = tpu.memref_slice %arg4[%add3A_74, %dma_start3A_129] : memref<65536x128xf32, #tpu.memory_space<hbm>> -> memref<128x128xf32, #tpu.memory_space<hbm>>
      %dma_start3A_131 = arith.constant 0 : i32
      %dma_start3A_132 = tpu.memref_slice %arg4[%add3A_74, %dma_start3A_131] : memref<65536x128xf32, #tpu.memory_space<hbm>> -> memref<128x128xf32, #tpu.memory_space<hbm>>
      tpu.enqueue_dma source(%arg6 : memref<128x128xf32, #tpu.memory_space<vmem>>) target(%dma_start3A_132 : memref<128x128xf32, #tpu.memory_space<hbm>>) target_semaphore(%run_scoped3A : memref<!tpu.dma_semaphore, #tpu.memory_space<semaphore_mem>>)
      %dma_wait3A_133 = arith.constant 0 : i32
      %dma_wait3A_134 = tpu.memref_slice %arg4[%add3A_74, %dma_wait3A_133] : memref<65536x128xf32, #tpu.memory_space<hbm>> -> memref<128x128xf32, #tpu.memory_space<hbm>>
      %dma_wait3A_135 = arith.constant 0 : i32
      %dma_wait3A_136 = tpu.memref_slice %arg4[%add3A_74, %dma_wait3A_135] : memref<65536x128xf32, #tpu.memory_space<hbm>> -> memref<128x128xf32, #tpu.memory_space<hbm>>
      tpu.wait_dma2 semaphore(%run_scoped3A : memref<!tpu.dma_semaphore, #tpu.memory_space<semaphore_mem>>) src(%arg6 : memref<128x128xf32, #tpu.memory_space<vmem>>) dst(%dma_wait3A_136 : memref<128x128xf32, #tpu.memory_space<hbm>>)
      tpu.yield
    }) : () -> ()
    %add3A_81 = arith.constant 1280 : i32
    %add3A_82 = arith.addi %mul3A_2, %add3A_81 : i32
    "tpu.region"() ({
      %run_scoped3A = tpu.sem_alloc : memref<!tpu.dma_semaphore, #tpu.memory_space<semaphore_mem>>
      %dma_start3A_129 = tpu.memref_slice %arg3[%add3A_82] : memref<65536xi32, #tpu.memory_space<hbm>> -> memref<128xi32, #tpu.memory_space<hbm>>
      %dma_start3A_130 = tpu.memref_slice %arg3[%add3A_82] : memref<65536xi32, #tpu.memory_space<hbm>> -> memref<128xi32, #tpu.memory_space<hbm>>
      tpu.enqueue_dma source(%dma_start3A_130 : memref<128xi32, #tpu.memory_space<hbm>>) target(%arg5 : memref<128xi32, #tpu.memory_space<vmem>>) target_semaphore(%run_scoped3A : memref<!tpu.dma_semaphore, #tpu.memory_space<semaphore_mem>>)
      %dma_wait3A_131 = tpu.memref_slice %arg3[%add3A_82] : memref<65536xi32, #tpu.memory_space<hbm>> -> memref<128xi32, #tpu.memory_space<hbm>>
      %dma_wait3A_132 = tpu.memref_slice %arg3[%add3A_82] : memref<65536xi32, #tpu.memory_space<hbm>> -> memref<128xi32, #tpu.memory_space<hbm>>
      tpu.wait_dma2 semaphore(%run_scoped3A : memref<!tpu.dma_semaphore, #tpu.memory_space<semaphore_mem>>) src(%dma_wait3A_132 : memref<128xi32, #tpu.memory_space<hbm>>) dst(%arg5 : memref<128xi32, #tpu.memory_space<vmem>>)
      tpu.yield
    }) : () -> ()
    %dma_start3A_83 = arith.constant 0 : i32
    %dma_start3A_84 = arith.constant 0 : i32
    %dma_start3A_85 = tpu.memref_slice %arg2[%dma_start3A_83, %dma_start3A_84] : memref<8192x128xf32, #tpu.memory_space<hbm>> -> memref<8192x128xf32, #tpu.memory_space<hbm>>
    tpu.enqueue_indirect_dma source(%dma_start3A_85 : memref<8192x128xf32, #tpu.memory_space<hbm>>) target(%arg6 : memref<128x128xf32, #tpu.memory_space<vmem>>) offsets(%arg5 : memref<128xi32, #tpu.memory_space<vmem>>) semaphore(%arg7 : memref<!tpu.dma_semaphore, #tpu.memory_space<semaphore_mem>>)
    %dma_wait3A_86 = arith.constant 0 : i32
    %dma_wait3A_87 = arith.constant 0 : i32
    %dma_wait3A_88 = tpu.memref_slice %arg2[%dma_wait3A_86, %dma_wait3A_87] : memref<8192x128xf32, #tpu.memory_space<hbm>> -> memref<8192x128xf32, #tpu.memory_space<hbm>>
    tpu.wait_indirect_dma semaphore(%arg7 : memref<!tpu.dma_semaphore, #tpu.memory_space<semaphore_mem>>) src(%dma_wait3A_88 : memref<8192x128xf32, #tpu.memory_space<hbm>>) dst(%arg6 : memref<128x128xf32, #tpu.memory_space<vmem>>)
    "tpu.region"() ({
      %run_scoped3A = tpu.sem_alloc : memref<!tpu.dma_semaphore, #tpu.memory_space<semaphore_mem>>
      %dma_start3A_129 = arith.constant 0 : i32
      %dma_start3A_130 = tpu.memref_slice %arg4[%add3A_82, %dma_start3A_129] : memref<65536x128xf32, #tpu.memory_space<hbm>> -> memref<128x128xf32, #tpu.memory_space<hbm>>
      %dma_start3A_131 = arith.constant 0 : i32
      %dma_start3A_132 = tpu.memref_slice %arg4[%add3A_82, %dma_start3A_131] : memref<65536x128xf32, #tpu.memory_space<hbm>> -> memref<128x128xf32, #tpu.memory_space<hbm>>
      tpu.enqueue_dma source(%arg6 : memref<128x128xf32, #tpu.memory_space<vmem>>) target(%dma_start3A_132 : memref<128x128xf32, #tpu.memory_space<hbm>>) target_semaphore(%run_scoped3A : memref<!tpu.dma_semaphore, #tpu.memory_space<semaphore_mem>>)
      %dma_wait3A_133 = arith.constant 0 : i32
      %dma_wait3A_134 = tpu.memref_slice %arg4[%add3A_82, %dma_wait3A_133] : memref<65536x128xf32, #tpu.memory_space<hbm>> -> memref<128x128xf32, #tpu.memory_space<hbm>>
      %dma_wait3A_135 = arith.constant 0 : i32
      %dma_wait3A_136 = tpu.memref_slice %arg4[%add3A_82, %dma_wait3A_135] : memref<65536x128xf32, #tpu.memory_space<hbm>> -> memref<128x128xf32, #tpu.memory_space<hbm>>
      tpu.wait_dma2 semaphore(%run_scoped3A : memref<!tpu.dma_semaphore, #tpu.memory_space<semaphore_mem>>) src(%arg6 : memref<128x128xf32, #tpu.memory_space<vmem>>) dst(%dma_wait3A_136 : memref<128x128xf32, #tpu.memory_space<hbm>>)
      tpu.yield
    }) : () -> ()
    %add3A_89 = arith.constant 1408 : i32
    %add3A_90 = arith.addi %mul3A_2, %add3A_89 : i32
    "tpu.region"() ({
      %run_scoped3A = tpu.sem_alloc : memref<!tpu.dma_semaphore, #tpu.memory_space<semaphore_mem>>
      %dma_start3A_129 = tpu.memref_slice %arg3[%add3A_90] : memref<65536xi32, #tpu.memory_space<hbm>> -> memref<128xi32, #tpu.memory_space<hbm>>
      %dma_start3A_130 = tpu.memref_slice %arg3[%add3A_90] : memref<65536xi32, #tpu.memory_space<hbm>> -> memref<128xi32, #tpu.memory_space<hbm>>
      tpu.enqueue_dma source(%dma_start3A_130 : memref<128xi32, #tpu.memory_space<hbm>>) target(%arg5 : memref<128xi32, #tpu.memory_space<vmem>>) target_semaphore(%run_scoped3A : memref<!tpu.dma_semaphore, #tpu.memory_space<semaphore_mem>>)
      %dma_wait3A_131 = tpu.memref_slice %arg3[%add3A_90] : memref<65536xi32, #tpu.memory_space<hbm>> -> memref<128xi32, #tpu.memory_space<hbm>>
      %dma_wait3A_132 = tpu.memref_slice %arg3[%add3A_90] : memref<65536xi32, #tpu.memory_space<hbm>> -> memref<128xi32, #tpu.memory_space<hbm>>
      tpu.wait_dma2 semaphore(%run_scoped3A : memref<!tpu.dma_semaphore, #tpu.memory_space<semaphore_mem>>) src(%dma_wait3A_132 : memref<128xi32, #tpu.memory_space<hbm>>) dst(%arg5 : memref<128xi32, #tpu.memory_space<vmem>>)
      tpu.yield
    }) : () -> ()
    %dma_start3A_91 = arith.constant 0 : i32
    %dma_start3A_92 = arith.constant 0 : i32
    %dma_start3A_93 = tpu.memref_slice %arg2[%dma_start3A_91, %dma_start3A_92] : memref<8192x128xf32, #tpu.memory_space<hbm>> -> memref<8192x128xf32, #tpu.memory_space<hbm>>
    tpu.enqueue_indirect_dma source(%dma_start3A_93 : memref<8192x128xf32, #tpu.memory_space<hbm>>) target(%arg6 : memref<128x128xf32, #tpu.memory_space<vmem>>) offsets(%arg5 : memref<128xi32, #tpu.memory_space<vmem>>) semaphore(%arg7 : memref<!tpu.dma_semaphore, #tpu.memory_space<semaphore_mem>>)
    %dma_wait3A_94 = arith.constant 0 : i32
    %dma_wait3A_95 = arith.constant 0 : i32
    %dma_wait3A_96 = tpu.memref_slice %arg2[%dma_wait3A_94, %dma_wait3A_95] : memref<8192x128xf32, #tpu.memory_space<hbm>> -> memref<8192x128xf32, #tpu.memory_space<hbm>>
    tpu.wait_indirect_dma semaphore(%arg7 : memref<!tpu.dma_semaphore, #tpu.memory_space<semaphore_mem>>) src(%dma_wait3A_96 : memref<8192x128xf32, #tpu.memory_space<hbm>>) dst(%arg6 : memref<128x128xf32, #tpu.memory_space<vmem>>)
    "tpu.region"() ({
      %run_scoped3A = tpu.sem_alloc : memref<!tpu.dma_semaphore, #tpu.memory_space<semaphore_mem>>
      %dma_start3A_129 = arith.constant 0 : i32
      %dma_start3A_130 = tpu.memref_slice %arg4[%add3A_90, %dma_start3A_129] : memref<65536x128xf32, #tpu.memory_space<hbm>> -> memref<128x128xf32, #tpu.memory_space<hbm>>
      %dma_start3A_131 = arith.constant 0 : i32
      %dma_start3A_132 = tpu.memref_slice %arg4[%add3A_90, %dma_start3A_131] : memref<65536x128xf32, #tpu.memory_space<hbm>> -> memref<128x128xf32, #tpu.memory_space<hbm>>
      tpu.enqueue_dma source(%arg6 : memref<128x128xf32, #tpu.memory_space<vmem>>) target(%dma_start3A_132 : memref<128x128xf32, #tpu.memory_space<hbm>>) target_semaphore(%run_scoped3A : memref<!tpu.dma_semaphore, #tpu.memory_space<semaphore_mem>>)
      %dma_wait3A_133 = arith.constant 0 : i32
      %dma_wait3A_134 = tpu.memref_slice %arg4[%add3A_90, %dma_wait3A_133] : memref<65536x128xf32, #tpu.memory_space<hbm>> -> memref<128x128xf32, #tpu.memory_space<hbm>>
      %dma_wait3A_135 = arith.constant 0 : i32
      %dma_wait3A_136 = tpu.memref_slice %arg4[%add3A_90, %dma_wait3A_135] : memref<65536x128xf32, #tpu.memory_space<hbm>> -> memref<128x128xf32, #tpu.memory_space<hbm>>
      tpu.wait_dma2 semaphore(%run_scoped3A : memref<!tpu.dma_semaphore, #tpu.memory_space<semaphore_mem>>) src(%arg6 : memref<128x128xf32, #tpu.memory_space<vmem>>) dst(%dma_wait3A_136 : memref<128x128xf32, #tpu.memory_space<hbm>>)
      tpu.yield
    }) : () -> ()
    %add3A_97 = arith.constant 1536 : i32
    %add3A_98 = arith.addi %mul3A_2, %add3A_97 : i32
    "tpu.region"() ({
      %run_scoped3A = tpu.sem_alloc : memref<!tpu.dma_semaphore, #tpu.memory_space<semaphore_mem>>
      %dma_start3A_129 = tpu.memref_slice %arg3[%add3A_98] : memref<65536xi32, #tpu.memory_space<hbm>> -> memref<128xi32, #tpu.memory_space<hbm>>
      %dma_start3A_130 = tpu.memref_slice %arg3[%add3A_98] : memref<65536xi32, #tpu.memory_space<hbm>> -> memref<128xi32, #tpu.memory_space<hbm>>
      tpu.enqueue_dma source(%dma_start3A_130 : memref<128xi32, #tpu.memory_space<hbm>>) target(%arg5 : memref<128xi32, #tpu.memory_space<vmem>>) target_semaphore(%run_scoped3A : memref<!tpu.dma_semaphore, #tpu.memory_space<semaphore_mem>>)
      %dma_wait3A_131 = tpu.memref_slice %arg3[%add3A_98] : memref<65536xi32, #tpu.memory_space<hbm>> -> memref<128xi32, #tpu.memory_space<hbm>>
      %dma_wait3A_132 = tpu.memref_slice %arg3[%add3A_98] : memref<65536xi32, #tpu.memory_space<hbm>> -> memref<128xi32, #tpu.memory_space<hbm>>
      tpu.wait_dma2 semaphore(%run_scoped3A : memref<!tpu.dma_semaphore, #tpu.memory_space<semaphore_mem>>) src(%dma_wait3A_132 : memref<128xi32, #tpu.memory_space<hbm>>) dst(%arg5 : memref<128xi32, #tpu.memory_space<vmem>>)
      tpu.yield
    }) : () -> ()
    %dma_start3A_99 = arith.constant 0 : i32
    %dma_start3A_100 = arith.constant 0 : i32
    %dma_start3A_101 = tpu.memref_slice %arg2[%dma_start3A_99, %dma_start3A_100] : memref<8192x128xf32, #tpu.memory_space<hbm>> -> memref<8192x128xf32, #tpu.memory_space<hbm>>
    tpu.enqueue_indirect_dma source(%dma_start3A_101 : memref<8192x128xf32, #tpu.memory_space<hbm>>) target(%arg6 : memref<128x128xf32, #tpu.memory_space<vmem>>) offsets(%arg5 : memref<128xi32, #tpu.memory_space<vmem>>) semaphore(%arg7 : memref<!tpu.dma_semaphore, #tpu.memory_space<semaphore_mem>>)
    %dma_wait3A_102 = arith.constant 0 : i32
    %dma_wait3A_103 = arith.constant 0 : i32
    %dma_wait3A_104 = tpu.memref_slice %arg2[%dma_wait3A_102, %dma_wait3A_103] : memref<8192x128xf32, #tpu.memory_space<hbm>> -> memref<8192x128xf32, #tpu.memory_space<hbm>>
    tpu.wait_indirect_dma semaphore(%arg7 : memref<!tpu.dma_semaphore, #tpu.memory_space<semaphore_mem>>) src(%dma_wait3A_104 : memref<8192x128xf32, #tpu.memory_space<hbm>>) dst(%arg6 : memref<128x128xf32, #tpu.memory_space<vmem>>)
    "tpu.region"() ({
      %run_scoped3A = tpu.sem_alloc : memref<!tpu.dma_semaphore, #tpu.memory_space<semaphore_mem>>
      %dma_start3A_129 = arith.constant 0 : i32
      %dma_start3A_130 = tpu.memref_slice %arg4[%add3A_98, %dma_start3A_129] : memref<65536x128xf32, #tpu.memory_space<hbm>> -> memref<128x128xf32, #tpu.memory_space<hbm>>
      %dma_start3A_131 = arith.constant 0 : i32
      %dma_start3A_132 = tpu.memref_slice %arg4[%add3A_98, %dma_start3A_131] : memref<65536x128xf32, #tpu.memory_space<hbm>> -> memref<128x128xf32, #tpu.memory_space<hbm>>
      tpu.enqueue_dma source(%arg6 : memref<128x128xf32, #tpu.memory_space<vmem>>) target(%dma_start3A_132 : memref<128x128xf32, #tpu.memory_space<hbm>>) target_semaphore(%run_scoped3A : memref<!tpu.dma_semaphore, #tpu.memory_space<semaphore_mem>>)
      %dma_wait3A_133 = arith.constant 0 : i32
      %dma_wait3A_134 = tpu.memref_slice %arg4[%add3A_98, %dma_wait3A_133] : memref<65536x128xf32, #tpu.memory_space<hbm>> -> memref<128x128xf32, #tpu.memory_space<hbm>>
      %dma_wait3A_135 = arith.constant 0 : i32
      %dma_wait3A_136 = tpu.memref_slice %arg4[%add3A_98, %dma_wait3A_135] : memref<65536x128xf32, #tpu.memory_space<hbm>> -> memref<128x128xf32, #tpu.memory_space<hbm>>
      tpu.wait_dma2 semaphore(%run_scoped3A : memref<!tpu.dma_semaphore, #tpu.memory_space<semaphore_mem>>) src(%arg6 : memref<128x128xf32, #tpu.memory_space<vmem>>) dst(%dma_wait3A_136 : memref<128x128xf32, #tpu.memory_space<hbm>>)
      tpu.yield
    }) : () -> ()
    %add3A_105 = arith.constant 1664 : i32
    %add3A_106 = arith.addi %mul3A_2, %add3A_105 : i32
    "tpu.region"() ({
      %run_scoped3A = tpu.sem_alloc : memref<!tpu.dma_semaphore, #tpu.memory_space<semaphore_mem>>
      %dma_start3A_129 = tpu.memref_slice %arg3[%add3A_106] : memref<65536xi32, #tpu.memory_space<hbm>> -> memref<128xi32, #tpu.memory_space<hbm>>
      %dma_start3A_130 = tpu.memref_slice %arg3[%add3A_106] : memref<65536xi32, #tpu.memory_space<hbm>> -> memref<128xi32, #tpu.memory_space<hbm>>
      tpu.enqueue_dma source(%dma_start3A_130 : memref<128xi32, #tpu.memory_space<hbm>>) target(%arg5 : memref<128xi32, #tpu.memory_space<vmem>>) target_semaphore(%run_scoped3A : memref<!tpu.dma_semaphore, #tpu.memory_space<semaphore_mem>>)
      %dma_wait3A_131 = tpu.memref_slice %arg3[%add3A_106] : memref<65536xi32, #tpu.memory_space<hbm>> -> memref<128xi32, #tpu.memory_space<hbm>>
      %dma_wait3A_132 = tpu.memref_slice %arg3[%add3A_106] : memref<65536xi32, #tpu.memory_space<hbm>> -> memref<128xi32, #tpu.memory_space<hbm>>
      tpu.wait_dma2 semaphore(%run_scoped3A : memref<!tpu.dma_semaphore, #tpu.memory_space<semaphore_mem>>) src(%dma_wait3A_132 : memref<128xi32, #tpu.memory_space<hbm>>) dst(%arg5 : memref<128xi32, #tpu.memory_space<vmem>>)
      tpu.yield
    }) : () -> ()
    %dma_start3A_107 = arith.constant 0 : i32
    %dma_start3A_108 = arith.constant 0 : i32
    %dma_start3A_109 = tpu.memref_slice %arg2[%dma_start3A_107, %dma_start3A_108] : memref<8192x128xf32, #tpu.memory_space<hbm>> -> memref<8192x128xf32, #tpu.memory_space<hbm>>
    tpu.enqueue_indirect_dma source(%dma_start3A_109 : memref<8192x128xf32, #tpu.memory_space<hbm>>) target(%arg6 : memref<128x128xf32, #tpu.memory_space<vmem>>) offsets(%arg5 : memref<128xi32, #tpu.memory_space<vmem>>) semaphore(%arg7 : memref<!tpu.dma_semaphore, #tpu.memory_space<semaphore_mem>>)
    %dma_wait3A_110 = arith.constant 0 : i32
    %dma_wait3A_111 = arith.constant 0 : i32
    %dma_wait3A_112 = tpu.memref_slice %arg2[%dma_wait3A_110, %dma_wait3A_111] : memref<8192x128xf32, #tpu.memory_space<hbm>> -> memref<8192x128xf32, #tpu.memory_space<hbm>>
    tpu.wait_indirect_dma semaphore(%arg7 : memref<!tpu.dma_semaphore, #tpu.memory_space<semaphore_mem>>) src(%dma_wait3A_112 : memref<8192x128xf32, #tpu.memory_space<hbm>>) dst(%arg6 : memref<128x128xf32, #tpu.memory_space<vmem>>)
    "tpu.region"() ({
      %run_scoped3A = tpu.sem_alloc : memref<!tpu.dma_semaphore, #tpu.memory_space<semaphore_mem>>
      %dma_start3A_129 = arith.constant 0 : i32
      %dma_start3A_130 = tpu.memref_slice %arg4[%add3A_106, %dma_start3A_129] : memref<65536x128xf32, #tpu.memory_space<hbm>> -> memref<128x128xf32, #tpu.memory_space<hbm>>
      %dma_start3A_131 = arith.constant 0 : i32
      %dma_start3A_132 = tpu.memref_slice %arg4[%add3A_106, %dma_start3A_131] : memref<65536x128xf32, #tpu.memory_space<hbm>> -> memref<128x128xf32, #tpu.memory_space<hbm>>
      tpu.enqueue_dma source(%arg6 : memref<128x128xf32, #tpu.memory_space<vmem>>) target(%dma_start3A_132 : memref<128x128xf32, #tpu.memory_space<hbm>>) target_semaphore(%run_scoped3A : memref<!tpu.dma_semaphore, #tpu.memory_space<semaphore_mem>>)
      %dma_wait3A_133 = arith.constant 0 : i32
      %dma_wait3A_134 = tpu.memref_slice %arg4[%add3A_106, %dma_wait3A_133] : memref<65536x128xf32, #tpu.memory_space<hbm>> -> memref<128x128xf32, #tpu.memory_space<hbm>>
      %dma_wait3A_135 = arith.constant 0 : i32
      %dma_wait3A_136 = tpu.memref_slice %arg4[%add3A_106, %dma_wait3A_135] : memref<65536x128xf32, #tpu.memory_space<hbm>> -> memref<128x128xf32, #tpu.memory_space<hbm>>
      tpu.wait_dma2 semaphore(%run_scoped3A : memref<!tpu.dma_semaphore, #tpu.memory_space<semaphore_mem>>) src(%arg6 : memref<128x128xf32, #tpu.memory_space<vmem>>) dst(%dma_wait3A_136 : memref<128x128xf32, #tpu.memory_space<hbm>>)
      tpu.yield
    }) : () -> ()
    %add3A_113 = arith.constant 1792 : i32
    %add3A_114 = arith.addi %mul3A_2, %add3A_113 : i32
    "tpu.region"() ({
      %run_scoped3A = tpu.sem_alloc : memref<!tpu.dma_semaphore, #tpu.memory_space<semaphore_mem>>
      %dma_start3A_129 = tpu.memref_slice %arg3[%add3A_114] : memref<65536xi32, #tpu.memory_space<hbm>> -> memref<128xi32, #tpu.memory_space<hbm>>
      %dma_start3A_130 = tpu.memref_slice %arg3[%add3A_114] : memref<65536xi32, #tpu.memory_space<hbm>> -> memref<128xi32, #tpu.memory_space<hbm>>
      tpu.enqueue_dma source(%dma_start3A_130 : memref<128xi32, #tpu.memory_space<hbm>>) target(%arg5 : memref<128xi32, #tpu.memory_space<vmem>>) target_semaphore(%run_scoped3A : memref<!tpu.dma_semaphore, #tpu.memory_space<semaphore_mem>>)
      %dma_wait3A_131 = tpu.memref_slice %arg3[%add3A_114] : memref<65536xi32, #tpu.memory_space<hbm>> -> memref<128xi32, #tpu.memory_space<hbm>>
      %dma_wait3A_132 = tpu.memref_slice %arg3[%add3A_114] : memref<65536xi32, #tpu.memory_space<hbm>> -> memref<128xi32, #tpu.memory_space<hbm>>
      tpu.wait_dma2 semaphore(%run_scoped3A : memref<!tpu.dma_semaphore, #tpu.memory_space<semaphore_mem>>) src(%dma_wait3A_132 : memref<128xi32, #tpu.memory_space<hbm>>) dst(%arg5 : memref<128xi32, #tpu.memory_space<vmem>>)
      tpu.yield
    }) : () -> ()
    %dma_start3A_115 = arith.constant 0 : i32
    %dma_start3A_116 = arith.constant 0 : i32
    %dma_start3A_117 = tpu.memref_slice %arg2[%dma_start3A_115, %dma_start3A_116] : memref<8192x128xf32, #tpu.memory_space<hbm>> -> memref<8192x128xf32, #tpu.memory_space<hbm>>
    tpu.enqueue_indirect_dma source(%dma_start3A_117 : memref<8192x128xf32, #tpu.memory_space<hbm>>) target(%arg6 : memref<128x128xf32, #tpu.memory_space<vmem>>) offsets(%arg5 : memref<128xi32, #tpu.memory_space<vmem>>) semaphore(%arg7 : memref<!tpu.dma_semaphore, #tpu.memory_space<semaphore_mem>>)
    %dma_wait3A_118 = arith.constant 0 : i32
    %dma_wait3A_119 = arith.constant 0 : i32
    %dma_wait3A_120 = tpu.memref_slice %arg2[%dma_wait3A_118, %dma_wait3A_119] : memref<8192x128xf32, #tpu.memory_space<hbm>> -> memref<8192x128xf32, #tpu.memory_space<hbm>>
    tpu.wait_indirect_dma semaphore(%arg7 : memref<!tpu.dma_semaphore, #tpu.memory_space<semaphore_mem>>) src(%dma_wait3A_120 : memref<8192x128xf32, #tpu.memory_space<hbm>>) dst(%arg6 : memref<128x128xf32, #tpu.memory_space<vmem>>)
    "tpu.region"() ({
      %run_scoped3A = tpu.sem_alloc : memref<!tpu.dma_semaphore, #tpu.memory_space<semaphore_mem>>
      %dma_start3A_129 = arith.constant 0 : i32
      %dma_start3A_130 = tpu.memref_slice %arg4[%add3A_114, %dma_start3A_129] : memref<65536x128xf32, #tpu.memory_space<hbm>> -> memref<128x128xf32, #tpu.memory_space<hbm>>
      %dma_start3A_131 = arith.constant 0 : i32
      %dma_start3A_132 = tpu.memref_slice %arg4[%add3A_114, %dma_start3A_131] : memref<65536x128xf32, #tpu.memory_space<hbm>> -> memref<128x128xf32, #tpu.memory_space<hbm>>
      tpu.enqueue_dma source(%arg6 : memref<128x128xf32, #tpu.memory_space<vmem>>) target(%dma_start3A_132 : memref<128x128xf32, #tpu.memory_space<hbm>>) target_semaphore(%run_scoped3A : memref<!tpu.dma_semaphore, #tpu.memory_space<semaphore_mem>>)
      %dma_wait3A_133 = arith.constant 0 : i32
      %dma_wait3A_134 = tpu.memref_slice %arg4[%add3A_114, %dma_wait3A_133] : memref<65536x128xf32, #tpu.memory_space<hbm>> -> memref<128x128xf32, #tpu.memory_space<hbm>>
      %dma_wait3A_135 = arith.constant 0 : i32
      %dma_wait3A_136 = tpu.memref_slice %arg4[%add3A_114, %dma_wait3A_135] : memref<65536x128xf32, #tpu.memory_space<hbm>> -> memref<128x128xf32, #tpu.memory_space<hbm>>
      tpu.wait_dma2 semaphore(%run_scoped3A : memref<!tpu.dma_semaphore, #tpu.memory_space<semaphore_mem>>) src(%arg6 : memref<128x128xf32, #tpu.memory_space<vmem>>) dst(%dma_wait3A_136 : memref<128x128xf32, #tpu.memory_space<hbm>>)
      tpu.yield
    }) : () -> ()
    %add3A_121 = arith.constant 1920 : i32
    %add3A_122 = arith.addi %mul3A_2, %add3A_121 : i32
    "tpu.region"() ({
      %run_scoped3A = tpu.sem_alloc : memref<!tpu.dma_semaphore, #tpu.memory_space<semaphore_mem>>
      %dma_start3A_129 = tpu.memref_slice %arg3[%add3A_122] : memref<65536xi32, #tpu.memory_space<hbm>> -> memref<128xi32, #tpu.memory_space<hbm>>
      %dma_start3A_130 = tpu.memref_slice %arg3[%add3A_122] : memref<65536xi32, #tpu.memory_space<hbm>> -> memref<128xi32, #tpu.memory_space<hbm>>
      tpu.enqueue_dma source(%dma_start3A_130 : memref<128xi32, #tpu.memory_space<hbm>>) target(%arg5 : memref<128xi32, #tpu.memory_space<vmem>>) target_semaphore(%run_scoped3A : memref<!tpu.dma_semaphore, #tpu.memory_space<semaphore_mem>>)
      %dma_wait3A_131 = tpu.memref_slice %arg3[%add3A_122] : memref<65536xi32, #tpu.memory_space<hbm>> -> memref<128xi32, #tpu.memory_space<hbm>>
      %dma_wait3A_132 = tpu.memref_slice %arg3[%add3A_122] : memref<65536xi32, #tpu.memory_space<hbm>> -> memref<128xi32, #tpu.memory_space<hbm>>
      tpu.wait_dma2 semaphore(%run_scoped3A : memref<!tpu.dma_semaphore, #tpu.memory_space<semaphore_mem>>) src(%dma_wait3A_132 : memref<128xi32, #tpu.memory_space<hbm>>) dst(%arg5 : memref<128xi32, #tpu.memory_space<vmem>>)
      tpu.yield
    }) : () -> ()
    %dma_start3A_123 = arith.constant 0 : i32
    %dma_start3A_124 = arith.constant 0 : i32
    %dma_start3A_125 = tpu.memref_slice %arg2[%dma_start3A_123, %dma_start3A_124] : memref<8192x128xf32, #tpu.memory_space<hbm>> -> memref<8192x128xf32, #tpu.memory_space<hbm>>
    tpu.enqueue_indirect_dma source(%dma_start3A_125 : memref<8192x128xf32, #tpu.memory_space<hbm>>) target(%arg6 : memref<128x128xf32, #tpu.memory_space<vmem>>) offsets(%arg5 : memref<128xi32, #tpu.memory_space<vmem>>) semaphore(%arg7 : memref<!tpu.dma_semaphore, #tpu.memory_space<semaphore_mem>>)
    %dma_wait3A_126 = arith.constant 0 : i32
    %dma_wait3A_127 = arith.constant 0 : i32
    %dma_wait3A_128 = tpu.memref_slice %arg2[%dma_wait3A_126, %dma_wait3A_127] : memref<8192x128xf32, #tpu.memory_space<hbm>> -> memref<8192x128xf32, #tpu.memory_space<hbm>>
    tpu.wait_indirect_dma semaphore(%arg7 : memref<!tpu.dma_semaphore, #tpu.memory_space<semaphore_mem>>) src(%dma_wait3A_128 : memref<8192x128xf32, #tpu.memory_space<hbm>>) dst(%arg6 : memref<128x128xf32, #tpu.memory_space<vmem>>)
    "tpu.region"() ({
      %run_scoped3A = tpu.sem_alloc : memref<!tpu.dma_semaphore, #tpu.memory_space<semaphore_mem>>
      %dma_start3A_129 = arith.constant 0 : i32
      %dma_start3A_130 = tpu.memref_slice %arg4[%add3A_122, %dma_start3A_129] : memref<65536x128xf32, #tpu.memory_space<hbm>> -> memref<128x128xf32, #tpu.memory_space<hbm>>
      %dma_start3A_131 = arith.constant 0 : i32
      %dma_start3A_132 = tpu.memref_slice %arg4[%add3A_122, %dma_start3A_131] : memref<65536x128xf32, #tpu.memory_space<hbm>> -> memref<128x128xf32, #tpu.memory_space<hbm>>
      tpu.enqueue_dma source(%arg6 : memref<128x128xf32, #tpu.memory_space<vmem>>) target(%dma_start3A_132 : memref<128x128xf32, #tpu.memory_space<hbm>>) target_semaphore(%run_scoped3A : memref<!tpu.dma_semaphore, #tpu.memory_space<semaphore_mem>>)
      %dma_wait3A_133 = arith.constant 0 : i32
      %dma_wait3A_134 = tpu.memref_slice %arg4[%add3A_122, %dma_wait3A_133] : memref<65536x128xf32, #tpu.memory_space<hbm>> -> memref<128x128xf32, #tpu.memory_space<hbm>>
      %dma_wait3A_135 = arith.constant 0 : i32
      %dma_wait3A_136 = tpu.memref_slice %arg4[%add3A_122, %dma_wait3A_135] : memref<65536x128xf32, #tpu.memory_space<hbm>> -> memref<128x128xf32, #tpu.memory_space<hbm>>
      tpu.wait_dma2 semaphore(%run_scoped3A : memref<!tpu.dma_semaphore, #tpu.memory_space<semaphore_mem>>) src(%arg6 : memref<128x128xf32, #tpu.memory_space<vmem>>) dst(%dma_wait3A_136 : memref<128x128xf32, #tpu.memory_space<hbm>>)
      tpu.yield
    }) : () -> ()
    return
  }
}

module attributes {stable_mosaic.version = 14 : i64} {
  func.func @_mid_body(%arg0: i32, %arg1: i32, %arg2: memref<1x16x3x512xf32, #tpu.memory_space<vmem>>, %arg3: memref<3x1xf32, #tpu.memory_space<vmem>>, %arg4: memref<3x3xf32, #tpu.memory_space<vmem>>, %arg5: memref<128x3xf32, #tpu.memory_space<vmem>>, %arg6: memref<128x1xf32, #tpu.memory_space<vmem>>, %arg7: memref<128x1xf32, #tpu.memory_space<vmem>>, %arg8: memref<128x128xf32, #tpu.memory_space<vmem>>, %arg9: memref<1x128x4x512xf32, #tpu.memory_space<vmem>>, %arg10: memref<1x128x512xf32, #tpu.memory_space<vmem>>, %arg11: memref<128x1xf32, #tpu.memory_space<vmem>>, %arg12: memref<128x1xf32, #tpu.memory_space<vmem>>) attributes {dimension_semantics = [#tpu.dimension_semantics<arbitrary>, #tpu.dimension_semantics<arbitrary>], iteration_bounds = array<i64: 4, 8>, scalar_prefetch = 0 : i64, scratch_operands = 0 : i64, tpu.core_type = #tpu.core_type<tc>, window_params = [{transform_indices = @transform_0, window_bounds = array<i64: 1, 16, 3, 512>}, {pipeline_mode = #tpu.pipeline_mode<synchronous>, transform_indices = @transform_1, window_bounds = array<i64: 3, 1>}, {pipeline_mode = #tpu.pipeline_mode<synchronous>, transform_indices = @transform_2, window_bounds = array<i64: 3, 3>}, {pipeline_mode = #tpu.pipeline_mode<synchronous>, transform_indices = @transform_3, window_bounds = array<i64: 128, 3>}, {pipeline_mode = #tpu.pipeline_mode<synchronous>, transform_indices = @transform_4, window_bounds = array<i64: 128, 1>}, {pipeline_mode = #tpu.pipeline_mode<synchronous>, transform_indices = @transform_5, window_bounds = array<i64: 128, 1>}, {pipeline_mode = #tpu.pipeline_mode<synchronous>, transform_indices = @transform_6, window_bounds = array<i64: 128, 128>}, {transform_indices = @transform_7, window_bounds = array<i64: 1, 128, 4, 512>}, {transform_indices = @transform_8, window_bounds = array<i64: 1, 128, 512>}, {pipeline_mode = #tpu.pipeline_mode<synchronous>, transform_indices = @transform_9, window_bounds = array<i64: 128, 1>}, {pipeline_mode = #tpu.pipeline_mode<synchronous>, transform_indices = @transform_10, window_bounds = array<i64: 128, 1>}]} {
    %get3A = arith.constant 0 : index
    %get3A_0 = arith.constant 0 : index
    %get3A_1 = vector.load %arg5[%get3A, %get3A_0] : memref<128x3xf32, #tpu.memory_space<vmem>>, vector<128x3xf32>
    %get3A_2 = arith.constant 0 : index
    %get3A_3 = arith.constant 0 : index
    %get3A_4 = vector.load %arg8[%get3A_2, %get3A_3] : memref<128x128xf32, #tpu.memory_space<vmem>>, vector<128x128xf32>
    %get3A_5 = arith.constant 0 : index
    %get3A_6 = arith.constant 0 : index
    %get3A_7 = vector.load %arg3[%get3A_5, %get3A_6] : memref<3x1xf32, #tpu.memory_space<vmem>>, vector<3x1xf32>
    %div3A = arith.constant 2.621440e+05 : f32
    %div3A_8 = vector.broadcast %div3A : f32 to vector<3x1xf32>
    %div3A_9 = arith.divf %get3A_7, %div3A_8 : vector<3x1xf32>
    %get3A_10 = arith.constant 0 : index
    %get3A_11 = arith.constant 0 : index
    %get3A_12 = vector.load %arg4[%get3A_10, %get3A_11] : memref<3x3xf32, #tpu.memory_space<vmem>>, vector<3x3xf32>
    %div3A_13 = arith.constant 2.621440e+05 : f32
    %div3A_14 = vector.broadcast %div3A_13 : f32 to vector<3x3xf32>
    %div3A_15 = arith.divf %get3A_12, %div3A_14 : vector<3x3xf32>
    %dot_general3A = arith.constant dense<0.000000e+00> : vector<3x3xf32>
    %dot_general3A_16 = tpu.matmul %div3A_9, %div3A_9, %dot_general3A {dimension_numbers = #tpu.dot_dimension_numbers<[1], [1], [0], [0], [0, 0, 1, 0], [], []>, transpose_lhs_hint = false} : vector<3x1xf32>, vector<3x1xf32>, vector<3x3xf32> -> vector<3x3xf32>
    %sub3A = arith.subf %div3A_15, %dot_general3A_16 : vector<3x3xf32>
    %dot_general3A_17 = arith.constant dense<0.000000e+00> : vector<128x1xf32>
    %dot_general3A_18 = tpu.matmul %get3A_1, %div3A_9, %dot_general3A_17 {dimension_numbers = #tpu.dot_dimension_numbers<[1], [0], [0], [1], [0, 0, 1, 1], [], []>, transpose_lhs_hint = false} : vector<128x3xf32>, vector<3x1xf32>, vector<128x1xf32> -> vector<128x1xf32>
    %dot_general3A_19 = arith.constant dense<0.000000e+00> : vector<128x3xf32>
    %dot_general3A_20 = tpu.matmul %get3A_1, %sub3A, %dot_general3A_19 {dimension_numbers = #tpu.dot_dimension_numbers<[1], [0], [0], [1], [0, 0, 1, 1], [], []>, transpose_lhs_hint = false} : vector<128x3xf32>, vector<3x3xf32>, vector<128x3xf32> -> vector<128x3xf32>
    %mul3A = arith.mulf %dot_general3A_20, %get3A_1 : vector<128x3xf32>
    %reduce_sum3A = arith.constant dense<0.000000e+00> : vector<128xf32>
    %reduce_sum3A_21 = vector.multi_reduction <add>, %mul3A, %reduce_sum3A [1] : vector<128x3xf32> to vector<128xf32>
    %broadcast_in_dim3A = vector.shape_cast %reduce_sum3A_21 : vector<128xf32> to vector<128x1xf32>
    %get3A_22 = arith.constant 0 : index
    %get3A_23 = arith.constant 0 : index
    %get3A_24 = vector.load %arg6[%get3A_22, %get3A_23] : memref<128x1xf32, #tpu.memory_space<vmem>>, vector<128x1xf32>
    %add3A = arith.constant 9.99999974E-6 : f32
    %add3A_25 = vector.broadcast %add3A : f32 to vector<128x1xf32>
    %add3A_26 = arith.addf %broadcast_in_dim3A, %add3A_25 : vector<128x1xf32>
    %rsqrt3A = math.rsqrt %add3A_26 : vector<128x1xf32>
    %mul3A_27 = arith.mulf %get3A_24, %rsqrt3A : vector<128x1xf32>
    %get3A_28 = arith.constant 0 : index
    %get3A_29 = arith.constant 0 : index
    %get3A_30 = vector.load %arg7[%get3A_28, %get3A_29] : memref<128x1xf32, #tpu.memory_space<vmem>>, vector<128x1xf32>
    %mul3A_31 = arith.mulf %dot_general3A_18, %mul3A_27 : vector<128x1xf32>
    %sub3A_32 = arith.subf %get3A_30, %mul3A_31 : vector<128x1xf32>
    %get3A_33 = arith.constant 0 : index
    %get3A_34 = arith.constant 0 : index
    %get3A_35 = arith.constant 0 : index
    %get3A_36 = arith.constant 0 : index
    %get3A_37 = vector.load %arg2[%get3A_33, %get3A_34, %get3A_35, %get3A_36] : memref<1x16x3x512xf32, #tpu.memory_space<vmem>>, vector<1x1x3x512xf32>
    %get3A_38 = vector.shape_cast %get3A_37 : vector<1x1x3x512xf32> to vector<3x512xf32>
    %get3A_39 = arith.constant 0 : index
    %get3A_40 = arith.constant 1 : index
    %get3A_41 = arith.constant 0 : index
    %get3A_42 = arith.constant 0 : index
    %get3A_43 = vector.load %arg2[%get3A_39, %get3A_40, %get3A_41, %get3A_42] : memref<1x16x3x512xf32, #tpu.memory_space<vmem>>, vector<1x1x3x512xf32>
    %get3A_44 = vector.shape_cast %get3A_43 : vector<1x1x3x512xf32> to vector<3x512xf32>
    %get3A_45 = arith.constant 0 : index
    %get3A_46 = arith.constant 2 : index
    %get3A_47 = arith.constant 0 : index
    %get3A_48 = arith.constant 0 : index
    %get3A_49 = vector.load %arg2[%get3A_45, %get3A_46, %get3A_47, %get3A_48] : memref<1x16x3x512xf32, #tpu.memory_space<vmem>>, vector<1x1x3x512xf32>
    %get3A_50 = vector.shape_cast %get3A_49 : vector<1x1x3x512xf32> to vector<3x512xf32>
    %get3A_51 = arith.constant 0 : index
    %get3A_52 = arith.constant 3 : index
    %get3A_53 = arith.constant 0 : index
    %get3A_54 = arith.constant 0 : index
    %get3A_55 = vector.load %arg2[%get3A_51, %get3A_52, %get3A_53, %get3A_54] : memref<1x16x3x512xf32, #tpu.memory_space<vmem>>, vector<1x1x3x512xf32>
    %get3A_56 = vector.shape_cast %get3A_55 : vector<1x1x3x512xf32> to vector<3x512xf32>
    %get3A_57 = arith.constant 0 : index
    %get3A_58 = arith.constant 4 : index
    %get3A_59 = arith.constant 0 : index
    %get3A_60 = arith.constant 0 : index
    %get3A_61 = vector.load %arg2[%get3A_57, %get3A_58, %get3A_59, %get3A_60] : memref<1x16x3x512xf32, #tpu.memory_space<vmem>>, vector<1x1x3x512xf32>
    %get3A_62 = vector.shape_cast %get3A_61 : vector<1x1x3x512xf32> to vector<3x512xf32>
    %get3A_63 = arith.constant 0 : index
    %get3A_64 = arith.constant 5 : index
    %get3A_65 = arith.constant 0 : index
    %get3A_66 = arith.constant 0 : index
    %get3A_67 = vector.load %arg2[%get3A_63, %get3A_64, %get3A_65, %get3A_66] : memref<1x16x3x512xf32, #tpu.memory_space<vmem>>, vector<1x1x3x512xf32>
    %get3A_68 = vector.shape_cast %get3A_67 : vector<1x1x3x512xf32> to vector<3x512xf32>
    %get3A_69 = arith.constant 0 : index
    %get3A_70 = arith.constant 6 : index
    %get3A_71 = arith.constant 0 : index
    %get3A_72 = arith.constant 0 : index
    %get3A_73 = vector.load %arg2[%get3A_69, %get3A_70, %get3A_71, %get3A_72] : memref<1x16x3x512xf32, #tpu.memory_space<vmem>>, vector<1x1x3x512xf32>
    %get3A_74 = vector.shape_cast %get3A_73 : vector<1x1x3x512xf32> to vector<3x512xf32>
    %get3A_75 = arith.constant 0 : index
    %get3A_76 = arith.constant 7 : index
    %get3A_77 = arith.constant 0 : index
    %get3A_78 = arith.constant 0 : index
    %get3A_79 = vector.load %arg2[%get3A_75, %get3A_76, %get3A_77, %get3A_78] : memref<1x16x3x512xf32, #tpu.memory_space<vmem>>, vector<1x1x3x512xf32>
    %get3A_80 = vector.shape_cast %get3A_79 : vector<1x1x3x512xf32> to vector<3x512xf32>
    %get3A_81 = arith.constant 0 : index
    %get3A_82 = arith.constant 8 : index
    %get3A_83 = arith.constant 0 : index
    %get3A_84 = arith.constant 0 : index
    %get3A_85 = vector.load %arg2[%get3A_81, %get3A_82, %get3A_83, %get3A_84] : memref<1x16x3x512xf32, #tpu.memory_space<vmem>>, vector<1x1x3x512xf32>
    %get3A_86 = vector.shape_cast %get3A_85 : vector<1x1x3x512xf32> to vector<3x512xf32>
    %get3A_87 = arith.constant 0 : index
    %get3A_88 = arith.constant 9 : index
    %get3A_89 = arith.constant 0 : index
    %get3A_90 = arith.constant 0 : index
    %get3A_91 = vector.load %arg2[%get3A_87, %get3A_88, %get3A_89, %get3A_90] : memref<1x16x3x512xf32, #tpu.memory_space<vmem>>, vector<1x1x3x512xf32>
    %get3A_92 = vector.shape_cast %get3A_91 : vector<1x1x3x512xf32> to vector<3x512xf32>
    %get3A_93 = arith.constant 0 : index
    %get3A_94 = arith.constant 10 : index
    %get3A_95 = arith.constant 0 : index
    %get3A_96 = arith.constant 0 : index
    %get3A_97 = vector.load %arg2[%get3A_93, %get3A_94, %get3A_95, %get3A_96] : memref<1x16x3x512xf32, #tpu.memory_space<vmem>>, vector<1x1x3x512xf32>
    %get3A_98 = vector.shape_cast %get3A_97 : vector<1x1x3x512xf32> to vector<3x512xf32>
    %get3A_99 = arith.constant 0 : index
    %get3A_100 = arith.constant 11 : index
    %get3A_101 = arith.constant 0 : index
    %get3A_102 = arith.constant 0 : index
    %get3A_103 = vector.load %arg2[%get3A_99, %get3A_100, %get3A_101, %get3A_102] : memref<1x16x3x512xf32, #tpu.memory_space<vmem>>, vector<1x1x3x512xf32>
    %get3A_104 = vector.shape_cast %get3A_103 : vector<1x1x3x512xf32> to vector<3x512xf32>
    %get3A_105 = arith.constant 0 : index
    %get3A_106 = arith.constant 12 : index
    %get3A_107 = arith.constant 0 : index
    %get3A_108 = arith.constant 0 : index
    %get3A_109 = vector.load %arg2[%get3A_105, %get3A_106, %get3A_107, %get3A_108] : memref<1x16x3x512xf32, #tpu.memory_space<vmem>>, vector<1x1x3x512xf32>
    %get3A_110 = vector.shape_cast %get3A_109 : vector<1x1x3x512xf32> to vector<3x512xf32>
    %get3A_111 = arith.constant 0 : index
    %get3A_112 = arith.constant 13 : index
    %get3A_113 = arith.constant 0 : index
    %get3A_114 = arith.constant 0 : index
    %get3A_115 = vector.load %arg2[%get3A_111, %get3A_112, %get3A_113, %get3A_114] : memref<1x16x3x512xf32, #tpu.memory_space<vmem>>, vector<1x1x3x512xf32>
    %get3A_116 = vector.shape_cast %get3A_115 : vector<1x1x3x512xf32> to vector<3x512xf32>
    %get3A_117 = arith.constant 0 : index
    %get3A_118 = arith.constant 14 : index
    %get3A_119 = arith.constant 0 : index
    %get3A_120 = arith.constant 0 : index
    %get3A_121 = vector.load %arg2[%get3A_117, %get3A_118, %get3A_119, %get3A_120] : memref<1x16x3x512xf32, #tpu.memory_space<vmem>>, vector<1x1x3x512xf32>
    %get3A_122 = vector.shape_cast %get3A_121 : vector<1x1x3x512xf32> to vector<3x512xf32>
    %get3A_123 = arith.constant 0 : index
    %get3A_124 = arith.constant 15 : index
    %get3A_125 = arith.constant 0 : index
    %get3A_126 = arith.constant 0 : index
    %get3A_127 = vector.load %arg2[%get3A_123, %get3A_124, %get3A_125, %get3A_126] : memref<1x16x3x512xf32, #tpu.memory_space<vmem>>, vector<1x1x3x512xf32>
    %get3A_128 = vector.shape_cast %get3A_127 : vector<1x1x3x512xf32> to vector<3x512xf32>
    %concatenate3A = tpu.concatenate %get3A_38, %get3A_44, %get3A_50, %get3A_56, %get3A_62, %get3A_68, %get3A_74, %get3A_80, %get3A_86, %get3A_92, %get3A_98, %get3A_104, %get3A_110, %get3A_116, %get3A_122, %get3A_128 in 1 : vector<3x512xf32>, vector<3x512xf32>, vector<3x512xf32>, vector<3x512xf32>, vector<3x512xf32>, vector<3x512xf32>, vector<3x512xf32>, vector<3x512xf32>, vector<3x512xf32>, vector<3x512xf32>, vector<3x512xf32>, vector<3x512xf32>, vector<3x512xf32>, vector<3x512xf32>, vector<3x512xf32>, vector<3x512xf32> -> vector<3x8192xf32>
    %dot_general3A_129 = arith.constant dense<0.000000e+00> : vector<128x8192xf32>
    %dot_general3A_130 = tpu.matmul %get3A_1, %concatenate3A, %dot_general3A_129 {dimension_numbers = #tpu.dot_dimension_numbers<[1], [0], [0], [1], [0, 0, 1, 1], [], []>, transpose_lhs_hint = false} : vector<128x3xf32>, vector<3x8192xf32>, vector<128x8192xf32> -> vector<128x8192xf32>
    %mul3A_131 = vector.broadcast %mul3A_27 : vector<128x1xf32> to vector<128x8192xf32>
    %mul3A_132 = arith.mulf %dot_general3A_130, %mul3A_131 : vector<128x8192xf32>
    %add3A_133 = vector.broadcast %sub3A_32 : vector<128x1xf32> to vector<128x8192xf32>
    %add3A_134 = arith.addf %mul3A_132, %add3A_133 : vector<128x8192xf32>
    %max3A = arith.constant 0.000000e+00 : f32
    %max3A_135 = vector.broadcast %max3A : f32 to vector<128x8192xf32>
    %max3A_136 = arith.maximumf %add3A_134, %max3A_135 : vector<128x8192xf32>
    %slice3A = vector.extract_strided_slice %max3A_136 {offsets = [0, 0], sizes = [128, 512], strides = [1, 1]} : vector<128x8192xf32> to vector<128x512xf32>
    %slice3A_137 = vector.extract_strided_slice %max3A_136 {offsets = [0, 512], sizes = [128, 512], strides = [1, 1]} : vector<128x8192xf32> to vector<128x512xf32>
    %max3A_138 = arith.maximumf %slice3A, %slice3A_137 : vector<128x512xf32>
    %slice3A_139 = vector.extract_strided_slice %max3A_136 {offsets = [0, 1024], sizes = [128, 512], strides = [1, 1]} : vector<128x8192xf32> to vector<128x512xf32>
    %max3A_140 = arith.maximumf %max3A_138, %slice3A_139 : vector<128x512xf32>
    %slice3A_141 = vector.extract_strided_slice %max3A_136 {offsets = [0, 1536], sizes = [128, 512], strides = [1, 1]} : vector<128x8192xf32> to vector<128x512xf32>
    %max3A_142 = arith.maximumf %max3A_140, %slice3A_141 : vector<128x512xf32>
    %slice3A_143 = vector.extract_strided_slice %max3A_136 {offsets = [0, 2048], sizes = [128, 512], strides = [1, 1]} : vector<128x8192xf32> to vector<128x512xf32>
    %max3A_144 = arith.maximumf %max3A_142, %slice3A_143 : vector<128x512xf32>
    %slice3A_145 = vector.extract_strided_slice %max3A_136 {offsets = [0, 2560], sizes = [128, 512], strides = [1, 1]} : vector<128x8192xf32> to vector<128x512xf32>
    %max3A_146 = arith.maximumf %max3A_144, %slice3A_145 : vector<128x512xf32>
    %slice3A_147 = vector.extract_strided_slice %max3A_136 {offsets = [0, 3072], sizes = [128, 512], strides = [1, 1]} : vector<128x8192xf32> to vector<128x512xf32>
    %max3A_148 = arith.maximumf %max3A_146, %slice3A_147 : vector<128x512xf32>
    %slice3A_149 = vector.extract_strided_slice %max3A_136 {offsets = [0, 3584], sizes = [128, 512], strides = [1, 1]} : vector<128x8192xf32> to vector<128x512xf32>
    %max3A_150 = arith.maximumf %max3A_148, %slice3A_149 : vector<128x512xf32>
    %slice3A_151 = vector.extract_strided_slice %max3A_136 {offsets = [0, 4096], sizes = [128, 512], strides = [1, 1]} : vector<128x8192xf32> to vector<128x512xf32>
    %max3A_152 = arith.maximumf %max3A_150, %slice3A_151 : vector<128x512xf32>
    %slice3A_153 = vector.extract_strided_slice %max3A_136 {offsets = [0, 4608], sizes = [128, 512], strides = [1, 1]} : vector<128x8192xf32> to vector<128x512xf32>
    %max3A_154 = arith.maximumf %max3A_152, %slice3A_153 : vector<128x512xf32>
    %slice3A_155 = vector.extract_strided_slice %max3A_136 {offsets = [0, 5120], sizes = [128, 512], strides = [1, 1]} : vector<128x8192xf32> to vector<128x512xf32>
    %max3A_156 = arith.maximumf %max3A_154, %slice3A_155 : vector<128x512xf32>
    %slice3A_157 = vector.extract_strided_slice %max3A_136 {offsets = [0, 5632], sizes = [128, 512], strides = [1, 1]} : vector<128x8192xf32> to vector<128x512xf32>
    %max3A_158 = arith.maximumf %max3A_156, %slice3A_157 : vector<128x512xf32>
    %slice3A_159 = vector.extract_strided_slice %max3A_136 {offsets = [0, 6144], sizes = [128, 512], strides = [1, 1]} : vector<128x8192xf32> to vector<128x512xf32>
    %max3A_160 = arith.maximumf %max3A_158, %slice3A_159 : vector<128x512xf32>
    %slice3A_161 = vector.extract_strided_slice %max3A_136 {offsets = [0, 6656], sizes = [128, 512], strides = [1, 1]} : vector<128x8192xf32> to vector<128x512xf32>
    %max3A_162 = arith.maximumf %max3A_160, %slice3A_161 : vector<128x512xf32>
    %slice3A_163 = vector.extract_strided_slice %max3A_136 {offsets = [0, 7168], sizes = [128, 512], strides = [1, 1]} : vector<128x8192xf32> to vector<128x512xf32>
    %max3A_164 = arith.maximumf %max3A_162, %slice3A_163 : vector<128x512xf32>
    %slice3A_165 = vector.extract_strided_slice %max3A_136 {offsets = [0, 7680], sizes = [128, 512], strides = [1, 1]} : vector<128x8192xf32> to vector<128x512xf32>
    %max3A_166 = arith.maximumf %max3A_164, %slice3A_165 : vector<128x512xf32>
    %dot_general3A_167 = arith.constant dense<0.000000e+00> : vector<128x8192xf32>
    %dot_general3A_168 = tpu.matmul %get3A_4, %max3A_136, %dot_general3A_167 {dimension_numbers = #tpu.dot_dimension_numbers<[1], [0], [0], [1], [0, 0, 1, 1], [], []>, transpose_lhs_hint = false} : vector<128x128xf32>, vector<128x8192xf32>, vector<128x8192xf32> -> vector<128x8192xf32>
    %reduce_sum3A_169 = arith.constant dense<0.000000e+00> : vector<128xf32>
    %reduce_sum3A_170 = vector.multi_reduction <add>, %dot_general3A_168, %reduce_sum3A_169 [1] : vector<128x8192xf32> to vector<128xf32>
    %broadcast_in_dim3A_171 = vector.shape_cast %reduce_sum3A_170 : vector<128xf32> to vector<128x1xf32>
    %mul3A_172 = arith.mulf %dot_general3A_168, %dot_general3A_168 : vector<128x8192xf32>
    %reduce_sum3A_173 = arith.constant dense<0.000000e+00> : vector<128xf32>
    %reduce_sum3A_174 = vector.multi_reduction <add>, %mul3A_172, %reduce_sum3A_173 [1] : vector<128x8192xf32> to vector<128xf32>
    %broadcast_in_dim3A_175 = vector.shape_cast %reduce_sum3A_174 : vector<128xf32> to vector<128x1xf32>
    %slice3A_176 = vector.extract_strided_slice %dot_general3A_168 {offsets = [0, 0], sizes = [128, 512], strides = [1, 1]} : vector<128x8192xf32> to vector<128x512xf32>
    %swap3A = arith.constant 0 : index
    %swap3A_177 = arith.constant 0 : index
    %swap3A_178 = arith.constant 0 : index
    %swap3A_179 = arith.constant 0 : index
    %swap3A_180 = vector.load %arg9[%swap3A, %swap3A_177, %swap3A_178, %swap3A_179] : memref<1x128x4x512xf32, #tpu.memory_space<vmem>>, vector<1x128x1x512xf32>
    %swap3A_181 = vector.shape_cast %swap3A_180 : vector<1x128x1x512xf32> to vector<128x512xf32>
    %swap3A_182 = vector.shape_cast %slice3A_176 : vector<128x512xf32> to vector<1x128x1x512xf32>
    tpu.vector_store %arg9[%swap3A, %swap3A_177, %swap3A_178, %swap3A_179], %swap3A_182 {strides = array<i32>} : memref<1x128x4x512xf32, #tpu.memory_space<vmem>>, vector<1x128x1x512xf32>,
    %slice3A_183 = vector.extract_strided_slice %dot_general3A_168 {offsets = [0, 512], sizes = [128, 512], strides = [1, 1]} : vector<128x8192xf32> to vector<128x512xf32>
    %swap3A_184 = arith.constant 0 : index
    %swap3A_185 = arith.constant 0 : index
    %swap3A_186 = arith.constant 1 : index
    %swap3A_187 = arith.constant 0 : index
    %swap3A_188 = vector.load %arg9[%swap3A_184, %swap3A_185, %swap3A_186, %swap3A_187] : memref<1x128x4x512xf32, #tpu.memory_space<vmem>>, vector<1x128x1x512xf32>
    %swap3A_189 = vector.shape_cast %swap3A_188 : vector<1x128x1x512xf32> to vector<128x512xf32>
    %swap3A_190 = vector.shape_cast %slice3A_183 : vector<128x512xf32> to vector<1x128x1x512xf32>
    tpu.vector_store %arg9[%swap3A_184, %swap3A_185, %swap3A_186, %swap3A_187], %swap3A_190 {strides = array<i32>} : memref<1x128x4x512xf32, #tpu.memory_space<vmem>>, vector<1x128x1x512xf32>,
    %slice3A_191 = vector.extract_strided_slice %dot_general3A_168 {offsets = [0, 1024], sizes = [128, 512], strides = [1, 1]} : vector<128x8192xf32> to vector<128x512xf32>
    %swap3A_192 = arith.constant 0 : index
    %swap3A_193 = arith.constant 0 : index
    %swap3A_194 = arith.constant 2 : index
    %swap3A_195 = arith.constant 0 : index
    %swap3A_196 = vector.load %arg9[%swap3A_192, %swap3A_193, %swap3A_194, %swap3A_195] : memref<1x128x4x512xf32, #tpu.memory_space<vmem>>, vector<1x128x1x512xf32>
    %swap3A_197 = vector.shape_cast %swap3A_196 : vector<1x128x1x512xf32> to vector<128x512xf32>
    %swap3A_198 = vector.shape_cast %slice3A_191 : vector<128x512xf32> to vector<1x128x1x512xf32>
    tpu.vector_store %arg9[%swap3A_192, %swap3A_193, %swap3A_194, %swap3A_195], %swap3A_198 {strides = array<i32>} : memref<1x128x4x512xf32, #tpu.memory_space<vmem>>, vector<1x128x1x512xf32>,
    %slice3A_199 = vector.extract_strided_slice %dot_general3A_168 {offsets = [0, 1536], sizes = [128, 512], strides = [1, 1]} : vector<128x8192xf32> to vector<128x512xf32>
    %swap3A_200 = arith.constant 0 : index
    %swap3A_201 = arith.constant 0 : index
    %swap3A_202 = arith.constant 3 : index
    %swap3A_203 = arith.constant 0 : index
    %swap3A_204 = vector.load %arg9[%swap3A_200, %swap3A_201, %swap3A_202, %swap3A_203] : memref<1x128x4x512xf32, #tpu.memory_space<vmem>>, vector<1x128x1x512xf32>
    %swap3A_205 = vector.shape_cast %swap3A_204 : vector<1x128x1x512xf32> to vector<128x512xf32>
    %swap3A_206 = vector.shape_cast %slice3A_199 : vector<128x512xf32> to vector<1x128x1x512xf32>
    tpu.vector_store %arg9[%swap3A_200, %swap3A_201, %swap3A_202, %swap3A_203], %swap3A_206 {strides = array<i32>} : memref<1x128x4x512xf32, #tpu.memory_space<vmem>>, vector<1x128x1x512xf32>,
    %swap3A_207 = arith.constant 0 : index
    %swap3A_208 = arith.constant 0 : index
    %swap3A_209 = arith.constant 0 : index
    %swap3A_210 = vector.load %arg10[%swap3A_207, %swap3A_208, %swap3A_209] : memref<1x128x512xf32, #tpu.memory_space<vmem>>, vector<1x128x512xf32>
    %swap3A_211 = vector.shape_cast %swap3A_210 : vector<1x128x512xf32> to vector<128x512xf32>
    %swap3A_212 = vector.shape_cast %max3A_166 : vector<128x512xf32> to vector<1x128x512xf32>
    tpu.vector_store %arg10[%swap3A_207, %swap3A_208, %swap3A_209], %swap3A_212 {strides = array<i32>} : memref<1x128x512xf32, #tpu.memory_space<vmem>>, vector<1x128x512xf32>,
    %eq3A = arith.constant 0 : i32
    %eq3A_213 = arith.cmpi eq, %arg0, %eq3A : i32
    %eq3A_214 = arith.constant 0 : i32
    %eq3A_215 = arith.cmpi eq, %arg1, %eq3A_214 : i32
    %and3A = arith.andi %eq3A_213, %eq3A_215 : i1
    %convert_element_type3A = arith.extui %and3A : i1 to i32
    %cond3A = arith.constant 0 : i32
    %cond3A_216 = arith.cmpi ne, %convert_element_type3A, %cond3A : i32
    scf.if %cond3A_216 {
      %broadcast_in_dim3A_231 = arith.constant 0.000000e+00 : f32
      %broadcast_in_dim3A_232 = vector.broadcast %broadcast_in_dim3A_231 : f32 to vector<128x1xf32>
      %swap3A_233 = arith.constant 0 : index
      %swap3A_234 = arith.constant 0 : index
      %swap3A_235 = vector.load %arg11[%swap3A_233, %swap3A_234] : memref<128x1xf32, #tpu.memory_space<vmem>>, vector<128x1xf32>
      tpu.vector_store %arg11[%swap3A_233, %swap3A_234], %broadcast_in_dim3A_232 {strides = array<i32>} : memref<128x1xf32, #tpu.memory_space<vmem>>, vector<128x1xf32>,
      %broadcast_in_dim3A_236 = arith.constant 0.000000e+00 : f32
      %broadcast_in_dim3A_237 = vector.broadcast %broadcast_in_dim3A_236 : f32 to vector<128x1xf32>
      %swap3A_238 = arith.constant 0 : index
      %swap3A_239 = arith.constant 0 : index
      %swap3A_240 = vector.load %arg12[%swap3A_238, %swap3A_239] : memref<128x1xf32, #tpu.memory_space<vmem>>, vector<128x1xf32>
      tpu.vector_store %arg12[%swap3A_238, %swap3A_239], %broadcast_in_dim3A_237 {strides = array<i32>} : memref<128x1xf32, #tpu.memory_space<vmem>>, vector<128x1xf32>,
    } else {
    }
    %get3A_217 = arith.constant 0 : index
    %get3A_218 = arith.constant 0 : index
    %get3A_219 = vector.load %arg11[%get3A_217, %get3A_218] : memref<128x1xf32, #tpu.memory_space<vmem>>, vector<128x1xf32>
    %add3A_220 = arith.addf %get3A_219, %broadcast_in_dim3A_171 : vector<128x1xf32>
    %swap3A_221 = arith.constant 0 : index
    %swap3A_222 = arith.constant 0 : index
    %swap3A_223 = vector.load %arg11[%swap3A_221, %swap3A_222] : memref<128x1xf32, #tpu.memory_space<vmem>>, vector<128x1xf32>
    tpu.vector_store %arg11[%swap3A_221, %swap3A_222], %add3A_220 {strides = array<i32>} : memref<128x1xf32, #tpu.memory_space<vmem>>, vector<128x1xf32>,
    %get3A_224 = arith.constant 0 : index
    %get3A_225 = arith.constant 0 : index
    %get3A_226 = vector.load %arg12[%get3A_224, %get3A_225] : memref<128x1xf32, #tpu.memory_space<vmem>>, vector<128x1xf32>
    %add3A_227 = arith.addf %get3A_226, %broadcast_in_dim3A_175 : vector<128x1xf32>
    %swap3A_228 = arith.constant 0 : index
    %swap3A_229 = arith.constant 0 : index
    %swap3A_230 = vector.load %arg12[%swap3A_228, %swap3A_229] : memref<128x1xf32, #tpu.memory_space<vmem>>, vector<128x1xf32>
    tpu.vector_store %arg12[%swap3A_228, %swap3A_229], %add3A_227 {strides = array<i32>} : memref<128x1xf32, #tpu.memory_space<vmem>>, vector<128x1xf32>,
    return
  }
  func.func @transform_0(%arg0: i32, %arg1: i32) -> (i32, i32, i32, i32) {
    %c0_i32 = arith.constant 0 : i32
    %c0_i32_0 = arith.constant 0 : i32
    %c0_i32_1 = arith.constant 0 : i32
    return %arg0, %c0_i32, %c0_i32_0, %arg1 : i32, i32, i32, i32
  }
  func.func @transform_1(%arg0: i32, %arg1: i32) -> (i32, i32) {
    %c0_i32 = arith.constant 0 : i32
    %c0_i32_0 = arith.constant 0 : i32
    %c0_i32_1 = arith.constant 0 : i32
    return %c0_i32, %c0_i32_0 : i32, i32
  }
  func.func @transform_2(%arg0: i32, %arg1: i32) -> (i32, i32) {
    %c0_i32 = arith.constant 0 : i32
    %c0_i32_0 = arith.constant 0 : i32
    %c0_i32_1 = arith.constant 0 : i32
    return %c0_i32, %c0_i32_0 : i32, i32
  }
  func.func @transform_3(%arg0: i32, %arg1: i32) -> (i32, i32) {
    %c0_i32 = arith.constant 0 : i32
    %c0_i32_0 = arith.constant 0 : i32
    %c0_i32_1 = arith.constant 0 : i32
    return %c0_i32, %c0_i32_0 : i32, i32
  }
  func.func @transform_4(%arg0: i32, %arg1: i32) -> (i32, i32) {
    %c0_i32 = arith.constant 0 : i32
    %c0_i32_0 = arith.constant 0 : i32
    %c0_i32_1 = arith.constant 0 : i32
    return %c0_i32, %c0_i32_0 : i32, i32
  }
  func.func @transform_5(%arg0: i32, %arg1: i32) -> (i32, i32) {
    %c0_i32 = arith.constant 0 : i32
    %c0_i32_0 = arith.constant 0 : i32
    %c0_i32_1 = arith.constant 0 : i32
    return %c0_i32, %c0_i32_0 : i32, i32
  }
  func.func @transform_6(%arg0: i32, %arg1: i32) -> (i32, i32) {
    %c0_i32 = arith.constant 0 : i32
    %c0_i32_0 = arith.constant 0 : i32
    %c0_i32_1 = arith.constant 0 : i32
    return %c0_i32, %c0_i32_0 : i32, i32
  }
  func.func @transform_7(%arg0: i32, %arg1: i32) -> (i32, i32, i32, i32) {
    %c0_i32 = arith.constant 0 : i32
    %c0_i32_0 = arith.constant 0 : i32
    %c0_i32_1 = arith.constant 0 : i32
    return %arg0, %c0_i32, %c0_i32_0, %arg1 : i32, i32, i32, i32
  }
  func.func @transform_8(%arg0: i32, %arg1: i32) -> (i32, i32, i32) {
    %c0_i32 = arith.constant 0 : i32
    %c0_i32_0 = arith.constant 0 : i32
    return %arg0, %c0_i32, %arg1 : i32, i32, i32
  }
  func.func @transform_9(%arg0: i32, %arg1: i32) -> (i32, i32) {
    %c0_i32 = arith.constant 0 : i32
    %c0_i32_0 = arith.constant 0 : i32
    %c0_i32_1 = arith.constant 0 : i32
    return %c0_i32, %c0_i32_0 : i32, i32
  }
  func.func @transform_10(%arg0: i32, %arg1: i32) -> (i32, i32) {
    %c0_i32 = arith.constant 0 : i32
    %c0_i32_0 = arith.constant 0 : i32
    %c0_i32_1 = arith.constant 0 : i32
    return %c0_i32, %c0_i32_0 : i32, i32
  }
}

module attributes {stable_mosaic.version = 14 : i64} {
  func.func @_out_body(%arg0: i32, %arg1: i32, %arg2: memref<1x128x4x512xf32, #tpu.memory_space<vmem>>, %arg3: memref<1x128x512xf32, #tpu.memory_space<vmem>>, %arg4: memref<1x4x512x128xf32, #tpu.memory_space<vmem>>, %arg5: memref<128x1xf32, #tpu.memory_space<vmem>>, %arg6: memref<128x1xf32, #tpu.memory_space<vmem>>, %arg7: memref<128x1xf32, #tpu.memory_space<vmem>>, %arg8: memref<128x1xf32, #tpu.memory_space<vmem>>, %arg9: memref<1x128xf32, #tpu.memory_space<vmem>>, %arg10: memref<1x128xf32, #tpu.memory_space<vmem>>, %arg11: memref<1x1xf32, #tpu.memory_space<vmem>>, %arg12: memref<1x128x512xf32, #tpu.memory_space<vmem>>) attributes {dimension_semantics = [#tpu.dimension_semantics<arbitrary>, #tpu.dimension_semantics<arbitrary>], iteration_bounds = array<i64: 4, 8>, scalar_prefetch = 0 : i64, scratch_operands = 0 : i64, tpu.core_type = #tpu.core_type<tc>, window_params = [{transform_indices = @transform_0, window_bounds = array<i64: 1, 128, 4, 512>}, {transform_indices = @transform_1, window_bounds = array<i64: 1, 128, 512>}, {transform_indices = @transform_2, window_bounds = array<i64: 1, 4, 512, 128>}, {pipeline_mode = #tpu.pipeline_mode<synchronous>, transform_indices = @transform_3, window_bounds = array<i64: 128, 1>}, {pipeline_mode = #tpu.pipeline_mode<synchronous>, transform_indices = @transform_4, window_bounds = array<i64: 128, 1>}, {pipeline_mode = #tpu.pipeline_mode<synchronous>, transform_indices = @transform_5, window_bounds = array<i64: 128, 1>}, {pipeline_mode = #tpu.pipeline_mode<synchronous>, transform_indices = @transform_6, window_bounds = array<i64: 128, 1>}, {pipeline_mode = #tpu.pipeline_mode<synchronous>, transform_indices = @transform_7, window_bounds = array<i64: 1, 128>}, {pipeline_mode = #tpu.pipeline_mode<synchronous>, transform_indices = @transform_8, window_bounds = array<i64: 1, 128>}, {pipeline_mode = #tpu.pipeline_mode<synchronous>, transform_indices = @transform_9, window_bounds = array<i64: 1, 1>}, {transform_indices = @transform_10, window_bounds = array<i64: 1, 128, 512>}]} {
    %get3A = arith.constant 0 : index
    %get3A_0 = arith.constant 0 : index
    %get3A_1 = vector.load %arg5[%get3A, %get3A_0] : memref<128x1xf32, #tpu.memory_space<vmem>>, vector<128x1xf32>
    %div3A = arith.constant 2.621440e+05 : f32
    %div3A_2 = vector.broadcast %div3A : f32 to vector<128x1xf32>
    %div3A_3 = arith.divf %get3A_1, %div3A_2 : vector<128x1xf32>
    %get3A_4 = arith.constant 0 : index
    %get3A_5 = arith.constant 0 : index
    %get3A_6 = vector.load %arg6[%get3A_4, %get3A_5] : memref<128x1xf32, #tpu.memory_space<vmem>>, vector<128x1xf32>
    %div3A_7 = arith.constant 2.621440e+05 : f32
    %div3A_8 = vector.broadcast %div3A_7 : f32 to vector<128x1xf32>
    %div3A_9 = arith.divf %get3A_6, %div3A_8 : vector<128x1xf32>
    %mul3A = arith.mulf %div3A_3, %div3A_3 : vector<128x1xf32>
    %sub3A = arith.subf %div3A_9, %mul3A : vector<128x1xf32>
    %get3A_10 = arith.constant 0 : index
    %get3A_11 = arith.constant 0 : index
    %get3A_12 = vector.load %arg7[%get3A_10, %get3A_11] : memref<128x1xf32, #tpu.memory_space<vmem>>, vector<128x1xf32>
    %add3A = arith.constant 9.99999974E-6 : f32
    %add3A_13 = vector.broadcast %add3A : f32 to vector<128x1xf32>
    %add3A_14 = arith.addf %sub3A, %add3A_13 : vector<128x1xf32>
    %rsqrt3A = math.rsqrt %add3A_14 : vector<128x1xf32>
    %mul3A_15 = arith.mulf %get3A_12, %rsqrt3A : vector<128x1xf32>
    %get3A_16 = arith.constant 0 : index
    %get3A_17 = arith.constant 0 : index
    %get3A_18 = vector.load %arg8[%get3A_16, %get3A_17] : memref<128x1xf32, #tpu.memory_space<vmem>>, vector<128x1xf32>
    %mul3A_19 = arith.mulf %div3A_3, %mul3A_15 : vector<128x1xf32>
    %sub3A_20 = arith.subf %get3A_18, %mul3A_19 : vector<128x1xf32>
    %get3A_21 = arith.constant 0 : index
    %get3A_22 = arith.constant 0 : index
    %get3A_23 = arith.constant 0 : index
    %get3A_24 = vector.load %arg3[%get3A_21, %get3A_22, %get3A_23] : memref<1x128x512xf32, #tpu.memory_space<vmem>>, vector<1x128x512xf32>
    %get3A_25 = vector.shape_cast %get3A_24 : vector<1x128x512xf32> to vector<128x512xf32>
    %get3A_26 = arith.constant 0 : index
    %get3A_27 = arith.constant 0 : index
    %get3A_28 = vector.load %arg10[%get3A_26, %get3A_27] : memref<1x128xf32, #tpu.memory_space<vmem>>, vector<1x128xf32>
    %dot_general3A = arith.constant dense<0.000000e+00> : vector<1x512xf32>
    %dot_general3A_29 = tpu.matmul %get3A_28, %get3A_25, %dot_general3A {dimension_numbers = #tpu.dot_dimension_numbers<[1], [0], [0], [1], [0, 0, 1, 1], [], []>, transpose_lhs_hint = false} : vector<1x128xf32>, vector<128x512xf32>, vector<1x512xf32> -> vector<1x512xf32>
    %get3A_30 = arith.constant 0 : index
    %get3A_31 = arith.constant 0 : index
    %get3A_32 = vector.load %arg11[%get3A_30, %get3A_31] : memref<1x1xf32, #tpu.memory_space<vmem>>, vector<1x1xf32>
    %add3A_33 = vector.broadcast %get3A_32 : vector<1x1xf32> to vector<1x512xf32>
    %add3A_34 = arith.addf %dot_general3A_29, %add3A_33 : vector<1x512xf32>
    %get3A_35 = arith.constant 0 : index
    %get3A_36 = arith.constant 0 : index
    %get3A_37 = arith.constant 0 : index
    %get3A_38 = arith.constant 0 : index
    %get3A_39 = vector.load %arg2[%get3A_35, %get3A_36, %get3A_37, %get3A_38] : memref<1x128x4x512xf32, #tpu.memory_space<vmem>>, vector<1x128x1x512xf32>
    %get3A_40 = vector.shape_cast %get3A_39 : vector<1x128x1x512xf32> to vector<128x512xf32>
    %mul3A_41 = vector.broadcast %mul3A_15 : vector<128x1xf32> to vector<128x512xf32>
    %mul3A_42 = arith.mulf %get3A_40, %mul3A_41 : vector<128x512xf32>
    %add3A_43 = vector.broadcast %sub3A_20 : vector<128x1xf32> to vector<128x512xf32>
    %add3A_44 = arith.addf %mul3A_42, %add3A_43 : vector<128x512xf32>
    %max3A = arith.constant 0.000000e+00 : f32
    %max3A_45 = vector.broadcast %max3A : f32 to vector<128x512xf32>
    %max3A_46 = arith.maximumf %add3A_44, %max3A_45 : vector<128x512xf32>
    %get3A_47 = arith.constant 0 : index
    %get3A_48 = arith.constant 0 : index
    %get3A_49 = vector.load %arg9[%get3A_47, %get3A_48] : memref<1x128xf32, #tpu.memory_space<vmem>>, vector<1x128xf32>
    %dot_general3A_50 = arith.constant dense<0.000000e+00> : vector<1x512xf32>
    %dot_general3A_51 = tpu.matmul %get3A_49, %max3A_46, %dot_general3A_50 {dimension_numbers = #tpu.dot_dimension_numbers<[1], [0], [0], [1], [0, 0, 1, 1], [], []>, transpose_lhs_hint = false} : vector<1x128xf32>, vector<128x512xf32>, vector<1x512xf32> -> vector<1x512xf32>
    %add3A_52 = arith.addf %dot_general3A_51, %add3A_34 : vector<1x512xf32>
    %logistic3A = arith.negf %add3A_52 : vector<1x512xf32>
    %logistic3A_53 = math.exp %logistic3A : vector<1x512xf32>
    %logistic3A_54 = arith.constant 1.000000e+00 : f32
    %logistic3A_55 = vector.broadcast %logistic3A_54 : f32 to vector<1x512xf32>
    %logistic3A_56 = arith.addf %logistic3A_55, %logistic3A_53 : vector<1x512xf32>
    %logistic3A_57 = arith.divf %logistic3A_55, %logistic3A_56 : vector<1x512xf32>
    %get3A_58 = arith.constant 0 : index
    %get3A_59 = arith.constant 0 : index
    %get3A_60 = arith.constant 0 : index
    %get3A_61 = arith.constant 0 : index
    %get3A_62 = vector.load %arg4[%get3A_58, %get3A_59, %get3A_60, %get3A_61] : memref<1x4x512x128xf32, #tpu.memory_space<vmem>>, vector<1x1x512x128xf32>
    %get3A_63 = vector.shape_cast %get3A_62 : vector<1x1x512x128xf32> to vector<512x128xf32>
    %transpose3A = tpu.transpose %get3A_63, [1, 0] : vector<512x128xf32> -> vector<128x512xf32>
    %sub3A_64 = arith.constant 1.000000e+00 : f32
    %sub3A_65 = vector.broadcast %sub3A_64 : f32 to vector<1x512xf32>
    %sub3A_66 = arith.subf %sub3A_65, %logistic3A_57 : vector<1x512xf32>
    %mul3A_67 = vector.broadcast %sub3A_66 : vector<1x512xf32> to vector<128x512xf32>
    %mul3A_68 = arith.mulf %mul3A_67, %max3A_46 : vector<128x512xf32>
    %mul3A_69 = vector.broadcast %logistic3A_57 : vector<1x512xf32> to vector<128x512xf32>
    %mul3A_70 = arith.mulf %mul3A_69, %transpose3A : vector<128x512xf32>
    %add3A_71 = arith.addf %mul3A_68, %mul3A_70 : vector<128x512xf32>
    %get3A_72 = arith.constant 0 : index
    %get3A_73 = arith.constant 0 : index
    %get3A_74 = arith.constant 1 : index
    %get3A_75 = arith.constant 0 : index
    %get3A_76 = vector.load %arg2[%get3A_72, %get3A_73, %get3A_74, %get3A_75] : memref<1x128x4x512xf32, #tpu.memory_space<vmem>>, vector<1x128x1x512xf32>
    %get3A_77 = vector.shape_cast %get3A_76 : vector<1x128x1x512xf32> to vector<128x512xf32>
    %mul3A_78 = vector.broadcast %mul3A_15 : vector<128x1xf32> to vector<128x512xf32>
    %mul3A_79 = arith.mulf %get3A_77, %mul3A_78 : vector<128x512xf32>
    %add3A_80 = vector.broadcast %sub3A_20 : vector<128x1xf32> to vector<128x512xf32>
    %add3A_81 = arith.addf %mul3A_79, %add3A_80 : vector<128x512xf32>
    %max3A_82 = arith.constant 0.000000e+00 : f32
    %max3A_83 = vector.broadcast %max3A_82 : f32 to vector<128x512xf32>
    %max3A_84 = arith.maximumf %add3A_81, %max3A_83 : vector<128x512xf32>
    %get3A_85 = arith.constant 0 : index
    %get3A_86 = arith.constant 0 : index
    %get3A_87 = vector.load %arg9[%get3A_85, %get3A_86] : memref<1x128xf32, #tpu.memory_space<vmem>>, vector<1x128xf32>
    %dot_general3A_88 = arith.constant dense<0.000000e+00> : vector<1x512xf32>
    %dot_general3A_89 = tpu.matmul %get3A_87, %max3A_84, %dot_general3A_88 {dimension_numbers = #tpu.dot_dimension_numbers<[1], [0], [0], [1], [0, 0, 1, 1], [], []>, transpose_lhs_hint = false} : vector<1x128xf32>, vector<128x512xf32>, vector<1x512xf32> -> vector<1x512xf32>
    %add3A_90 = arith.addf %dot_general3A_89, %add3A_34 : vector<1x512xf32>
    %logistic3A_91 = arith.negf %add3A_90 : vector<1x512xf32>
    %logistic3A_92 = math.exp %logistic3A_91 : vector<1x512xf32>
    %logistic3A_93 = arith.constant 1.000000e+00 : f32
    %logistic3A_94 = vector.broadcast %logistic3A_93 : f32 to vector<1x512xf32>
    %logistic3A_95 = arith.addf %logistic3A_94, %logistic3A_92 : vector<1x512xf32>
    %logistic3A_96 = arith.divf %logistic3A_94, %logistic3A_95 : vector<1x512xf32>
    %get3A_97 = arith.constant 0 : index
    %get3A_98 = arith.constant 1 : index
    %get3A_99 = arith.constant 0 : index
    %get3A_100 = arith.constant 0 : index
    %get3A_101 = vector.load %arg4[%get3A_97, %get3A_98, %get3A_99, %get3A_100] : memref<1x4x512x128xf32, #tpu.memory_space<vmem>>, vector<1x1x512x128xf32>
    %get3A_102 = vector.shape_cast %get3A_101 : vector<1x1x512x128xf32> to vector<512x128xf32>
    %transpose3A_103 = tpu.transpose %get3A_102, [1, 0] : vector<512x128xf32> -> vector<128x512xf32>
    %sub3A_104 = arith.constant 1.000000e+00 : f32
    %sub3A_105 = vector.broadcast %sub3A_104 : f32 to vector<1x512xf32>
    %sub3A_106 = arith.subf %sub3A_105, %logistic3A_96 : vector<1x512xf32>
    %mul3A_107 = vector.broadcast %sub3A_106 : vector<1x512xf32> to vector<128x512xf32>
    %mul3A_108 = arith.mulf %mul3A_107, %max3A_84 : vector<128x512xf32>
    %mul3A_109 = vector.broadcast %logistic3A_96 : vector<1x512xf32> to vector<128x512xf32>
    %mul3A_110 = arith.mulf %mul3A_109, %transpose3A_103 : vector<128x512xf32>
    %add3A_111 = arith.addf %mul3A_108, %mul3A_110 : vector<128x512xf32>
    %add3A_112 = arith.addf %add3A_71, %add3A_111 : vector<128x512xf32>
    %get3A_113 = arith.constant 0 : index
    %get3A_114 = arith.constant 0 : index
    %get3A_115 = arith.constant 2 : index
    %get3A_116 = arith.constant 0 : index
    %get3A_117 = vector.load %arg2[%get3A_113, %get3A_114, %get3A_115, %get3A_116] : memref<1x128x4x512xf32, #tpu.memory_space<vmem>>, vector<1x128x1x512xf32>
    %get3A_118 = vector.shape_cast %get3A_117 : vector<1x128x1x512xf32> to vector<128x512xf32>
    %mul3A_119 = vector.broadcast %mul3A_15 : vector<128x1xf32> to vector<128x512xf32>
    %mul3A_120 = arith.mulf %get3A_118, %mul3A_119 : vector<128x512xf32>
    %add3A_121 = vector.broadcast %sub3A_20 : vector<128x1xf32> to vector<128x512xf32>
    %add3A_122 = arith.addf %mul3A_120, %add3A_121 : vector<128x512xf32>
    %max3A_123 = arith.constant 0.000000e+00 : f32
    %max3A_124 = vector.broadcast %max3A_123 : f32 to vector<128x512xf32>
    %max3A_125 = arith.maximumf %add3A_122, %max3A_124 : vector<128x512xf32>
    %get3A_126 = arith.constant 0 : index
    %get3A_127 = arith.constant 0 : index
    %get3A_128 = vector.load %arg9[%get3A_126, %get3A_127] : memref<1x128xf32, #tpu.memory_space<vmem>>, vector<1x128xf32>
    %dot_general3A_129 = arith.constant dense<0.000000e+00> : vector<1x512xf32>
    %dot_general3A_130 = tpu.matmul %get3A_128, %max3A_125, %dot_general3A_129 {dimension_numbers = #tpu.dot_dimension_numbers<[1], [0], [0], [1], [0, 0, 1, 1], [], []>, transpose_lhs_hint = false} : vector<1x128xf32>, vector<128x512xf32>, vector<1x512xf32> -> vector<1x512xf32>
    %add3A_131 = arith.addf %dot_general3A_130, %add3A_34 : vector<1x512xf32>
    %logistic3A_132 = arith.negf %add3A_131 : vector<1x512xf32>
    %logistic3A_133 = math.exp %logistic3A_132 : vector<1x512xf32>
    %logistic3A_134 = arith.constant 1.000000e+00 : f32
    %logistic3A_135 = vector.broadcast %logistic3A_134 : f32 to vector<1x512xf32>
    %logistic3A_136 = arith.addf %logistic3A_135, %logistic3A_133 : vector<1x512xf32>
    %logistic3A_137 = arith.divf %logistic3A_135, %logistic3A_136 : vector<1x512xf32>
    %get3A_138 = arith.constant 0 : index
    %get3A_139 = arith.constant 2 : index
    %get3A_140 = arith.constant 0 : index
    %get3A_141 = arith.constant 0 : index
    %get3A_142 = vector.load %arg4[%get3A_138, %get3A_139, %get3A_140, %get3A_141] : memref<1x4x512x128xf32, #tpu.memory_space<vmem>>, vector<1x1x512x128xf32>
    %get3A_143 = vector.shape_cast %get3A_142 : vector<1x1x512x128xf32> to vector<512x128xf32>
    %transpose3A_144 = tpu.transpose %get3A_143, [1, 0] : vector<512x128xf32> -> vector<128x512xf32>
    %sub3A_145 = arith.constant 1.000000e+00 : f32
    %sub3A_146 = vector.broadcast %sub3A_145 : f32 to vector<1x512xf32>
    %sub3A_147 = arith.subf %sub3A_146, %logistic3A_137 : vector<1x512xf32>
    %mul3A_148 = vector.broadcast %sub3A_147 : vector<1x512xf32> to vector<128x512xf32>
    %mul3A_149 = arith.mulf %mul3A_148, %max3A_125 : vector<128x512xf32>
    %mul3A_150 = vector.broadcast %logistic3A_137 : vector<1x512xf32> to vector<128x512xf32>
    %mul3A_151 = arith.mulf %mul3A_150, %transpose3A_144 : vector<128x512xf32>
    %add3A_152 = arith.addf %mul3A_149, %mul3A_151 : vector<128x512xf32>
    %add3A_153 = arith.addf %add3A_112, %add3A_152 : vector<128x512xf32>
    %get3A_154 = arith.constant 0 : index
    %get3A_155 = arith.constant 0 : index
    %get3A_156 = arith.constant 3 : index
    %get3A_157 = arith.constant 0 : index
    %get3A_158 = vector.load %arg2[%get3A_154, %get3A_155, %get3A_156, %get3A_157] : memref<1x128x4x512xf32, #tpu.memory_space<vmem>>, vector<1x128x1x512xf32>
    %get3A_159 = vector.shape_cast %get3A_158 : vector<1x128x1x512xf32> to vector<128x512xf32>
    %mul3A_160 = vector.broadcast %mul3A_15 : vector<128x1xf32> to vector<128x512xf32>
    %mul3A_161 = arith.mulf %get3A_159, %mul3A_160 : vector<128x512xf32>
    %add3A_162 = vector.broadcast %sub3A_20 : vector<128x1xf32> to vector<128x512xf32>
    %add3A_163 = arith.addf %mul3A_161, %add3A_162 : vector<128x512xf32>
    %max3A_164 = arith.constant 0.000000e+00 : f32
    %max3A_165 = vector.broadcast %max3A_164 : f32 to vector<128x512xf32>
    %max3A_166 = arith.maximumf %add3A_163, %max3A_165 : vector<128x512xf32>
    %get3A_167 = arith.constant 0 : index
    %get3A_168 = arith.constant 0 : index
    %get3A_169 = vector.load %arg9[%get3A_167, %get3A_168] : memref<1x128xf32, #tpu.memory_space<vmem>>, vector<1x128xf32>
    %dot_general3A_170 = arith.constant dense<0.000000e+00> : vector<1x512xf32>
    %dot_general3A_171 = tpu.matmul %get3A_169, %max3A_166, %dot_general3A_170 {dimension_numbers = #tpu.dot_dimension_numbers<[1], [0], [0], [1], [0, 0, 1, 1], [], []>, transpose_lhs_hint = false} : vector<1x128xf32>, vector<128x512xf32>, vector<1x512xf32> -> vector<1x512xf32>
    %add3A_172 = arith.addf %dot_general3A_171, %add3A_34 : vector<1x512xf32>
    %logistic3A_173 = arith.negf %add3A_172 : vector<1x512xf32>
    %logistic3A_174 = math.exp %logistic3A_173 : vector<1x512xf32>
    %logistic3A_175 = arith.constant 1.000000e+00 : f32
    %logistic3A_176 = vector.broadcast %logistic3A_175 : f32 to vector<1x512xf32>
    %logistic3A_177 = arith.addf %logistic3A_176, %logistic3A_174 : vector<1x512xf32>
    %logistic3A_178 = arith.divf %logistic3A_176, %logistic3A_177 : vector<1x512xf32>
    %get3A_179 = arith.constant 0 : index
    %get3A_180 = arith.constant 3 : index
    %get3A_181 = arith.constant 0 : index
    %get3A_182 = arith.constant 0 : index
    %get3A_183 = vector.load %arg4[%get3A_179, %get3A_180, %get3A_181, %get3A_182] : memref<1x4x512x128xf32, #tpu.memory_space<vmem>>, vector<1x1x512x128xf32>
    %get3A_184 = vector.shape_cast %get3A_183 : vector<1x1x512x128xf32> to vector<512x128xf32>
    %transpose3A_185 = tpu.transpose %get3A_184, [1, 0] : vector<512x128xf32> -> vector<128x512xf32>
    %sub3A_186 = arith.constant 1.000000e+00 : f32
    %sub3A_187 = vector.broadcast %sub3A_186 : f32 to vector<1x512xf32>
    %sub3A_188 = arith.subf %sub3A_187, %logistic3A_178 : vector<1x512xf32>
    %mul3A_189 = vector.broadcast %sub3A_188 : vector<1x512xf32> to vector<128x512xf32>
    %mul3A_190 = arith.mulf %mul3A_189, %max3A_166 : vector<128x512xf32>
    %mul3A_191 = vector.broadcast %logistic3A_178 : vector<1x512xf32> to vector<128x512xf32>
    %mul3A_192 = arith.mulf %mul3A_191, %transpose3A_185 : vector<128x512xf32>
    %add3A_193 = arith.addf %mul3A_190, %mul3A_192 : vector<128x512xf32>
    %add3A_194 = arith.addf %add3A_153, %add3A_193 : vector<128x512xf32>
    %swap3A = arith.constant 0 : index
    %swap3A_195 = arith.constant 0 : index
    %swap3A_196 = arith.constant 0 : index
    %swap3A_197 = vector.load %arg12[%swap3A, %swap3A_195, %swap3A_196] : memref<1x128x512xf32, #tpu.memory_space<vmem>>, vector<1x128x512xf32>
    %swap3A_198 = vector.shape_cast %swap3A_197 : vector<1x128x512xf32> to vector<128x512xf32>
    %swap3A_199 = vector.shape_cast %add3A_194 : vector<128x512xf32> to vector<1x128x512xf32>
    tpu.vector_store %arg12[%swap3A, %swap3A_195, %swap3A_196], %swap3A_199 {strides = array<i32>} : memref<1x128x512xf32, #tpu.memory_space<vmem>>, vector<1x128x512xf32>,
    return
  }
  func.func @transform_0(%arg0: i32, %arg1: i32) -> (i32, i32, i32, i32) {
    %c0_i32 = arith.constant 0 : i32
    %c0_i32_0 = arith.constant 0 : i32
    %c0_i32_1 = arith.constant 0 : i32
    return %arg0, %c0_i32, %c0_i32_0, %arg1 : i32, i32, i32, i32
  }
  func.func @transform_1(%arg0: i32, %arg1: i32) -> (i32, i32, i32) {
    %c0_i32 = arith.constant 0 : i32
    %c0_i32_0 = arith.constant 0 : i32
    return %arg0, %c0_i32, %arg1 : i32, i32, i32
  }
  func.func @transform_2(%arg0: i32, %arg1: i32) -> (i32, i32, i32, i32) {
    %mul3A = arith.constant 8 : i32
    %mul3A_0 = arith.muli %arg0, %mul3A : i32
    %add3A = arith.addi %mul3A_0, %arg1 : i32
    %c0_i32 = arith.constant 0 : i32
    %c0_i32_1 = arith.constant 0 : i32
    %c0_i32_2 = arith.constant 0 : i32
    %c0_i32_3 = arith.constant 0 : i32
    return %add3A, %c0_i32, %c0_i32_1, %c0_i32_2 : i32, i32, i32, i32
  }
  func.func @transform_3(%arg0: i32, %arg1: i32) -> (i32, i32) {
    %c0_i32 = arith.constant 0 : i32
    %c0_i32_0 = arith.constant 0 : i32
    %c0_i32_1 = arith.constant 0 : i32
    return %c0_i32, %c0_i32_0 : i32, i32
  }
  func.func @transform_4(%arg0: i32, %arg1: i32) -> (i32, i32) {
    %c0_i32 = arith.constant 0 : i32
    %c0_i32_0 = arith.constant 0 : i32
    %c0_i32_1 = arith.constant 0 : i32
    return %c0_i32, %c0_i32_0 : i32, i32
  }
  func.func @transform_5(%arg0: i32, %arg1: i32) -> (i32, i32) {
    %c0_i32 = arith.constant 0 : i32
    %c0_i32_0 = arith.constant 0 : i32
    %c0_i32_1 = arith.constant 0 : i32
    return %c0_i32, %c0_i32_0 : i32, i32
  }
  func.func @transform_6(%arg0: i32, %arg1: i32) -> (i32, i32) {
    %c0_i32 = arith.constant 0 : i32
    %c0_i32_0 = arith.constant 0 : i32
    %c0_i32_1 = arith.constant 0 : i32
    return %c0_i32, %c0_i32_0 : i32, i32
  }
  func.func @transform_7(%arg0: i32, %arg1: i32) -> (i32, i32) {
    %c0_i32 = arith.constant 0 : i32
    %c0_i32_0 = arith.constant 0 : i32
    %c0_i32_1 = arith.constant 0 : i32
    return %c0_i32, %c0_i32_0 : i32, i32
  }
  func.func @transform_8(%arg0: i32, %arg1: i32) -> (i32, i32) {
    %c0_i32 = arith.constant 0 : i32
    %c0_i32_0 = arith.constant 0 : i32
    %c0_i32_1 = arith.constant 0 : i32
    return %c0_i32, %c0_i32_0 : i32, i32
  }
  func.func @transform_9(%arg0: i32, %arg1: i32) -> (i32, i32) {
    %c0_i32 = arith.constant 0 : i32
    %c0_i32_0 = arith.constant 0 : i32
    %c0_i32_1 = arith.constant 0 : i32
    return %c0_i32, %c0_i32_0 : i32, i32
  }
  func.func @transform_10(%arg0: i32, %arg1: i32) -> (i32, i32, i32) {
    %c0_i32 = arith.constant 0 : i32
    %c0_i32_0 = arith.constant 0 : i32
    return %arg0, %c0_i32, %arg1 : i32, i32, i32
  }
}

module attributes {stable_mosaic.version = 14 : i64} {
  func.func @_knn_body(%arg0: i32, %arg1: i32, %arg2: memref<1x3x2048xf32, #tpu.memory_space<vmem>>, %arg3: memref<1x3x512xf32, #tpu.memory_space<vmem>>, %arg4: memref<1x16x3x512xf32, #tpu.memory_space<vmem>>, %arg5: memref<1x1x4x512xi32, #tpu.memory_space<vmem>>, %arg6: memref<3x1xf32, #tpu.memory_space<vmem>>, %arg7: memref<3x3xf32, #tpu.memory_space<vmem>>, %arg8: memref<2048x2048xbf16, #tpu.memory_space<vmem>>) attributes {dimension_semantics = [#tpu.dimension_semantics<arbitrary>, #tpu.dimension_semantics<arbitrary>], iteration_bounds = array<i64: 4, 8>, scalar_prefetch = 0 : i64, scratch_operands = 1 : i64, tpu.core_type = #tpu.core_type<tc>, window_params = [{transform_indices = @transform_0, window_bounds = array<i64: 1, 3, 2048>}, {transform_indices = @transform_1, window_bounds = array<i64: 1, 3, 512>}, {transform_indices = @transform_2, window_bounds = array<i64: 1, 16, 3, 512>}, {transform_indices = @transform_3, window_bounds = array<i64: 1, 1, 4, 512>}, {pipeline_mode = #tpu.pipeline_mode<synchronous>, transform_indices = @transform_4, window_bounds = array<i64: 3, 1>}, {pipeline_mode = #tpu.pipeline_mode<synchronous>, transform_indices = @transform_5, window_bounds = array<i64: 3, 3>}]} {
    %get3A = arith.constant 0 : index
    %get3A_0 = arith.constant 0 : index
    %get3A_1 = arith.constant 0 : index
    %get3A_2 = vector.load %arg2[%get3A, %get3A_0, %get3A_1] : memref<1x3x2048xf32, #tpu.memory_space<vmem>>, vector<1x3x2048xf32>
    %get3A_3 = vector.shape_cast %get3A_2 : vector<1x3x2048xf32> to vector<3x2048xf32>
    %get3A_4 = arith.constant 0 : index
    %get3A_5 = arith.constant 0 : index
    %get3A_6 = arith.constant 0 : index
    %get3A_7 = vector.load %arg3[%get3A_4, %get3A_5, %get3A_6] : memref<1x3x512xf32, #tpu.memory_space<vmem>>, vector<1x3x512xf32>
    %get3A_8 = vector.shape_cast %get3A_7 : vector<1x3x512xf32> to vector<3x512xf32>
    %dot_general3A = arith.constant dense<0.000000e+00> : vector<2048x512xf32>
    %dot_general3A_9 = tpu.matmul %get3A_3, %get3A_8, %dot_general3A {dimension_numbers = #tpu.dot_dimension_numbers<[0], [0], [1], [1], [0, 1, 1, 1], [], []>, transpose_lhs_hint = false} : vector<3x2048xf32>, vector<3x512xf32>, vector<2048x512xf32> -> vector<2048x512xf32>
    %mul3A = arith.mulf %get3A_8, %get3A_8 : vector<3x512xf32>
    %reduce_sum3A = arith.constant dense<0.000000e+00> : vector<512xf32>
    %reduce_sum3A_10 = vector.multi_reduction <add>, %mul3A, %reduce_sum3A [0] : vector<3x512xf32> to vector<512xf32>
    %broadcast_in_dim3A = vector.shape_cast %reduce_sum3A_10 : vector<512xf32> to vector<1x512xf32>
    %mul3A_11 = arith.mulf %get3A_3, %get3A_3 : vector<3x2048xf32>
    %reduce_sum3A_12 = arith.constant dense<0.000000e+00> : vector<2048xf32>
    %reduce_sum3A_13 = vector.multi_reduction <add>, %mul3A_11, %reduce_sum3A_12 [0] : vector<3x2048xf32> to vector<2048xf32>
    %broadcast_in_dim3A_14 = vector.shape_cast %reduce_sum3A_13 : vector<2048xf32> to vector<1x2048xf32>
    %transpose3A = tpu.transpose %broadcast_in_dim3A_14, [1, 0] : vector<1x2048xf32> -> vector<2048x1xf32>
    %mul3A_15 = arith.constant 2.000000e+00 : f32
    %mul3A_16 = vector.broadcast %mul3A_15 : f32 to vector<2048x512xf32>
    %mul3A_17 = arith.mulf %mul3A_16, %dot_general3A_9 : vector<2048x512xf32>
    %sub3A = vector.broadcast %broadcast_in_dim3A : vector<1x512xf32> to vector<2048x512xf32>
    %sub3A_18 = arith.subf %sub3A, %mul3A_17 : vector<2048x512xf32>
    %add3A = vector.broadcast %transpose3A : vector<2048x1xf32> to vector<2048x512xf32>
    %add3A_19 = arith.addf %sub3A_18, %add3A : vector<2048x512xf32>
    %broadcast_in_dim3A_20 = arith.constant 0.000000e+00 : f32
    %broadcast_in_dim3A_21 = vector.broadcast %broadcast_in_dim3A_20 : f32 to vector<3x1xf32>
    %broadcast_in_dim3A_22 = arith.constant 0.000000e+00 : f32
    %broadcast_in_dim3A_23 = vector.broadcast %broadcast_in_dim3A_22 : f32 to vector<3x3xf32>
    %convert_element_type3A = arith.truncf %get3A_3 : vector<3x2048xf32> to vector<3x2048xbf16>
    %convert_element_type3A_24 = arith.extf %convert_element_type3A : vector<3x2048xbf16> to vector<3x2048xf32>
    %sub3A_25 = arith.subf %get3A_3, %convert_element_type3A_24 : vector<3x2048xf32>
    %convert_element_type3A_26 = arith.truncf %sub3A_25 : vector<3x2048xf32> to vector<3x2048xbf16>
    %convert_element_type3A_27 = arith.extf %convert_element_type3A_26 : vector<3x2048xbf16> to vector<3x2048xf32>
    %sub3A_28 = arith.subf %sub3A_25, %convert_element_type3A_27 : vector<3x2048xf32>
    %convert_element_type3A_29 = arith.truncf %sub3A_28 : vector<3x2048xf32> to vector<3x2048xbf16>
    %concatenate3A = tpu.concatenate %get3A_8, %get3A_8, %get3A_8, %get3A_8 in 1 : vector<3x512xf32>, vector<3x512xf32>, vector<3x512xf32>, vector<3x512xf32> -> vector<3x2048xf32>
    %iota3A = tpu.iota {dimensions = array<i32: 0>} : vector<2048x512xi32>
    %argmin3A = tpu.reduce_index %add3A_19 {axis = 0 : i32, kind = #tpu.reduction_kind<arg_min>} : vector<2048x512xf32> -> vector<512xi32>
    %broadcast_in_dim3A_30 = vector.shape_cast %argmin3A : vector<512xi32> to vector<1x512xi32>
    %eq3A = vector.broadcast %broadcast_in_dim3A_30 : vector<1x512xi32> to vector<2048x512xi32>
    %eq3A_31 = arith.cmpi eq, %iota3A, %eq3A : vector<2048x512xi32>
    %convert_element_type3A_32 = arith.extui %eq3A_31 : vector<2048x512xi1> to vector<2048x512xi32>
    %convert_element_type3A_33 = arith.sitofp %convert_element_type3A_32 : vector<2048x512xi32> to vector<2048x512xf32>
    %convert_element_type3A_34 = arith.truncf %convert_element_type3A_33 : vector<2048x512xf32> to vector<2048x512xbf16>
    %swap3A = arith.constant 0 : index
    %swap3A_35 = arith.constant 0 : index
    %swap3A_36 = vector.load %arg8[%swap3A, %swap3A_35] : memref<2048x2048xbf16, #tpu.memory_space<vmem>>, vector<2048x512xbf16>
    tpu.vector_store %arg8[%swap3A, %swap3A_35], %convert_element_type3A_34 {strides = array<i32>} : memref<2048x2048xbf16, #tpu.memory_space<vmem>>, vector<2048x512xbf16>,
    %jit3A = arith.constant 0x7F800000 : f32
    %broadcast_in_dim3A_37 = vector.broadcast %jit3A : f32 to vector<2048x512xf32>
    %select_n3A = arith.select %eq3A_31, %broadcast_in_dim3A_37, %add3A_19 : vector<2048x512xi1>, vector<2048x512xf32>
    %argmin3A_38 = tpu.reduce_index %select_n3A {axis = 0 : i32, kind = #tpu.reduction_kind<arg_min>} : vector<2048x512xf32> -> vector<512xi32>
    %broadcast_in_dim3A_39 = vector.shape_cast %argmin3A_38 : vector<512xi32> to vector<1x512xi32>
    %eq3A_40 = vector.broadcast %broadcast_in_dim3A_39 : vector<1x512xi32> to vector<2048x512xi32>
    %eq3A_41 = arith.cmpi eq, %iota3A, %eq3A_40 : vector<2048x512xi32>
    %convert_element_type3A_42 = arith.extui %eq3A_41 : vector<2048x512xi1> to vector<2048x512xi32>
    %convert_element_type3A_43 = arith.sitofp %convert_element_type3A_42 : vector<2048x512xi32> to vector<2048x512xf32>
    %convert_element_type3A_44 = arith.truncf %convert_element_type3A_43 : vector<2048x512xf32> to vector<2048x512xbf16>
    %swap3A_45 = arith.constant 0 : index
    %swap3A_46 = arith.constant 512 : index
    %swap3A_47 = vector.load %arg8[%swap3A_45, %swap3A_46] : memref<2048x2048xbf16, #tpu.memory_space<vmem>>, vector<2048x512xbf16>
    tpu.vector_store %arg8[%swap3A_45, %swap3A_46], %convert_element_type3A_44 {strides = array<i32>} : memref<2048x2048xbf16, #tpu.memory_space<vmem>>, vector<2048x512xbf16>,
    %jit3A_48 = arith.constant 0x7F800000 : f32
    %broadcast_in_dim3A_49 = vector.broadcast %jit3A_48 : f32 to vector<2048x512xf32>
    %select_n3A_50 = arith.select %eq3A_41, %broadcast_in_dim3A_49, %select_n3A : vector<2048x512xi1>, vector<2048x512xf32>
    %argmin3A_51 = tpu.reduce_index %select_n3A_50 {axis = 0 : i32, kind = #tpu.reduction_kind<arg_min>} : vector<2048x512xf32> -> vector<512xi32>
    %broadcast_in_dim3A_52 = vector.shape_cast %argmin3A_51 : vector<512xi32> to vector<1x512xi32>
    %eq3A_53 = vector.broadcast %broadcast_in_dim3A_52 : vector<1x512xi32> to vector<2048x512xi32>
    %eq3A_54 = arith.cmpi eq, %iota3A, %eq3A_53 : vector<2048x512xi32>
    %convert_element_type3A_55 = arith.extui %eq3A_54 : vector<2048x512xi1> to vector<2048x512xi32>
    %convert_element_type3A_56 = arith.sitofp %convert_element_type3A_55 : vector<2048x512xi32> to vector<2048x512xf32>
    %convert_element_type3A_57 = arith.truncf %convert_element_type3A_56 : vector<2048x512xf32> to vector<2048x512xbf16>
    %swap3A_58 = arith.constant 0 : index
    %swap3A_59 = arith.constant 1024 : index
    %swap3A_60 = vector.load %arg8[%swap3A_58, %swap3A_59] : memref<2048x2048xbf16, #tpu.memory_space<vmem>>, vector<2048x512xbf16>
    tpu.vector_store %arg8[%swap3A_58, %swap3A_59], %convert_element_type3A_57 {strides = array<i32>} : memref<2048x2048xbf16, #tpu.memory_space<vmem>>, vector<2048x512xbf16>,
    %jit3A_61 = arith.constant 0x7F800000 : f32
    %broadcast_in_dim3A_62 = vector.broadcast %jit3A_61 : f32 to vector<2048x512xf32>
    %select_n3A_63 = arith.select %eq3A_54, %broadcast_in_dim3A_62, %select_n3A_50 : vector<2048x512xi1>, vector<2048x512xf32>
    %argmin3A_64 = tpu.reduce_index %select_n3A_63 {axis = 0 : i32, kind = #tpu.reduction_kind<arg_min>} : vector<2048x512xf32> -> vector<512xi32>
    %broadcast_in_dim3A_65 = vector.shape_cast %argmin3A_64 : vector<512xi32> to vector<1x512xi32>
    %eq3A_66 = vector.broadcast %broadcast_in_dim3A_65 : vector<1x512xi32> to vector<2048x512xi32>
    %eq3A_67 = arith.cmpi eq, %iota3A, %eq3A_66 : vector<2048x512xi32>
    %convert_element_type3A_68 = arith.extui %eq3A_67 : vector<2048x512xi1> to vector<2048x512xi32>
    %convert_element_type3A_69 = arith.sitofp %convert_element_type3A_68 : vector<2048x512xi32> to vector<2048x512xf32>
    %convert_element_type3A_70 = arith.truncf %convert_element_type3A_69 : vector<2048x512xf32> to vector<2048x512xbf16>
    %swap3A_71 = arith.constant 0 : index
    %swap3A_72 = arith.constant 1536 : index
    %swap3A_73 = vector.load %arg8[%swap3A_71, %swap3A_72] : memref<2048x2048xbf16, #tpu.memory_space<vmem>>, vector<2048x512xbf16>
    tpu.vector_store %arg8[%swap3A_71, %swap3A_72], %convert_element_type3A_70 {strides = array<i32>} : memref<2048x2048xbf16, #tpu.memory_space<vmem>>, vector<2048x512xbf16>,
    %jit3A_74 = arith.constant 0x7F800000 : f32
    %broadcast_in_dim3A_75 = vector.broadcast %jit3A_74 : f32 to vector<2048x512xf32>
    %select_n3A_76 = arith.select %eq3A_67, %broadcast_in_dim3A_75, %select_n3A_63 : vector<2048x512xi1>, vector<2048x512xf32>
    %concatenate3A_77 = tpu.concatenate %broadcast_in_dim3A_30, %broadcast_in_dim3A_39, %broadcast_in_dim3A_52, %broadcast_in_dim3A_65 in 0 : vector<1x512xi32>, vector<1x512xi32>, vector<1x512xi32>, vector<1x512xi32> -> vector<4x512xi32>
    %mul3A_78 = arith.constant 2048 : i32
    %mul3A_79 = arith.muli %arg0, %mul3A_78 : i32
    %add3A_80 = vector.broadcast %mul3A_79 : i32 to vector<4x512xi32>
    %add3A_81 = arith.addi %concatenate3A_77, %add3A_80 : vector<4x512xi32>
    %swap3A_82 = arith.constant 0 : index
    %swap3A_83 = arith.constant 0 : index
    %swap3A_84 = arith.constant 0 : index
    %swap3A_85 = arith.constant 0 : index
    %swap3A_86 = vector.load %arg5[%swap3A_82, %swap3A_83, %swap3A_84, %swap3A_85] : memref<1x1x4x512xi32, #tpu.memory_space<vmem>>, vector<1x1x4x512xi32>
    %swap3A_87 = vector.shape_cast %swap3A_86 : vector<1x1x4x512xi32> to vector<4x512xi32>
    %swap3A_88 = vector.shape_cast %add3A_81 : vector<4x512xi32> to vector<1x1x4x512xi32>
    tpu.vector_store %arg5[%swap3A_82, %swap3A_83, %swap3A_84, %swap3A_85], %swap3A_88 {strides = array<i32>} : memref<1x1x4x512xi32, #tpu.memory_space<vmem>>, vector<1x1x4x512xi32>,
    %get3A_89 = arith.constant 0 : index
    %get3A_90 = arith.constant 0 : index
    %get3A_91 = vector.load %arg8[%get3A_89, %get3A_90] : memref<2048x2048xbf16, #tpu.memory_space<vmem>>, vector<2048x2048xbf16>
    %dot_general3A_92 = arith.constant dense<0.000000e+00> : vector<3x2048xf32>
    %dot_general3A_93 = tpu.matmul %convert_element_type3A, %get3A_91, %dot_general3A_92 {dimension_numbers = #tpu.dot_dimension_numbers<[1], [0], [0], [1], [0, 0, 1, 1], [], []>, transpose_lhs_hint = false} : vector<3x2048xbf16>, vector<2048x2048xbf16>, vector<3x2048xf32> -> vector<3x2048xf32>
    %dot_general3A_94 = arith.constant dense<0.000000e+00> : vector<3x2048xf32>
    %dot_general3A_95 = tpu.matmul %convert_element_type3A_26, %get3A_91, %dot_general3A_94 {dimension_numbers = #tpu.dot_dimension_numbers<[1], [0], [0], [1], [0, 0, 1, 1], [], []>, transpose_lhs_hint = false} : vector<3x2048xbf16>, vector<2048x2048xbf16>, vector<3x2048xf32> -> vector<3x2048xf32>
    %add3A_96 = arith.addf %dot_general3A_93, %dot_general3A_95 : vector<3x2048xf32>
    %dot_general3A_97 = arith.constant dense<0.000000e+00> : vector<3x2048xf32>
    %dot_general3A_98 = tpu.matmul %convert_element_type3A_29, %get3A_91, %dot_general3A_97 {dimension_numbers = #tpu.dot_dimension_numbers<[1], [0], [0], [1], [0, 0, 1, 1], [], []>, transpose_lhs_hint = false} : vector<3x2048xbf16>, vector<2048x2048xbf16>, vector<3x2048xf32> -> vector<3x2048xf32>
    %add3A_99 = arith.addf %add3A_96, %dot_general3A_98 : vector<3x2048xf32>
    %sub3A_100 = arith.subf %add3A_99, %concatenate3A : vector<3x2048xf32>
    %slice3A = vector.extract_strided_slice %sub3A_100 {offsets = [0, 0], sizes = [3, 512], strides = [1, 1]} : vector<3x2048xf32> to vector<3x512xf32>
    %swap3A_101 = arith.constant 0 : index
    %swap3A_102 = arith.constant 0 : index
    %swap3A_103 = arith.constant 0 : index
    %swap3A_104 = arith.constant 0 : index
    %swap3A_105 = vector.load %arg4[%swap3A_101, %swap3A_102, %swap3A_103, %swap3A_104] : memref<1x16x3x512xf32, #tpu.memory_space<vmem>>, vector<1x1x3x512xf32>
    %swap3A_106 = vector.shape_cast %swap3A_105 : vector<1x1x3x512xf32> to vector<3x512xf32>
    %swap3A_107 = vector.shape_cast %slice3A : vector<3x512xf32> to vector<1x1x3x512xf32>
    tpu.vector_store %arg4[%swap3A_101, %swap3A_102, %swap3A_103, %swap3A_104], %swap3A_107 {strides = array<i32>} : memref<1x16x3x512xf32, #tpu.memory_space<vmem>>, vector<1x1x3x512xf32>,
    %slice3A_108 = vector.extract_strided_slice %sub3A_100 {offsets = [0, 512], sizes = [3, 512], strides = [1, 1]} : vector<3x2048xf32> to vector<3x512xf32>
    %swap3A_109 = arith.constant 0 : index
    %swap3A_110 = arith.constant 1 : index
    %swap3A_111 = arith.constant 0 : index
    %swap3A_112 = arith.constant 0 : index
    %swap3A_113 = vector.load %arg4[%swap3A_109, %swap3A_110, %swap3A_111, %swap3A_112] : memref<1x16x3x512xf32, #tpu.memory_space<vmem>>, vector<1x1x3x512xf32>
    %swap3A_114 = vector.shape_cast %swap3A_113 : vector<1x1x3x512xf32> to vector<3x512xf32>
    %swap3A_115 = vector.shape_cast %slice3A_108 : vector<3x512xf32> to vector<1x1x3x512xf32>
    tpu.vector_store %arg4[%swap3A_109, %swap3A_110, %swap3A_111, %swap3A_112], %swap3A_115 {strides = array<i32>} : memref<1x16x3x512xf32, #tpu.memory_space<vmem>>, vector<1x1x3x512xf32>,
    %slice3A_116 = vector.extract_strided_slice %sub3A_100 {offsets = [0, 1024], sizes = [3, 512], strides = [1, 1]} : vector<3x2048xf32> to vector<3x512xf32>
    %swap3A_117 = arith.constant 0 : index
    %swap3A_118 = arith.constant 2 : index
    %swap3A_119 = arith.constant 0 : index
    %swap3A_120 = arith.constant 0 : index
    %swap3A_121 = vector.load %arg4[%swap3A_117, %swap3A_118, %swap3A_119, %swap3A_120] : memref<1x16x3x512xf32, #tpu.memory_space<vmem>>, vector<1x1x3x512xf32>
    %swap3A_122 = vector.shape_cast %swap3A_121 : vector<1x1x3x512xf32> to vector<3x512xf32>
    %swap3A_123 = vector.shape_cast %slice3A_116 : vector<3x512xf32> to vector<1x1x3x512xf32>
    tpu.vector_store %arg4[%swap3A_117, %swap3A_118, %swap3A_119, %swap3A_120], %swap3A_123 {strides = array<i32>} : memref<1x16x3x512xf32, #tpu.memory_space<vmem>>, vector<1x1x3x512xf32>,
    %slice3A_124 = vector.extract_strided_slice %sub3A_100 {offsets = [0, 1536], sizes = [3, 512], strides = [1, 1]} : vector<3x2048xf32> to vector<3x512xf32>
    %swap3A_125 = arith.constant 0 : index
    %swap3A_126 = arith.constant 3 : index
    %swap3A_127 = arith.constant 0 : index
    %swap3A_128 = arith.constant 0 : index
    %swap3A_129 = vector.load %arg4[%swap3A_125, %swap3A_126, %swap3A_127, %swap3A_128] : memref<1x16x3x512xf32, #tpu.memory_space<vmem>>, vector<1x1x3x512xf32>
    %swap3A_130 = vector.shape_cast %swap3A_129 : vector<1x1x3x512xf32> to vector<3x512xf32>
    %swap3A_131 = vector.shape_cast %slice3A_124 : vector<3x512xf32> to vector<1x1x3x512xf32>
    tpu.vector_store %arg4[%swap3A_125, %swap3A_126, %swap3A_127, %swap3A_128], %swap3A_131 {strides = array<i32>} : memref<1x16x3x512xf32, #tpu.memory_space<vmem>>, vector<1x1x3x512xf32>,
    %reduce_sum3A_132 = arith.constant dense<0.000000e+00> : vector<3xf32>
    %reduce_sum3A_133 = vector.multi_reduction <add>, %sub3A_100, %reduce_sum3A_132 [1] : vector<3x2048xf32> to vector<3xf32>
    %broadcast_in_dim3A_134 = vector.shape_cast %reduce_sum3A_133 : vector<3xf32> to vector<3x1xf32>
    %add3A_135 = arith.addf %broadcast_in_dim3A_21, %broadcast_in_dim3A_134 : vector<3x1xf32>
    %dot_general3A_136 = arith.constant dense<0.000000e+00> : vector<3x3xf32>
    %dot_general3A_137 = tpu.matmul %sub3A_100, %sub3A_100, %dot_general3A_136 {dimension_numbers = #tpu.dot_dimension_numbers<[1], [1], [0], [0], [0, 0, 1, 0], [], []>, precision = #tpu.contract_precision<fp32>, transpose_lhs_hint = false} : vector<3x2048xf32>, vector<3x2048xf32>, vector<3x3xf32> -> vector<3x3xf32>
    %add3A_138 = arith.addf %broadcast_in_dim3A_23, %dot_general3A_137 : vector<3x3xf32>
    %argmin3A_139 = tpu.reduce_index %select_n3A_76 {axis = 0 : i32, kind = #tpu.reduction_kind<arg_min>} : vector<2048x512xf32> -> vector<512xi32>
    %broadcast_in_dim3A_140 = vector.shape_cast %argmin3A_139 : vector<512xi32> to vector<1x512xi32>
    %eq3A_141 = vector.broadcast %broadcast_in_dim3A_140 : vector<1x512xi32> to vector<2048x512xi32>
    %eq3A_142 = arith.cmpi eq, %iota3A, %eq3A_141 : vector<2048x512xi32>
    %convert_element_type3A_143 = arith.extui %eq3A_142 : vector<2048x512xi1> to vector<2048x512xi32>
    %convert_element_type3A_144 = arith.sitofp %convert_element_type3A_143 : vector<2048x512xi32> to vector<2048x512xf32>
    %convert_element_type3A_145 = arith.truncf %convert_element_type3A_144 : vector<2048x512xf32> to vector<2048x512xbf16>
    %swap3A_146 = arith.constant 0 : index
    %swap3A_147 = arith.constant 0 : index
    %swap3A_148 = vector.load %arg8[%swap3A_146, %swap3A_147] : memref<2048x2048xbf16, #tpu.memory_space<vmem>>, vector<2048x512xbf16>
    tpu.vector_store %arg8[%swap3A_146, %swap3A_147], %convert_element_type3A_145 {strides = array<i32>} : memref<2048x2048xbf16, #tpu.memory_space<vmem>>, vector<2048x512xbf16>,
    %jit3A_149 = arith.constant 0x7F800000 : f32
    %broadcast_in_dim3A_150 = vector.broadcast %jit3A_149 : f32 to vector<2048x512xf32>
    %select_n3A_151 = arith.select %eq3A_142, %broadcast_in_dim3A_150, %select_n3A_76 : vector<2048x512xi1>, vector<2048x512xf32>
    %argmin3A_152 = tpu.reduce_index %select_n3A_151 {axis = 0 : i32, kind = #tpu.reduction_kind<arg_min>} : vector<2048x512xf32> -> vector<512xi32>
    %broadcast_in_dim3A_153 = vector.shape_cast %argmin3A_152 : vector<512xi32> to vector<1x512xi32>
    %eq3A_154 = vector.broadcast %broadcast_in_dim3A_153 : vector<1x512xi32> to vector<2048x512xi32>
    %eq3A_155 = arith.cmpi eq, %iota3A, %eq3A_154 : vector<2048x512xi32>
    %convert_element_type3A_156 = arith.extui %eq3A_155 : vector<2048x512xi1> to vector<2048x512xi32>
    %convert_element_type3A_157 = arith.sitofp %convert_element_type3A_156 : vector<2048x512xi32> to vector<2048x512xf32>
    %convert_element_type3A_158 = arith.truncf %convert_element_type3A_157 : vector<2048x512xf32> to vector<2048x512xbf16>
    %swap3A_159 = arith.constant 0 : index
    %swap3A_160 = arith.constant 512 : index
    %swap3A_161 = vector.load %arg8[%swap3A_159, %swap3A_160] : memref<2048x2048xbf16, #tpu.memory_space<vmem>>, vector<2048x512xbf16>
    tpu.vector_store %arg8[%swap3A_159, %swap3A_160], %convert_element_type3A_158 {strides = array<i32>} : memref<2048x2048xbf16, #tpu.memory_space<vmem>>, vector<2048x512xbf16>,
    %jit3A_162 = arith.constant 0x7F800000 : f32
    %broadcast_in_dim3A_163 = vector.broadcast %jit3A_162 : f32 to vector<2048x512xf32>
    %select_n3A_164 = arith.select %eq3A_155, %broadcast_in_dim3A_163, %select_n3A_151 : vector<2048x512xi1>, vector<2048x512xf32>
    %argmin3A_165 = tpu.reduce_index %select_n3A_164 {axis = 0 : i32, kind = #tpu.reduction_kind<arg_min>} : vector<2048x512xf32> -> vector<512xi32>
    %broadcast_in_dim3A_166 = vector.shape_cast %argmin3A_165 : vector<512xi32> to vector<1x512xi32>
    %eq3A_167 = vector.broadcast %broadcast_in_dim3A_166 : vector<1x512xi32> to vector<2048x512xi32>
    %eq3A_168 = arith.cmpi eq, %iota3A, %eq3A_167 : vector<2048x512xi32>
    %convert_element_type3A_169 = arith.extui %eq3A_168 : vector<2048x512xi1> to vector<2048x512xi32>
    %convert_element_type3A_170 = arith.sitofp %convert_element_type3A_169 : vector<2048x512xi32> to vector<2048x512xf32>
    %convert_element_type3A_171 = arith.truncf %convert_element_type3A_170 : vector<2048x512xf32> to vector<2048x512xbf16>
    %swap3A_172 = arith.constant 0 : index
    %swap3A_173 = arith.constant 1024 : index
    %swap3A_174 = vector.load %arg8[%swap3A_172, %swap3A_173] : memref<2048x2048xbf16, #tpu.memory_space<vmem>>, vector<2048x512xbf16>
    tpu.vector_store %arg8[%swap3A_172, %swap3A_173], %convert_element_type3A_171 {strides = array<i32>} : memref<2048x2048xbf16, #tpu.memory_space<vmem>>, vector<2048x512xbf16>,
    %jit3A_175 = arith.constant 0x7F800000 : f32
    %broadcast_in_dim3A_176 = vector.broadcast %jit3A_175 : f32 to vector<2048x512xf32>
    %select_n3A_177 = arith.select %eq3A_168, %broadcast_in_dim3A_176, %select_n3A_164 : vector<2048x512xi1>, vector<2048x512xf32>
    %argmin3A_178 = tpu.reduce_index %select_n3A_177 {axis = 0 : i32, kind = #tpu.reduction_kind<arg_min>} : vector<2048x512xf32> -> vector<512xi32>
    %broadcast_in_dim3A_179 = vector.shape_cast %argmin3A_178 : vector<512xi32> to vector<1x512xi32>
    %eq3A_180 = vector.broadcast %broadcast_in_dim3A_179 : vector<1x512xi32> to vector<2048x512xi32>
    %eq3A_181 = arith.cmpi eq, %iota3A, %eq3A_180 : vector<2048x512xi32>
    %convert_element_type3A_182 = arith.extui %eq3A_181 : vector<2048x512xi1> to vector<2048x512xi32>
    %convert_element_type3A_183 = arith.sitofp %convert_element_type3A_182 : vector<2048x512xi32> to vector<2048x512xf32>
    %convert_element_type3A_184 = arith.truncf %convert_element_type3A_183 : vector<2048x512xf32> to vector<2048x512xbf16>
    %swap3A_185 = arith.constant 0 : index
    %swap3A_186 = arith.constant 1536 : index
    %swap3A_187 = vector.load %arg8[%swap3A_185, %swap3A_186] : memref<2048x2048xbf16, #tpu.memory_space<vmem>>, vector<2048x512xbf16>
    tpu.vector_store %arg8[%swap3A_185, %swap3A_186], %convert_element_type3A_184 {strides = array<i32>} : memref<2048x2048xbf16, #tpu.memory_space<vmem>>, vector<2048x512xbf16>,
    %jit3A_188 = arith.constant 0x7F800000 : f32
    %broadcast_in_dim3A_189 = vector.broadcast %jit3A_188 : f32 to vector<2048x512xf32>
    %select_n3A_190 = arith.select %eq3A_181, %broadcast_in_dim3A_189, %select_n3A_177 : vector<2048x512xi1>, vector<2048x512xf32>
    %get3A_191 = arith.constant 0 : index
    %get3A_192 = arith.constant 0 : index
    %get3A_193 = vector.load %arg8[%get3A_191, %get3A_192] : memref<2048x2048xbf16, #tpu.memory_space<vmem>>, vector<2048x2048xbf16>
    %dot_general3A_194 = arith.constant dense<0.000000e+00> : vector<3x2048xf32>
    %dot_general3A_195 = tpu.matmul %convert_element_type3A, %get3A_193, %dot_general3A_194 {dimension_numbers = #tpu.dot_dimension_numbers<[1], [0], [0], [1], [0, 0, 1, 1], [], []>, transpose_lhs_hint = false} : vector<3x2048xbf16>, vector<2048x2048xbf16>, vector<3x2048xf32> -> vector<3x2048xf32>
    %dot_general3A_196 = arith.constant dense<0.000000e+00> : vector<3x2048xf32>
    %dot_general3A_197 = tpu.matmul %convert_element_type3A_26, %get3A_193, %dot_general3A_196 {dimension_numbers = #tpu.dot_dimension_numbers<[1], [0], [0], [1], [0, 0, 1, 1], [], []>, transpose_lhs_hint = false} : vector<3x2048xbf16>, vector<2048x2048xbf16>, vector<3x2048xf32> -> vector<3x2048xf32>
    %add3A_198 = arith.addf %dot_general3A_195, %dot_general3A_197 : vector<3x2048xf32>
    %dot_general3A_199 = arith.constant dense<0.000000e+00> : vector<3x2048xf32>
    %dot_general3A_200 = tpu.matmul %convert_element_type3A_29, %get3A_193, %dot_general3A_199 {dimension_numbers = #tpu.dot_dimension_numbers<[1], [0], [0], [1], [0, 0, 1, 1], [], []>, transpose_lhs_hint = false} : vector<3x2048xbf16>, vector<2048x2048xbf16>, vector<3x2048xf32> -> vector<3x2048xf32>
    %add3A_201 = arith.addf %add3A_198, %dot_general3A_200 : vector<3x2048xf32>
    %sub3A_202 = arith.subf %add3A_201, %concatenate3A : vector<3x2048xf32>
    %slice3A_203 = vector.extract_strided_slice %sub3A_202 {offsets = [0, 0], sizes = [3, 512], strides = [1, 1]} : vector<3x2048xf32> to vector<3x512xf32>
    %swap3A_204 = arith.constant 0 : index
    %swap3A_205 = arith.constant 4 : index
    %swap3A_206 = arith.constant 0 : index
    %swap3A_207 = arith.constant 0 : index
    %swap3A_208 = vector.load %arg4[%swap3A_204, %swap3A_205, %swap3A_206, %swap3A_207] : memref<1x16x3x512xf32, #tpu.memory_space<vmem>>, vector<1x1x3x512xf32>
    %swap3A_209 = vector.shape_cast %swap3A_208 : vector<1x1x3x512xf32> to vector<3x512xf32>
    %swap3A_210 = vector.shape_cast %slice3A_203 : vector<3x512xf32> to vector<1x1x3x512xf32>
    tpu.vector_store %arg4[%swap3A_204, %swap3A_205, %swap3A_206, %swap3A_207], %swap3A_210 {strides = array<i32>} : memref<1x16x3x512xf32, #tpu.memory_space<vmem>>, vector<1x1x3x512xf32>,
    %slice3A_211 = vector.extract_strided_slice %sub3A_202 {offsets = [0, 512], sizes = [3, 512], strides = [1, 1]} : vector<3x2048xf32> to vector<3x512xf32>
    %swap3A_212 = arith.constant 0 : index
    %swap3A_213 = arith.constant 5 : index
    %swap3A_214 = arith.constant 0 : index
    %swap3A_215 = arith.constant 0 : index
    %swap3A_216 = vector.load %arg4[%swap3A_212, %swap3A_213, %swap3A_214, %swap3A_215] : memref<1x16x3x512xf32, #tpu.memory_space<vmem>>, vector<1x1x3x512xf32>
    %swap3A_217 = vector.shape_cast %swap3A_216 : vector<1x1x3x512xf32> to vector<3x512xf32>
    %swap3A_218 = vector.shape_cast %slice3A_211 : vector<3x512xf32> to vector<1x1x3x512xf32>
    tpu.vector_store %arg4[%swap3A_212, %swap3A_213, %swap3A_214, %swap3A_215], %swap3A_218 {strides = array<i32>} : memref<1x16x3x512xf32, #tpu.memory_space<vmem>>, vector<1x1x3x512xf32>,
    %slice3A_219 = vector.extract_strided_slice %sub3A_202 {offsets = [0, 1024], sizes = [3, 512], strides = [1, 1]} : vector<3x2048xf32> to vector<3x512xf32>
    %swap3A_220 = arith.constant 0 : index
    %swap3A_221 = arith.constant 6 : index
    %swap3A_222 = arith.constant 0 : index
    %swap3A_223 = arith.constant 0 : index
    %swap3A_224 = vector.load %arg4[%swap3A_220, %swap3A_221, %swap3A_222, %swap3A_223] : memref<1x16x3x512xf32, #tpu.memory_space<vmem>>, vector<1x1x3x512xf32>
    %swap3A_225 = vector.shape_cast %swap3A_224 : vector<1x1x3x512xf32> to vector<3x512xf32>
    %swap3A_226 = vector.shape_cast %slice3A_219 : vector<3x512xf32> to vector<1x1x3x512xf32>
    tpu.vector_store %arg4[%swap3A_220, %swap3A_221, %swap3A_222, %swap3A_223], %swap3A_226 {strides = array<i32>} : memref<1x16x3x512xf32, #tpu.memory_space<vmem>>, vector<1x1x3x512xf32>,
    %slice3A_227 = vector.extract_strided_slice %sub3A_202 {offsets = [0, 1536], sizes = [3, 512], strides = [1, 1]} : vector<3x2048xf32> to vector<3x512xf32>
    %swap3A_228 = arith.constant 0 : index
    %swap3A_229 = arith.constant 7 : index
    %swap3A_230 = arith.constant 0 : index
    %swap3A_231 = arith.constant 0 : index
    %swap3A_232 = vector.load %arg4[%swap3A_228, %swap3A_229, %swap3A_230, %swap3A_231] : memref<1x16x3x512xf32, #tpu.memory_space<vmem>>, vector<1x1x3x512xf32>
    %swap3A_233 = vector.shape_cast %swap3A_232 : vector<1x1x3x512xf32> to vector<3x512xf32>
    %swap3A_234 = vector.shape_cast %slice3A_227 : vector<3x512xf32> to vector<1x1x3x512xf32>
    tpu.vector_store %arg4[%swap3A_228, %swap3A_229, %swap3A_230, %swap3A_231], %swap3A_234 {strides = array<i32>} : memref<1x16x3x512xf32, #tpu.memory_space<vmem>>, vector<1x1x3x512xf32>,
    %reduce_sum3A_235 = arith.constant dense<0.000000e+00> : vector<3xf32>
    %reduce_sum3A_236 = vector.multi_reduction <add>, %sub3A_202, %reduce_sum3A_235 [1] : vector<3x2048xf32> to vector<3xf32>
    %broadcast_in_dim3A_237 = vector.shape_cast %reduce_sum3A_236 : vector<3xf32> to vector<3x1xf32>
    %add3A_238 = arith.addf %add3A_135, %broadcast_in_dim3A_237 : vector<3x1xf32>
    %dot_general3A_239 = arith.constant dense<0.000000e+00> : vector<3x3xf32>
    %dot_general3A_240 = tpu.matmul %sub3A_202, %sub3A_202, %dot_general3A_239 {dimension_numbers = #tpu.dot_dimension_numbers<[1], [1], [0], [0], [0, 0, 1, 0], [], []>, precision = #tpu.contract_precision<fp32>, transpose_lhs_hint = false} : vector<3x2048xf32>, vector<3x2048xf32>, vector<3x3xf32> -> vector<3x3xf32>
    %add3A_241 = arith.addf %add3A_138, %dot_general3A_240 : vector<3x3xf32>
    %argmin3A_242 = tpu.reduce_index %select_n3A_190 {axis = 0 : i32, kind = #tpu.reduction_kind<arg_min>} : vector<2048x512xf32> -> vector<512xi32>
    %broadcast_in_dim3A_243 = vector.shape_cast %argmin3A_242 : vector<512xi32> to vector<1x512xi32>
    %eq3A_244 = vector.broadcast %broadcast_in_dim3A_243 : vector<1x512xi32> to vector<2048x512xi32>
    %eq3A_245 = arith.cmpi eq, %iota3A, %eq3A_244 : vector<2048x512xi32>
    %convert_element_type3A_246 = arith.extui %eq3A_245 : vector<2048x512xi1> to vector<2048x512xi32>
    %convert_element_type3A_247 = arith.sitofp %convert_element_type3A_246 : vector<2048x512xi32> to vector<2048x512xf32>
    %convert_element_type3A_248 = arith.truncf %convert_element_type3A_247 : vector<2048x512xf32> to vector<2048x512xbf16>
    %swap3A_249 = arith.constant 0 : index
    %swap3A_250 = arith.constant 0 : index
    %swap3A_251 = vector.load %arg8[%swap3A_249, %swap3A_250] : memref<2048x2048xbf16, #tpu.memory_space<vmem>>, vector<2048x512xbf16>
    tpu.vector_store %arg8[%swap3A_249, %swap3A_250], %convert_element_type3A_248 {strides = array<i32>} : memref<2048x2048xbf16, #tpu.memory_space<vmem>>, vector<2048x512xbf16>,
    %jit3A_252 = arith.constant 0x7F800000 : f32
    %broadcast_in_dim3A_253 = vector.broadcast %jit3A_252 : f32 to vector<2048x512xf32>
    %select_n3A_254 = arith.select %eq3A_245, %broadcast_in_dim3A_253, %select_n3A_190 : vector<2048x512xi1>, vector<2048x512xf32>
    %argmin3A_255 = tpu.reduce_index %select_n3A_254 {axis = 0 : i32, kind = #tpu.reduction_kind<arg_min>} : vector<2048x512xf32> -> vector<512xi32>
    %broadcast_in_dim3A_256 = vector.shape_cast %argmin3A_255 : vector<512xi32> to vector<1x512xi32>
    %eq3A_257 = vector.broadcast %broadcast_in_dim3A_256 : vector<1x512xi32> to vector<2048x512xi32>
    %eq3A_258 = arith.cmpi eq, %iota3A, %eq3A_257 : vector<2048x512xi32>
    %convert_element_type3A_259 = arith.extui %eq3A_258 : vector<2048x512xi1> to vector<2048x512xi32>
    %convert_element_type3A_260 = arith.sitofp %convert_element_type3A_259 : vector<2048x512xi32> to vector<2048x512xf32>
    %convert_element_type3A_261 = arith.truncf %convert_element_type3A_260 : vector<2048x512xf32> to vector<2048x512xbf16>
    %swap3A_262 = arith.constant 0 : index
    %swap3A_263 = arith.constant 512 : index
    %swap3A_264 = vector.load %arg8[%swap3A_262, %swap3A_263] : memref<2048x2048xbf16, #tpu.memory_space<vmem>>, vector<2048x512xbf16>
    tpu.vector_store %arg8[%swap3A_262, %swap3A_263], %convert_element_type3A_261 {strides = array<i32>} : memref<2048x2048xbf16, #tpu.memory_space<vmem>>, vector<2048x512xbf16>,
    %jit3A_265 = arith.constant 0x7F800000 : f32
    %broadcast_in_dim3A_266 = vector.broadcast %jit3A_265 : f32 to vector<2048x512xf32>
    %select_n3A_267 = arith.select %eq3A_258, %broadcast_in_dim3A_266, %select_n3A_254 : vector<2048x512xi1>, vector<2048x512xf32>
    %argmin3A_268 = tpu.reduce_index %select_n3A_267 {axis = 0 : i32, kind = #tpu.reduction_kind<arg_min>} : vector<2048x512xf32> -> vector<512xi32>
    %broadcast_in_dim3A_269 = vector.shape_cast %argmin3A_268 : vector<512xi32> to vector<1x512xi32>
    %eq3A_270 = vector.broadcast %broadcast_in_dim3A_269 : vector<1x512xi32> to vector<2048x512xi32>
    %eq3A_271 = arith.cmpi eq, %iota3A, %eq3A_270 : vector<2048x512xi32>
    %convert_element_type3A_272 = arith.extui %eq3A_271 : vector<2048x512xi1> to vector<2048x512xi32>
    %convert_element_type3A_273 = arith.sitofp %convert_element_type3A_272 : vector<2048x512xi32> to vector<2048x512xf32>
    %convert_element_type3A_274 = arith.truncf %convert_element_type3A_273 : vector<2048x512xf32> to vector<2048x512xbf16>
    %swap3A_275 = arith.constant 0 : index
    %swap3A_276 = arith.constant 1024 : index
    %swap3A_277 = vector.load %arg8[%swap3A_275, %swap3A_276] : memref<2048x2048xbf16, #tpu.memory_space<vmem>>, vector<2048x512xbf16>
    tpu.vector_store %arg8[%swap3A_275, %swap3A_276], %convert_element_type3A_274 {strides = array<i32>} : memref<2048x2048xbf16, #tpu.memory_space<vmem>>, vector<2048x512xbf16>,
    %jit3A_278 = arith.constant 0x7F800000 : f32
    %broadcast_in_dim3A_279 = vector.broadcast %jit3A_278 : f32 to vector<2048x512xf32>
    %select_n3A_280 = arith.select %eq3A_271, %broadcast_in_dim3A_279, %select_n3A_267 : vector<2048x512xi1>, vector<2048x512xf32>
    %argmin3A_281 = tpu.reduce_index %select_n3A_280 {axis = 0 : i32, kind = #tpu.reduction_kind<arg_min>} : vector<2048x512xf32> -> vector<512xi32>
    %broadcast_in_dim3A_282 = vector.shape_cast %argmin3A_281 : vector<512xi32> to vector<1x512xi32>
    %eq3A_283 = vector.broadcast %broadcast_in_dim3A_282 : vector<1x512xi32> to vector<2048x512xi32>
    %eq3A_284 = arith.cmpi eq, %iota3A, %eq3A_283 : vector<2048x512xi32>
    %convert_element_type3A_285 = arith.extui %eq3A_284 : vector<2048x512xi1> to vector<2048x512xi32>
    %convert_element_type3A_286 = arith.sitofp %convert_element_type3A_285 : vector<2048x512xi32> to vector<2048x512xf32>
    %convert_element_type3A_287 = arith.truncf %convert_element_type3A_286 : vector<2048x512xf32> to vector<2048x512xbf16>
    %swap3A_288 = arith.constant 0 : index
    %swap3A_289 = arith.constant 1536 : index
    %swap3A_290 = vector.load %arg8[%swap3A_288, %swap3A_289] : memref<2048x2048xbf16, #tpu.memory_space<vmem>>, vector<2048x512xbf16>
    tpu.vector_store %arg8[%swap3A_288, %swap3A_289], %convert_element_type3A_287 {strides = array<i32>} : memref<2048x2048xbf16, #tpu.memory_space<vmem>>, vector<2048x512xbf16>,
    %jit3A_291 = arith.constant 0x7F800000 : f32
    %broadcast_in_dim3A_292 = vector.broadcast %jit3A_291 : f32 to vector<2048x512xf32>
    %select_n3A_293 = arith.select %eq3A_284, %broadcast_in_dim3A_292, %select_n3A_280 : vector<2048x512xi1>, vector<2048x512xf32>
    %get3A_294 = arith.constant 0 : index
    %get3A_295 = arith.constant 0 : index
    %get3A_296 = vector.load %arg8[%get3A_294, %get3A_295] : memref<2048x2048xbf16, #tpu.memory_space<vmem>>, vector<2048x2048xbf16>
    %dot_general3A_297 = arith.constant dense<0.000000e+00> : vector<3x2048xf32>
    %dot_general3A_298 = tpu.matmul %convert_element_type3A, %get3A_296, %dot_general3A_297 {dimension_numbers = #tpu.dot_dimension_numbers<[1], [0], [0], [1], [0, 0, 1, 1], [], []>, transpose_lhs_hint = false} : vector<3x2048xbf16>, vector<2048x2048xbf16>, vector<3x2048xf32> -> vector<3x2048xf32>
    %dot_general3A_299 = arith.constant dense<0.000000e+00> : vector<3x2048xf32>
    %dot_general3A_300 = tpu.matmul %convert_element_type3A_26, %get3A_296, %dot_general3A_299 {dimension_numbers = #tpu.dot_dimension_numbers<[1], [0], [0], [1], [0, 0, 1, 1], [], []>, transpose_lhs_hint = false} : vector<3x2048xbf16>, vector<2048x2048xbf16>, vector<3x2048xf32> -> vector<3x2048xf32>
    %add3A_301 = arith.addf %dot_general3A_298, %dot_general3A_300 : vector<3x2048xf32>
    %dot_general3A_302 = arith.constant dense<0.000000e+00> : vector<3x2048xf32>
    %dot_general3A_303 = tpu.matmul %convert_element_type3A_29, %get3A_296, %dot_general3A_302 {dimension_numbers = #tpu.dot_dimension_numbers<[1], [0], [0], [1], [0, 0, 1, 1], [], []>, transpose_lhs_hint = false} : vector<3x2048xbf16>, vector<2048x2048xbf16>, vector<3x2048xf32> -> vector<3x2048xf32>
    %add3A_304 = arith.addf %add3A_301, %dot_general3A_303 : vector<3x2048xf32>
    %sub3A_305 = arith.subf %add3A_304, %concatenate3A : vector<3x2048xf32>
    %slice3A_306 = vector.extract_strided_slice %sub3A_305 {offsets = [0, 0], sizes = [3, 512], strides = [1, 1]} : vector<3x2048xf32> to vector<3x512xf32>
    %swap3A_307 = arith.constant 0 : index
    %swap3A_308 = arith.constant 8 : index
    %swap3A_309 = arith.constant 0 : index
    %swap3A_310 = arith.constant 0 : index
    %swap3A_311 = vector.load %arg4[%swap3A_307, %swap3A_308, %swap3A_309, %swap3A_310] : memref<1x16x3x512xf32, #tpu.memory_space<vmem>>, vector<1x1x3x512xf32>
    %swap3A_312 = vector.shape_cast %swap3A_311 : vector<1x1x3x512xf32> to vector<3x512xf32>
    %swap3A_313 = vector.shape_cast %slice3A_306 : vector<3x512xf32> to vector<1x1x3x512xf32>
    tpu.vector_store %arg4[%swap3A_307, %swap3A_308, %swap3A_309, %swap3A_310], %swap3A_313 {strides = array<i32>} : memref<1x16x3x512xf32, #tpu.memory_space<vmem>>, vector<1x1x3x512xf32>,
    %slice3A_314 = vector.extract_strided_slice %sub3A_305 {offsets = [0, 512], sizes = [3, 512], strides = [1, 1]} : vector<3x2048xf32> to vector<3x512xf32>
    %swap3A_315 = arith.constant 0 : index
    %swap3A_316 = arith.constant 9 : index
    %swap3A_317 = arith.constant 0 : index
    %swap3A_318 = arith.constant 0 : index
    %swap3A_319 = vector.load %arg4[%swap3A_315, %swap3A_316, %swap3A_317, %swap3A_318] : memref<1x16x3x512xf32, #tpu.memory_space<vmem>>, vector<1x1x3x512xf32>
    %swap3A_320 = vector.shape_cast %swap3A_319 : vector<1x1x3x512xf32> to vector<3x512xf32>
    %swap3A_321 = vector.shape_cast %slice3A_314 : vector<3x512xf32> to vector<1x1x3x512xf32>
    tpu.vector_store %arg4[%swap3A_315, %swap3A_316, %swap3A_317, %swap3A_318], %swap3A_321 {strides = array<i32>} : memref<1x16x3x512xf32, #tpu.memory_space<vmem>>, vector<1x1x3x512xf32>,
    %slice3A_322 = vector.extract_strided_slice %sub3A_305 {offsets = [0, 1024], sizes = [3, 512], strides = [1, 1]} : vector<3x2048xf32> to vector<3x512xf32>
    %swap3A_323 = arith.constant 0 : index
    %swap3A_324 = arith.constant 10 : index
    %swap3A_325 = arith.constant 0 : index
    %swap3A_326 = arith.constant 0 : index
    %swap3A_327 = vector.load %arg4[%swap3A_323, %swap3A_324, %swap3A_325, %swap3A_326] : memref<1x16x3x512xf32, #tpu.memory_space<vmem>>, vector<1x1x3x512xf32>
    %swap3A_328 = vector.shape_cast %swap3A_327 : vector<1x1x3x512xf32> to vector<3x512xf32>
    %swap3A_329 = vector.shape_cast %slice3A_322 : vector<3x512xf32> to vector<1x1x3x512xf32>
    tpu.vector_store %arg4[%swap3A_323, %swap3A_324, %swap3A_325, %swap3A_326], %swap3A_329 {strides = array<i32>} : memref<1x16x3x512xf32, #tpu.memory_space<vmem>>, vector<1x1x3x512xf32>,
    %slice3A_330 = vector.extract_strided_slice %sub3A_305 {offsets = [0, 1536], sizes = [3, 512], strides = [1, 1]} : vector<3x2048xf32> to vector<3x512xf32>
    %swap3A_331 = arith.constant 0 : index
    %swap3A_332 = arith.constant 11 : index
    %swap3A_333 = arith.constant 0 : index
    %swap3A_334 = arith.constant 0 : index
    %swap3A_335 = vector.load %arg4[%swap3A_331, %swap3A_332, %swap3A_333, %swap3A_334] : memref<1x16x3x512xf32, #tpu.memory_space<vmem>>, vector<1x1x3x512xf32>
    %swap3A_336 = vector.shape_cast %swap3A_335 : vector<1x1x3x512xf32> to vector<3x512xf32>
    %swap3A_337 = vector.shape_cast %slice3A_330 : vector<3x512xf32> to vector<1x1x3x512xf32>
    tpu.vector_store %arg4[%swap3A_331, %swap3A_332, %swap3A_333, %swap3A_334], %swap3A_337 {strides = array<i32>} : memref<1x16x3x512xf32, #tpu.memory_space<vmem>>, vector<1x1x3x512xf32>,
    %reduce_sum3A_338 = arith.constant dense<0.000000e+00> : vector<3xf32>
    %reduce_sum3A_339 = vector.multi_reduction <add>, %sub3A_305, %reduce_sum3A_338 [1] : vector<3x2048xf32> to vector<3xf32>
    %broadcast_in_dim3A_340 = vector.shape_cast %reduce_sum3A_339 : vector<3xf32> to vector<3x1xf32>
    %add3A_341 = arith.addf %add3A_238, %broadcast_in_dim3A_340 : vector<3x1xf32>
    %dot_general3A_342 = arith.constant dense<0.000000e+00> : vector<3x3xf32>
    %dot_general3A_343 = tpu.matmul %sub3A_305, %sub3A_305, %dot_general3A_342 {dimension_numbers = #tpu.dot_dimension_numbers<[1], [1], [0], [0], [0, 0, 1, 0], [], []>, precision = #tpu.contract_precision<fp32>, transpose_lhs_hint = false} : vector<3x2048xf32>, vector<3x2048xf32>, vector<3x3xf32> -> vector<3x3xf32>
    %add3A_344 = arith.addf %add3A_241, %dot_general3A_343 : vector<3x3xf32>
    %argmin3A_345 = tpu.reduce_index %select_n3A_293 {axis = 0 : i32, kind = #tpu.reduction_kind<arg_min>} : vector<2048x512xf32> -> vector<512xi32>
    %broadcast_in_dim3A_346 = vector.shape_cast %argmin3A_345 : vector<512xi32> to vector<1x512xi32>
    %eq3A_347 = vector.broadcast %broadcast_in_dim3A_346 : vector<1x512xi32> to vector<2048x512xi32>
    %eq3A_348 = arith.cmpi eq, %iota3A, %eq3A_347 : vector<2048x512xi32>
    %convert_element_type3A_349 = arith.extui %eq3A_348 : vector<2048x512xi1> to vector<2048x512xi32>
    %convert_element_type3A_350 = arith.sitofp %convert_element_type3A_349 : vector<2048x512xi32> to vector<2048x512xf32>
    %convert_element_type3A_351 = arith.truncf %convert_element_type3A_350 : vector<2048x512xf32> to vector<2048x512xbf16>
    %swap3A_352 = arith.constant 0 : index
    %swap3A_353 = arith.constant 0 : index
    %swap3A_354 = vector.load %arg8[%swap3A_352, %swap3A_353] : memref<2048x2048xbf16, #tpu.memory_space<vmem>>, vector<2048x512xbf16>
    tpu.vector_store %arg8[%swap3A_352, %swap3A_353], %convert_element_type3A_351 {strides = array<i32>} : memref<2048x2048xbf16, #tpu.memory_space<vmem>>, vector<2048x512xbf16>,
    %jit3A_355 = arith.constant 0x7F800000 : f32
    %broadcast_in_dim3A_356 = vector.broadcast %jit3A_355 : f32 to vector<2048x512xf32>
    %select_n3A_357 = arith.select %eq3A_348, %broadcast_in_dim3A_356, %select_n3A_293 : vector<2048x512xi1>, vector<2048x512xf32>
    %argmin3A_358 = tpu.reduce_index %select_n3A_357 {axis = 0 : i32, kind = #tpu.reduction_kind<arg_min>} : vector<2048x512xf32> -> vector<512xi32>
    %broadcast_in_dim3A_359 = vector.shape_cast %argmin3A_358 : vector<512xi32> to vector<1x512xi32>
    %eq3A_360 = vector.broadcast %broadcast_in_dim3A_359 : vector<1x512xi32> to vector<2048x512xi32>
    %eq3A_361 = arith.cmpi eq, %iota3A, %eq3A_360 : vector<2048x512xi32>
    %convert_element_type3A_362 = arith.extui %eq3A_361 : vector<2048x512xi1> to vector<2048x512xi32>
    %convert_element_type3A_363 = arith.sitofp %convert_element_type3A_362 : vector<2048x512xi32> to vector<2048x512xf32>
    %convert_element_type3A_364 = arith.truncf %convert_element_type3A_363 : vector<2048x512xf32> to vector<2048x512xbf16>
    %swap3A_365 = arith.constant 0 : index
    %swap3A_366 = arith.constant 512 : index
    %swap3A_367 = vector.load %arg8[%swap3A_365, %swap3A_366] : memref<2048x2048xbf16, #tpu.memory_space<vmem>>, vector<2048x512xbf16>
    tpu.vector_store %arg8[%swap3A_365, %swap3A_366], %convert_element_type3A_364 {strides = array<i32>} : memref<2048x2048xbf16, #tpu.memory_space<vmem>>, vector<2048x512xbf16>,
    %jit3A_368 = arith.constant 0x7F800000 : f32
    %broadcast_in_dim3A_369 = vector.broadcast %jit3A_368 : f32 to vector<2048x512xf32>
    %select_n3A_370 = arith.select %eq3A_361, %broadcast_in_dim3A_369, %select_n3A_357 : vector<2048x512xi1>, vector<2048x512xf32>
    %argmin3A_371 = tpu.reduce_index %select_n3A_370 {axis = 0 : i32, kind = #tpu.reduction_kind<arg_min>} : vector<2048x512xf32> -> vector<512xi32>
    %broadcast_in_dim3A_372 = vector.shape_cast %argmin3A_371 : vector<512xi32> to vector<1x512xi32>
    %eq3A_373 = vector.broadcast %broadcast_in_dim3A_372 : vector<1x512xi32> to vector<2048x512xi32>
    %eq3A_374 = arith.cmpi eq, %iota3A, %eq3A_373 : vector<2048x512xi32>
    %convert_element_type3A_375 = arith.extui %eq3A_374 : vector<2048x512xi1> to vector<2048x512xi32>
    %convert_element_type3A_376 = arith.sitofp %convert_element_type3A_375 : vector<2048x512xi32> to vector<2048x512xf32>
    %convert_element_type3A_377 = arith.truncf %convert_element_type3A_376 : vector<2048x512xf32> to vector<2048x512xbf16>
    %swap3A_378 = arith.constant 0 : index
    %swap3A_379 = arith.constant 1024 : index
    %swap3A_380 = vector.load %arg8[%swap3A_378, %swap3A_379] : memref<2048x2048xbf16, #tpu.memory_space<vmem>>, vector<2048x512xbf16>
    tpu.vector_store %arg8[%swap3A_378, %swap3A_379], %convert_element_type3A_377 {strides = array<i32>} : memref<2048x2048xbf16, #tpu.memory_space<vmem>>, vector<2048x512xbf16>,
    %jit3A_381 = arith.constant 0x7F800000 : f32
    %broadcast_in_dim3A_382 = vector.broadcast %jit3A_381 : f32 to vector<2048x512xf32>
    %select_n3A_383 = arith.select %eq3A_374, %broadcast_in_dim3A_382, %select_n3A_370 : vector<2048x512xi1>, vector<2048x512xf32>
    %argmin3A_384 = tpu.reduce_index %select_n3A_383 {axis = 0 : i32, kind = #tpu.reduction_kind<arg_min>} : vector<2048x512xf32> -> vector<512xi32>
    %broadcast_in_dim3A_385 = vector.shape_cast %argmin3A_384 : vector<512xi32> to vector<1x512xi32>
    %eq3A_386 = vector.broadcast %broadcast_in_dim3A_385 : vector<1x512xi32> to vector<2048x512xi32>
    %eq3A_387 = arith.cmpi eq, %iota3A, %eq3A_386 : vector<2048x512xi32>
    %convert_element_type3A_388 = arith.extui %eq3A_387 : vector<2048x512xi1> to vector<2048x512xi32>
    %convert_element_type3A_389 = arith.sitofp %convert_element_type3A_388 : vector<2048x512xi32> to vector<2048x512xf32>
    %convert_element_type3A_390 = arith.truncf %convert_element_type3A_389 : vector<2048x512xf32> to vector<2048x512xbf16>
    %swap3A_391 = arith.constant 0 : index
    %swap3A_392 = arith.constant 1536 : index
    %swap3A_393 = vector.load %arg8[%swap3A_391, %swap3A_392] : memref<2048x2048xbf16, #tpu.memory_space<vmem>>, vector<2048x512xbf16>
    tpu.vector_store %arg8[%swap3A_391, %swap3A_392], %convert_element_type3A_390 {strides = array<i32>} : memref<2048x2048xbf16, #tpu.memory_space<vmem>>, vector<2048x512xbf16>,
    %get3A_394 = arith.constant 0 : index
    %get3A_395 = arith.constant 0 : index
    %get3A_396 = vector.load %arg8[%get3A_394, %get3A_395] : memref<2048x2048xbf16, #tpu.memory_space<vmem>>, vector<2048x2048xbf16>
    %dot_general3A_397 = arith.constant dense<0.000000e+00> : vector<3x2048xf32>
    %dot_general3A_398 = tpu.matmul %convert_element_type3A, %get3A_396, %dot_general3A_397 {dimension_numbers = #tpu.dot_dimension_numbers<[1], [0], [0], [1], [0, 0, 1, 1], [], []>, transpose_lhs_hint = false} : vector<3x2048xbf16>, vector<2048x2048xbf16>, vector<3x2048xf32> -> vector<3x2048xf32>
    %dot_general3A_399 = arith.constant dense<0.000000e+00> : vector<3x2048xf32>
    %dot_general3A_400 = tpu.matmul %convert_element_type3A_26, %get3A_396, %dot_general3A_399 {dimension_numbers = #tpu.dot_dimension_numbers<[1], [0], [0], [1], [0, 0, 1, 1], [], []>, transpose_lhs_hint = false} : vector<3x2048xbf16>, vector<2048x2048xbf16>, vector<3x2048xf32> -> vector<3x2048xf32>
    %add3A_401 = arith.addf %dot_general3A_398, %dot_general3A_400 : vector<3x2048xf32>
    %dot_general3A_402 = arith.constant dense<0.000000e+00> : vector<3x2048xf32>
    %dot_general3A_403 = tpu.matmul %convert_element_type3A_29, %get3A_396, %dot_general3A_402 {dimension_numbers = #tpu.dot_dimension_numbers<[1], [0], [0], [1], [0, 0, 1, 1], [], []>, transpose_lhs_hint = false} : vector<3x2048xbf16>, vector<2048x2048xbf16>, vector<3x2048xf32> -> vector<3x2048xf32>
    %add3A_404 = arith.addf %add3A_401, %dot_general3A_403 : vector<3x2048xf32>
    %sub3A_405 = arith.subf %add3A_404, %concatenate3A : vector<3x2048xf32>
    %slice3A_406 = vector.extract_strided_slice %sub3A_405 {offsets = [0, 0], sizes = [3, 512], strides = [1, 1]} : vector<3x2048xf32> to vector<3x512xf32>
    %swap3A_407 = arith.constant 0 : index
    %swap3A_408 = arith.constant 12 : index
    %swap3A_409 = arith.constant 0 : index
    %swap3A_410 = arith.constant 0 : index
    %swap3A_411 = vector.load %arg4[%swap3A_407, %swap3A_408, %swap3A_409, %swap3A_410] : memref<1x16x3x512xf32, #tpu.memory_space<vmem>>, vector<1x1x3x512xf32>
    %swap3A_412 = vector.shape_cast %swap3A_411 : vector<1x1x3x512xf32> to vector<3x512xf32>
    %swap3A_413 = vector.shape_cast %slice3A_406 : vector<3x512xf32> to vector<1x1x3x512xf32>
    tpu.vector_store %arg4[%swap3A_407, %swap3A_408, %swap3A_409, %swap3A_410], %swap3A_413 {strides = array<i32>} : memref<1x16x3x512xf32, #tpu.memory_space<vmem>>, vector<1x1x3x512xf32>,
    %slice3A_414 = vector.extract_strided_slice %sub3A_405 {offsets = [0, 512], sizes = [3, 512], strides = [1, 1]} : vector<3x2048xf32> to vector<3x512xf32>
    %swap3A_415 = arith.constant 0 : index
    %swap3A_416 = arith.constant 13 : index
    %swap3A_417 = arith.constant 0 : index
    %swap3A_418 = arith.constant 0 : index
    %swap3A_419 = vector.load %arg4[%swap3A_415, %swap3A_416, %swap3A_417, %swap3A_418] : memref<1x16x3x512xf32, #tpu.memory_space<vmem>>, vector<1x1x3x512xf32>
    %swap3A_420 = vector.shape_cast %swap3A_419 : vector<1x1x3x512xf32> to vector<3x512xf32>
    %swap3A_421 = vector.shape_cast %slice3A_414 : vector<3x512xf32> to vector<1x1x3x512xf32>
    tpu.vector_store %arg4[%swap3A_415, %swap3A_416, %swap3A_417, %swap3A_418], %swap3A_421 {strides = array<i32>} : memref<1x16x3x512xf32, #tpu.memory_space<vmem>>, vector<1x1x3x512xf32>,
    %slice3A_422 = vector.extract_strided_slice %sub3A_405 {offsets = [0, 1024], sizes = [3, 512], strides = [1, 1]} : vector<3x2048xf32> to vector<3x512xf32>
    %swap3A_423 = arith.constant 0 : index
    %swap3A_424 = arith.constant 14 : index
    %swap3A_425 = arith.constant 0 : index
    %swap3A_426 = arith.constant 0 : index
    %swap3A_427 = vector.load %arg4[%swap3A_423, %swap3A_424, %swap3A_425, %swap3A_426] : memref<1x16x3x512xf32, #tpu.memory_space<vmem>>, vector<1x1x3x512xf32>
    %swap3A_428 = vector.shape_cast %swap3A_427 : vector<1x1x3x512xf32> to vector<3x512xf32>
    %swap3A_429 = vector.shape_cast %slice3A_422 : vector<3x512xf32> to vector<1x1x3x512xf32>
    tpu.vector_store %arg4[%swap3A_423, %swap3A_424, %swap3A_425, %swap3A_426], %swap3A_429 {strides = array<i32>} : memref<1x16x3x512xf32, #tpu.memory_space<vmem>>, vector<1x1x3x512xf32>,
    %slice3A_430 = vector.extract_strided_slice %sub3A_405 {offsets = [0, 1536], sizes = [3, 512], strides = [1, 1]} : vector<3x2048xf32> to vector<3x512xf32>
    %swap3A_431 = arith.constant 0 : index
    %swap3A_432 = arith.constant 15 : index
    %swap3A_433 = arith.constant 0 : index
    %swap3A_434 = arith.constant 0 : index
    %swap3A_435 = vector.load %arg4[%swap3A_431, %swap3A_432, %swap3A_433, %swap3A_434] : memref<1x16x3x512xf32, #tpu.memory_space<vmem>>, vector<1x1x3x512xf32>
    %swap3A_436 = vector.shape_cast %swap3A_435 : vector<1x1x3x512xf32> to vector<3x512xf32>
    %swap3A_437 = vector.shape_cast %slice3A_430 : vector<3x512xf32> to vector<1x1x3x512xf32>
    tpu.vector_store %arg4[%swap3A_431, %swap3A_432, %swap3A_433, %swap3A_434], %swap3A_437 {strides = array<i32>} : memref<1x16x3x512xf32, #tpu.memory_space<vmem>>, vector<1x1x3x512xf32>,
    %reduce_sum3A_438 = arith.constant dense<0.000000e+00> : vector<3xf32>
    %reduce_sum3A_439 = vector.multi_reduction <add>, %sub3A_405, %reduce_sum3A_438 [1] : vector<3x2048xf32> to vector<3xf32>
    %broadcast_in_dim3A_440 = vector.shape_cast %reduce_sum3A_439 : vector<3xf32> to vector<3x1xf32>
    %add3A_441 = arith.addf %add3A_341, %broadcast_in_dim3A_440 : vector<3x1xf32>
    %dot_general3A_442 = arith.constant dense<0.000000e+00> : vector<3x3xf32>
    %dot_general3A_443 = tpu.matmul %sub3A_405, %sub3A_405, %dot_general3A_442 {dimension_numbers = #tpu.dot_dimension_numbers<[1], [1], [0], [0], [0, 0, 1, 0], [], []>, precision = #tpu.contract_precision<fp32>, transpose_lhs_hint = false} : vector<3x2048xf32>, vector<3x2048xf32>, vector<3x3xf32> -> vector<3x3xf32>
    %add3A_444 = arith.addf %add3A_344, %dot_general3A_443 : vector<3x3xf32>
    %eq3A_445 = arith.constant 0 : i32
    %eq3A_446 = arith.cmpi eq, %arg0, %eq3A_445 : i32
    %eq3A_447 = arith.constant 0 : i32
    %eq3A_448 = arith.cmpi eq, %arg1, %eq3A_447 : i32
    %and3A = arith.andi %eq3A_446, %eq3A_448 : i1
    %convert_element_type3A_449 = arith.extui %and3A : i1 to i32
    %cond3A = arith.constant 0 : i32
    %cond3A_450 = arith.cmpi ne, %convert_element_type3A_449, %cond3A : i32
    scf.if %cond3A_450 {
      %broadcast_in_dim3A_465 = arith.constant 0.000000e+00 : f32
      %broadcast_in_dim3A_466 = vector.broadcast %broadcast_in_dim3A_465 : f32 to vector<3x1xf32>
      %swap3A_467 = arith.constant 0 : index
      %swap3A_468 = arith.constant 0 : index
      %swap3A_469 = vector.load %arg6[%swap3A_467, %swap3A_468] : memref<3x1xf32, #tpu.memory_space<vmem>>, vector<3x1xf32>
      tpu.vector_store %arg6[%swap3A_467, %swap3A_468], %broadcast_in_dim3A_466 {strides = array<i32>} : memref<3x1xf32, #tpu.memory_space<vmem>>, vector<3x1xf32>,
      %broadcast_in_dim3A_470 = arith.constant 0.000000e+00 : f32
      %broadcast_in_dim3A_471 = vector.broadcast %broadcast_in_dim3A_470 : f32 to vector<3x3xf32>
      %swap3A_472 = arith.constant 0 : index
      %swap3A_473 = arith.constant 0 : index
      %swap3A_474 = vector.load %arg7[%swap3A_472, %swap3A_473] : memref<3x3xf32, #tpu.memory_space<vmem>>, vector<3x3xf32>
      tpu.vector_store %arg7[%swap3A_472, %swap3A_473], %broadcast_in_dim3A_471 {strides = array<i32>} : memref<3x3xf32, #tpu.memory_space<vmem>>, vector<3x3xf32>,
    } else {
    }
    %get3A_451 = arith.constant 0 : index
    %get3A_452 = arith.constant 0 : index
    %get3A_453 = vector.load %arg6[%get3A_451, %get3A_452] : memref<3x1xf32, #tpu.memory_space<vmem>>, vector<3x1xf32>
    %add3A_454 = arith.addf %get3A_453, %add3A_441 : vector<3x1xf32>
    %swap3A_455 = arith.constant 0 : index
    %swap3A_456 = arith.constant 0 : index
    %swap3A_457 = vector.load %arg6[%swap3A_455, %swap3A_456] : memref<3x1xf32, #tpu.memory_space<vmem>>, vector<3x1xf32>
    tpu.vector_store %arg6[%swap3A_455, %swap3A_456], %add3A_454 {strides = array<i32>} : memref<3x1xf32, #tpu.memory_space<vmem>>, vector<3x1xf32>,
    %get3A_458 = arith.constant 0 : index
    %get3A_459 = arith.constant 0 : index
    %get3A_460 = vector.load %arg7[%get3A_458, %get3A_459] : memref<3x3xf32, #tpu.memory_space<vmem>>, vector<3x3xf32>
    %add3A_461 = arith.addf %get3A_460, %add3A_444 : vector<3x3xf32>
    %swap3A_462 = arith.constant 0 : index
    %swap3A_463 = arith.constant 0 : index
    %swap3A_464 = vector.load %arg7[%swap3A_462, %swap3A_463] : memref<3x3xf32, #tpu.memory_space<vmem>>, vector<3x3xf32>
    tpu.vector_store %arg7[%swap3A_462, %swap3A_463], %add3A_461 {strides = array<i32>} : memref<3x3xf32, #tpu.memory_space<vmem>>, vector<3x3xf32>,
    return
  }
  func.func @transform_0(%arg0: i32, %arg1: i32) -> (i32, i32, i32) {
    %c0_i32 = arith.constant 0 : i32
    %c0_i32_0 = arith.constant 0 : i32
    %c0_i32_1 = arith.constant 0 : i32
    return %arg0, %c0_i32, %c0_i32_0 : i32, i32, i32
  }
  func.func @transform_1(%arg0: i32, %arg1: i32) -> (i32, i32, i32) {
    %c0_i32 = arith.constant 0 : i32
    %c0_i32_0 = arith.constant 0 : i32
    return %arg0, %c0_i32, %arg1 : i32, i32, i32
  }
  func.func @transform_2(%arg0: i32, %arg1: i32) -> (i32, i32, i32, i32) {
    %c0_i32 = arith.constant 0 : i32
    %c0_i32_0 = arith.constant 0 : i32
    %c0_i32_1 = arith.constant 0 : i32
    return %arg0, %c0_i32, %c0_i32_0, %arg1 : i32, i32, i32, i32
  }
  func.func @transform_3(%arg0: i32, %arg1: i32) -> (i32, i32, i32, i32) {
    %c0_i32 = arith.constant 0 : i32
    %c0_i32_0 = arith.constant 0 : i32
    %c0_i32_1 = arith.constant 0 : i32
    return %arg0, %arg1, %c0_i32, %c0_i32_0 : i32, i32, i32, i32
  }
  func.func @transform_4(%arg0: i32, %arg1: i32) -> (i32, i32) {
    %c0_i32 = arith.constant 0 : i32
    %c0_i32_0 = arith.constant 0 : i32
    %c0_i32_1 = arith.constant 0 : i32
    return %c0_i32, %c0_i32_0 : i32, i32
  }
  func.func @transform_5(%arg0: i32, %arg1: i32) -> (i32, i32) {
    %c0_i32 = arith.constant 0 : i32
    %c0_i32_0 = arith.constant 0 : i32
    %c0_i32_1 = arith.constant 0 : i32
    return %c0_i32, %c0_i32_0 : i32, i32
  }
}

</mosaic_0001>

<sc_bundles>
// kernel: kernel.6.cloned.1.call-start
scs
__scs_entry_jumppad:
0x0: {  	(pc) =	sbr.rel $0x88, $3  }
0x1: {  	(tag) =	ssettag $0x0;
	lr =	simm.s32 $0x1  }
0x2: {  	[smem:$0x3F96] =	sst lr;
	_ =	strace $0xD0000000  }
0x3: {  	_ = 	snop  }
0x4: {  	_ = 	snop  }
0x5: {  	_ = 	snop  }
0x6: {  	_ = 	snop  }
0x7: {  	_ = 	snop  }
__scs_overlays_trampoline_lowered:
0x8: {  	[smem:$0x3FA5] =	sst s0  }
0x9: {  	[smem:$0x3FA6] =	sst s1  }
0xa: {  	[smem:$0x3FA7] =	sst s2  }
0xb: {  	[smem:$0x3FA8] =	sst s3  }
0xc: {  	[smem:$0x3FA9] =	sst s4  }
0xd: {  	[smem:$0x3FAA] =	sst s5  }
0xe: {  	[smem:$0x3FAB] =	sst s6  }
0xf: {  	[smem:$0x3FAC] =	sst s7  }
0x10: {  	[smem:$0x3FAD] =	sst s8  }
0x11: {  	[smem:$0x3FAE] =	sst s9;
	s0 =	simm.s32 @!p0 $0x0  }
0x12: {  	s1 =	sld [smem:$0x3F94];
	s0 =	simm.s32 @p0 $0x1  }
0x13: {  	[smem:$0x3FAF] =	sst s0;
	s0 =	simm.s32 @!p1 $0x0  }
0x14: {  	s2 =	sld [smem:$0x3F93];
	s0 =	simm.s32 @p1 $0x1  }
0x15: {  	[smem:$0x3FB0] =	sst s0;
	s0 =	simm.s32 @!p2 $0x0  }
0x16: {  	s3 =	sld [smem:$0x3FDB];
	s0 =	simm.s32 @p2 $0x1  }
0x17: {  	s4 =	simm.s32 $0x1BF5;
	[smem:$0x3FB2] =	sst s0  }
0x18: {  	s0 =	sld [smem:$0x3F95];
	_ =	swait.ge [sflag:s4], $0x0  }
0x19: {  	s7 =	sld [smem:$0x3F96]  }
0x1a: {  	s8 =	sadd.s32 $0xFFFFE003, lr  }
0x1b: {  	s9 =	sadd.s32 $0xFFFFFEF7, lr;
	s5 =	simm.s32 $0xFFFFFFFF;
	p2 =	slt.u32 s8, $0xFFFFF086  }
0x1c: {  	p1 =	slt.u32 s9, $0xF7A;
	s5 =	simm.s32 @!p2 $0x0  }
0x1d: {  	s5 =	simm.s32 @p1 $0x1;
	p0 =	seq.s32 s7, s2  }
0x1e: {  	s7 =	smul.u32 @!p0 $0xF7A, s2;
	p2 =	seq.s32 @!p0 s5, $0x0  }
0x1f: {  	s9 =	smul.u32 $0xF7A, s1;
	s8 =	simm.s32 @!p0 $0x1BF5;
	p2 =	por !p2, p0  }
0x20: {  	[sflag:s8] =	ssyncset.s32 @!p0 $0xFFFFF086;
	s6 =	sadd.s32 @!p0 s3, s7;
	s7 =	simm.s32 @!p0 $0x108  }
0x21: {  	s3 =	sadd.s32 s3, s9;
	s6 =	sadd.s32 @!p0 $0x88, s6;
	s7 =	simm.s32 @p2 $0x1082  }
0x22: {  	[simem:s7], [sflag:s8] =	dma.local @!p0 [hbm:s6], $0xF7A  }
0x23: {  	s9 =	sor.u32 $0xD0000000, s2;
	s6 =	simm.s32 $0x108;
	_ =	swait.ge @!p0 [sflag:s8], $0x0  }
0x24: {  	s3 =	sadd.s32 $0x88, s3;
	s6 =	simm.s32 @!p1 $0x1082;
	[sflag:s4] =	ssyncset.s32 $0xFFFFF086  }
0x25: {  	[simem:s6], [sflag:s4] =	dma.local [hbm:s3], $0xF7A  }
0x26: {  	[smem:$0x3F96] =	sst s1;
	(tag) =	ssettag s2;
	_ =	strace s9  }
0x27: {  	s1 =	sld [smem:$0x3FA6]  }
0x28: {  	s2 =	sld [smem:$0x3FA7]  }
0x29: {  	s4 =	sld [smem:$0x3FA9]  }
0x2a: {  	p0 =	seq.s32 s5, $0x0;
	s5 =	sld [smem:$0x3FAA]  }
0x2b: {  	s6 =	sld [smem:$0x3FAB]  }
0x2c: {  	s7 =	sld [smem:$0x3FAC]  }
0x2d: {  	s3 =	simm.s32 $0x108;
	s8 =	sld [smem:$0x3FAD]  }
0x2e: {  	s3 =	simm.s32 @!p0 $0x1082;
	s9 =	sld [smem:$0x3FAE]  }
0x2f: {  	lr =	sadd.s32 s0, s3;
	s0 =	sld [smem:$0x3FA5]  }
0x30: {  	s3 =	sld [smem:$0x3FA8]  }
0x31: {  	[smem:$0x3FB1] =	sst s10  }
0x32: {  	s10 =	sld [smem:$0x3FAF];
	_ =	sdelay $0x3  }
0x33: {  	p0 =	seq.s32 s10, $0x1;
	s10 =	sld [smem:$0x3FB1];
	_ =	sdelay $0x3  }
0x34: {  	[smem:$0x3FB1] =	sst s10  }
0x35: {  	s10 =	sld [smem:$0x3FB0];
	_ =	sdelay $0x3  }
0x36: {  	p1 =	seq.s32 s10, $0x1;
	s10 =	sld [smem:$0x3FB1];
	_ =	sdelay $0x3  }
0x37: {  	[smem:$0x3FB1] =	sst s10  }
0x38: {  	s10 =	sld [smem:$0x3FB2]  }
0x39: {  	_ = 	snop;
	(pc) =	sbr.ind lr, $3  }
0x3a: {  	_ = 	snop  }
0x3b: {  	_ = 	snop  }
0x3c: {  	p2 =	seq.s32 s10, $0x1;
	s10 =	sld [smem:$0x3FB1]  }
0x3d: {  	_ =	shalt  }
0x3e: {  	_ =	shalt  }
0x3f: {  	_ =	shalt  }
0x40: {  	_ =	shalt  }
0x41: {  	_ =	shalt  }
0x42: {  	_ =	shalt  }
0x43: {  	_ =	shalt  }
0x44: {  	_ =	shalt  }
0x45: {  	_ =	shalt  }
0x46: {  	_ =	shalt  }
0x47: {  	_ =	shalt  }
0x48: {  	_ =	shalt  }
0x49: {  	_ =	shalt  }
0x4a: {  	_ =	shalt  }
0x4b: {  	_ =	shalt  }
0x4c: {  	_ =	shalt  }
0x4d: {  	_ =	shalt  }
0x4e: {  	_ =	shalt  }
0x4f: {  	_ =	shalt  }
0x50: {  	_ =	shalt  }
0x51: {  	_ =	shalt  }
0x52: {  	_ =	shalt  }
0x53: {  	_ =	shalt  }
0x54: {  	_ =	shalt  }
0x55: {  	_ =	shalt  }
0x56: {  	_ =	shalt  }
0x57: {  	_ =	shalt  }
0x58: {  	_ =	shalt  }
0x59: {  	_ =	shalt  }
0x5a: {  	_ =	shalt  }
0x5b: {  	_ =	shalt  }
0x5c: {  	_ =	shalt  }
0x5d: {  	_ =	shalt  }
0x5e: {  	_ =	shalt  }
0x5f: {  	_ =	shalt  }
0x60: {  	_ =	shalt  }
0x61: {  	_ =	shalt  }
0x62: {  	_ =	shalt  }
0x63: {  	_ =	shalt  }
0x64: {  	_ =	shalt  }
0x65: {  	_ =	shalt  }
0x66: {  	_ =	shalt  }
0x67: {  	_ =	shalt  }
0x68: {  	_ =	shalt  }
0x69: {  	_ =	shalt  }
0x6a: {  	_ =	shalt  }
0x6b: {  	_ =	shalt  }
0x6c: {  	_ =	shalt  }
0x6d: {  	_ =	shalt  }
0x6e: {  	_ =	shalt  }
0x6f: {  	_ =	shalt  }
0x70: {  	_ =	shalt  }
0x71: {  	_ =	shalt  }
0x72: {  	_ =	shalt  }
0x73: {  	_ =	shalt  }
0x74: {  	_ =	shalt  }
0x75: {  	_ =	shalt  }
0x76: {  	_ =	shalt  }
0x77: {  	_ =	shalt  }
0x78: {  	_ =	shalt  }
0x79: {  	_ =	shalt  }
0x7a: {  	_ =	shalt  }
0x7b: {  	_ =	shalt  }
0x7c: {  	_ =	shalt  }
0x7d: {  	_ =	shalt  }
0x7e: {  	_ =	shalt  }
0x7f: {  	_ =	shalt  }
0x80: {  	_ =	shalt  }
0x81: {  	_ =	shalt  }
0x82: {  	_ =	shalt  }
0x83: {  	_ =	shalt  }
0x84: {  	_ =	shalt  }
0x85: {  	_ =	shalt  }
0x86: {  	_ =	shalt  }
0x87: {  	_ =	shalt  }
.Lfunc_end0:
.L_simem_size_0:
called_computation_lowered:
.L_overlay_start_0:
0x88: {  	s2 =	sld [smem:$0x3FD9]  }
0x89: {  	s3 =	sld [smem:$0x3FFE];
	_ =	sdelay $0x1  }
0x8a: {  	s1 =	srdreg.scid  }
0x8b: {  	s0 =	sand.u32 $0x1, s1  }
0x8c: {  	s17 =	sshll.u32 s0, $0xA;
	s2 =	sadd.s32 s3, s2  }
0x8d: {  	s2 =	sadd.s32 s2, s17  }
0x8e: {  	[smem:$0x3FBD] =	sst s2  }
0x8f: {  	_ = 	snop  }
0x90: {  	s2 =	sld [smem:$0x3FD0];
	(tm) =	ssettm $0x1  }
0x91: {  	s18 =	sld [smem:$0x3FFB];
	_ =	sdelay $0x3  }
0x92: {  	_ =	strace s18  }
0x93: {  	s3 =	sld [smem:$0x3FFC];
	_ =	sdelay $0x3  }
0x94: {  	_ =	strace s3  }
0x95: {  	s3 =	sld [smem:$0x3FFD];
	_ =	sdelay $0x3  }
0x96: {  	_ =	strace s3  }
0x97: {  	_ =	strace $0x8FFFFFFF  }
0x98: {  	s19 =	sld [smem:$0x3FDB];
	_ =	sdelay $0x1  }
0x99: {  	s4 =	simm.s32 $_scs_section_size  }
0x9a: {  	s5 =	simm.s32 $_size__tile_overlayer_lowered;
	s6 =	simm.s32 $_tile_overlayer_lowered  }
0x9b: {  	s22 =	simm.s32 $0x1BFF;
	s21 =	sshll.u32 s6, $0x1;
	s3 =	sadd.s32 s4, s19  }
0x9c: {  	s7 =	simm.s32 $0x0;
	s20 =	sshll.u32 s5, $0x1;
	s5 =	sadd.s32 s21, s3  }
0x9d: {  	[timem:s7], [sflag:s22] =	dma.local [hbm:s5], s20  }
0x9e: {  	_ =	swait.ge [sflag:s22], s20  }
0x9f: {  	s4 =	ssub.s32 $0x0, s20;
	[sflag:s22] =	ssyncset.done $0x0  }
0xa0: {  	[sflag:s22] =	ssyncadd.s32 s4;
	_ =	sdelay $0x1  }
0xa1: {  	s23 =	simm.s32 $0x1B8B  }
0xa2: {  	_ =	swait.ge [sflag:s23], $0x1  }
0xa3: {  	[sflag:s23] =	ssyncset.done $0x0  }
0xa4: {  	s25 =	simm.s32 $0x1B8E;
	s24 =	sld [smem:$0x3FFE];
	[sflag:s23] =	ssyncadd.s32 $0xFFFFFFFF  }
0xa5: {  	s26 =	simm.s32 $execute0_lowered;
	[smem:$0x3FD2] =	sst s25  }
0xa6: {  	s5 =	sshll.u32 s26, $0x1;
	_ =	strace $0x80000046;
	[dreg:$0x1] =	wrdreg $0xFFFFFFFF  }
0xa7: {  	s28 =	simm.s32 $_size_execute0_lowered;
	s3 =	sadd.s32 s3, s5;
	[dreg:$0x0] =	wrdreg $0x0  }
0xa8: {  	s5 =	sshll.u32 s28, $0x1;
	[dreg:$0x2] =	wrdreg s3  }
0xa9: {  	[dreg:$0x3] =	wrdreg s5  }
0xaa: {  	[dreg:$0x4] =	wrdreg $0xC0  }
0xab: {  	_ =	task [dreg:s7], $0x5FFFF  }
0xac: {  	[dreg:$0x1] =	wrdreg $0xFFFFFFFF  }
0xad: {  	[dreg:$0x0] =	wrdreg $0x60  }
0xae: {  	[dreg:$0x2] =	wrdreg s2  }
0xaf: {  	[dreg:$0x3] =	wrdreg s24  }
0xb0: {  	[dreg:$0x4] =	wrdreg $0x9  }
0xb1: {  	_ =	task.clear_ibuf [dreg:s7], $0x5FFFF;
	_ =	strace $0x90000046  }
0xb2: {  	s29 =	simm.s32 $0x9;
	_ =	strace $0x80000048  }
0xb3: {  	_ =	swait.ge [sflag:s29], $0x1  }
0xb4: {  	[sflag:s29] =	ssyncadd.s32 $0xFFFFFFFF  }
0xb5: {  	_ =	strace $0x90000048  }
0xb6: {  	_ =	sfence  }
0xb7: {  	s30 =	sld [smem:$0x0];
	_ =	sdelay $0x2  }
0xb8: {  	s31 =	sshll.u32 s1, $0xD;
	s1 =	sshrl.u32 s1, $0x2  }
0xb9: {  	s3 =	sand.u32 $0x4000, s31;
	s1 =	sadd.s32 s1, s30  }
0xba: {  	s0 =	sor.u32 s3, s0;
	s1 =	sshll.u32 s1, $0x11  }
0xbb: {  	s0 =	sor.u32 s1, s0  }
0xbc: {  	s0 =	sadd.s32 $0x8F2B, s0  }
0xbd: {  	[sflag:s0] =	ssyncadd.remote.s32 $0x1  }
0xbe: {  	_ =	sfence.sel $0xFFFF  }
0xbf: {  	[dreg:$0x0] =	wrdreg $0xFFFFFFFF;
	(pc) =	sbr.abs _section_cstart, $3  }
0xc0: {  	[dreg:$0x1] =	wrdreg $0xFFFFFFFF  }
0xc1: {  	_ =	task.clear_ibuf [dreg:s7], $0x2FFFF;
	_ =	strace $0x9FFFFFFF  }
0xc2: {  	(tm) =	ssettm $0x7FFFFFFF  }
0xc3: {  	_ =	shalt  }
tec
execute0_lowered:
.L_overlay_start_1:
0x0: {  	(tag) =	ssettag $0x1  }
0x1: {  	s2 =	rddreg [dreg:$0x0];
	s0 =	srdreg.scid  }
0x2: {  	s4 =	rddreg [dreg:$0x1];
	s1 =	stileid.u32;
	s31 =	sand.u32 $0x1, s0  }
0x3: {  	s3 =	simm.s32 $0x0;
	s1 =	sshll.u32 s1, $0xC;
	s5 =	sshll.u32 s31, $0xB  }
0x4: {  	[smem:$0x7FF] =	sst s3;
	s30 =	sadd.s32 $0x1800, s4;
	s1 =	sor.u32 s5, s1  }
0x5: {  	s0 =	sadd.s32 $0x3800, s4;
	_ =	strace $0x80000047;
	s5 =	sshrl.u32 s1, $0x3  }
0x6: {  	s7 =	sshll.u32 s1, $0x4;
	s9 =	sor.u32 $0x80, s1;
	s6 =	sadd.s32 s30, s5  }
0x7: {  	s8 =	sadd.s32 s0, s7;
	s10 =	sshrl.u32 s9, $0x3;
	[dreg:$0x3] =	wrdreg s6  }
0x8: {  	s5 =	sshll.u32 s9, $0x4;
	[dreg:$0x4] =	wrdreg s8;
	s4 =	sadd.s32 s30, s10  }
0x9: {  	s16 =	sor.u32 $0x180, s1;
	s11 =	sadd.s32 s0, s5;
	[dreg:$0x5] =	wrdreg s4  }
0xa: {  	s17 =	sshrl.u32 s16, $0x3;
	s6 =	sor.u32 $0x100, s1;
	[dreg:$0x6] =	wrdreg s11  }
0xb: {  	s5 =	sshll.u32 s16, $0x4;
	s4 =	sadd.s32 s30, s17;
	s18 =	rddreg [dreg:$0x3]  }
0xc: {  	s12 =	sshrl.u32 s6, $0x3;
	s19 =	sadd.s32 s0, s5;
	[dreg:$0x9] =	wrdreg s4  }
0xd: {  	s14 =	sshll.u32 s6, $0x4;
	s13 =	sadd.s32 s30, s12;
	[dreg:$0xa] =	wrdreg s19  }
0xe: {  	[tilespmem:s3], [sflag:$0x2] =	stream.linear.gather [hbm4b:s18+s3], $0x80, $0x38;
	[tilespmem:$0x4080] =	vst v63  }
0xf: {  	s15 =	sadd.s32 s0, s14;
	[dreg:$0x7] =	wrdreg s13  }
0x10: {  	s4 =	simm.s32 $0x2;
	[dreg:$0x8] =	wrdreg s15  }
0x11: {  	_ =	swait.ge [sflag:s4], $0x80  }
0x12: {  	[sflag:s4] =	ssyncset.done $0x0  }
0x13: {  	s5 =	simm.s32 $0x80;
	s6 =	simm.s32 $0x1;
	[sflag:s4] =	ssyncadd.s32 $0xFFFFFF80  }
0x14: {  	[tilespmem:s5], [sflag:$0x1] =	stream.indirect.gather [hbm4b:s2+s5], $0x80, s3, s5, $0xb8;
	[tilespmem:$0x4080] =	vst v63  }
0x15: {  	_ =	swait.ge [sflag:s6], $0x4000  }
0x16: {  	[sflag:s6] =	ssyncset.done $0x0  }
0x17: {  	s7 =	rddreg [dreg:$0x4];
	[sflag:s6] =	ssyncadd.s32 $0xFFFFC000  }
0x18: {  	[hbm4b:s7+s3] =	stream.linear.scatter [tilespmem:s5], [sflag:$0x2], $0x4000, $0x38;
	[tilespmem:$0x4080] =	vst v63  }
0x19: {  	_ =	swait.ge [sflag:s4], $0x4000  }
0x1a: {  	[sflag:s4] =	ssyncset.done $0x0  }
0x1b: {  	s20 =	rddreg [dreg:$0x5];
	[sflag:s4] =	ssyncadd.s32 $0xFFFFC000  }
0x1c: {  	[tilespmem:s3], [sflag:$0x2] =	stream.linear.gather [hbm4b:s20+s3], $0x80, $0x38;
	[tilespmem:$0x4080] =	vst v63  }
0x1d: {  	_ =	swait.ge [sflag:s4], $0x80  }
0x1e: {  	[sflag:s4] =	ssyncset.done $0x0  }
0x1f: {  	[sflag:s4] =	ssyncadd.s32 $0xFFFFFF80  }
0x20: {  	[tilespmem:s5], [sflag:$0x1] =	stream.indirect.gather [hbm4b:s2+s5], $0x80, s3, s5, $0xb8;
	[tilespmem:$0x4080] =	vst v63  }
0x21: {  	_ =	swait.ge [sflag:s6], $0x4000  }
0x22: {  	[sflag:s6] =	ssyncset.done $0x0  }
0x23: {  	s21 =	rddreg [dreg:$0x6];
	[sflag:s6] =	ssyncadd.s32 $0xFFFFC000  }
0x24: {  	[hbm4b:s21+s3] =	stream.linear.scatter [tilespmem:s5], [sflag:$0x2], $0x4000, $0x38;
	[tilespmem:$0x4080] =	vst v63  }
0x25: {  	_ =	swait.ge [sflag:s4], $0x4000  }
0x26: {  	[sflag:s4] =	ssyncset.done $0x0  }
0x27: {  	s22 =	rddreg [dreg:$0x7];
	[sflag:s4] =	ssyncadd.s32 $0xFFFFC000  }
0x28: {  	[tilespmem:s3], [sflag:$0x2] =	stream.linear.gather [hbm4b:s22+s3], $0x80, $0x38;
	[tilespmem:$0x4080] =	vst v63  }
0x29: {  	_ =	swait.ge [sflag:s4], $0x80  }
0x2a: {  	[sflag:s4] =	ssyncset.done $0x0  }
0x2b: {  	[sflag:s4] =	ssyncadd.s32 $0xFFFFFF80  }
0x2c: {  	[tilespmem:s5], [sflag:$0x1] =	stream.indirect.gather [hbm4b:s2+s5], $0x80, s3, s5, $0xb8;
	[tilespmem:$0x4080] =	vst v63  }
0x2d: {  	_ =	swait.ge [sflag:s6], $0x4000  }
0x2e: {  	[sflag:s6] =	ssyncset.done $0x0  }
0x2f: {  	s23 =	rddreg [dreg:$0x8];
	[sflag:s6] =	ssyncadd.s32 $0xFFFFC000  }
0x30: {  	[hbm4b:s23+s3] =	stream.linear.scatter [tilespmem:s5], [sflag:$0x2], $0x4000, $0x38;
	[tilespmem:$0x4080] =	vst v63  }
0x31: {  	_ =	swait.ge [sflag:s4], $0x4000  }
0x32: {  	[sflag:s4] =	ssyncset.done $0x0  }
0x33: {  	s24 =	rddreg [dreg:$0x9];
	[sflag:s4] =	ssyncadd.s32 $0xFFFFC000  }
0x34: {  	[tilespmem:s3], [sflag:$0x2] =	stream.linear.gather [hbm4b:s24+s3], $0x80, $0x38;
	[tilespmem:$0x4080] =	vst v63  }
0x35: {  	_ =	swait.ge [sflag:s4], $0x80  }
0x36: {  	[sflag:s4] =	ssyncset.done $0x0  }
0x37: {  	[sflag:s4] =	ssyncadd.s32 $0xFFFFFF80  }
0x38: {  	[tilespmem:s5], [sflag:$0x1] =	stream.indirect.gather [hbm4b:s2+s5], $0x80, s3, s5, $0xb8;
	[tilespmem:$0x4080] =	vst v63  }
0x39: {  	_ =	swait.ge [sflag:s6], $0x4000  }
0x3a: {  	[sflag:s6] =	ssyncset.done $0x0  }
0x3b: {  	s25 =	rddreg [dreg:$0xa];
	[sflag:s6] =	ssyncadd.s32 $0xFFFFC000  }
0x3c: {  	[hbm4b:s25+s3] =	stream.linear.scatter [tilespmem:s5], [sflag:$0x2], $0x4000, $0x38;
	[tilespmem:$0x4080] =	vst v63  }
0x3d: {  	s8 =	sor.u32 $0x200, s1;
	_ =	swait.ge [sflag:s4], $0x4000  }
0x3e: {  	s26 =	sshrl.u32 s8, $0x3;
	[sflag:s4] =	ssyncset.done $0x0  }
0x3f: {  	s7 =	sadd.s32 s30, s26;
	[sflag:s4] =	ssyncadd.s32 $0xFFFFC000  }
0x40: {  	[tilespmem:s3], [sflag:$0x2] =	stream.linear.gather [hbm4b:s7+s3], $0x80, $0x38;
	[tilespmem:$0x4080] =	vst v63  }
0x41: {  	_ =	swait.ge [sflag:s4], $0x80  }
0x42: {  	[sflag:s4] =	ssyncset.done $0x0  }
0x43: {  	[sflag:s4] =	ssyncadd.s32 $0xFFFFFF80  }
0x44: {  	[tilespmem:s5], [sflag:$0x1] =	stream.indirect.gather [hbm4b:s2+s5], $0x80, s3, s5, $0xb8;
	[tilespmem:$0x4080] =	vst v63  }
0x45: {  	_ =	swait.ge [sflag:s6], $0x4000  }
0x46: {  	s8 =	sshll.u32 s8, $0x4;
	[sflag:s6] =	ssyncset.done $0x0  }
0x47: {  	s8 =	sadd.s32 s0, s8;
	[sflag:s6] =	ssyncadd.s32 $0xFFFFC000  }
0x48: {  	[hbm4b:s8+s3] =	stream.linear.scatter [tilespmem:s5], [sflag:$0x2], $0x4000, $0x38;
	[tilespmem:$0x4080] =	vst v63  }
0x49: {  	s10 =	sor.u32 $0x280, s1;
	_ =	swait.ge [sflag:s4], $0x4000  }
0x4a: {  	s9 =	sshrl.u32 s10, $0x3;
	[sflag:s4] =	ssyncset.done $0x0  }
0x4b: {  	s9 =	sadd.s32 s30, s9;
	[sflag:s4] =	ssyncadd.s32 $0xFFFFC000  }
0x4c: {  	[tilespmem:s3], [sflag:$0x2] =	stream.linear.gather [hbm4b:s9+s3], $0x80, $0x38;
	[tilespmem:$0x4080] =	vst v63  }
0x4d: {  	_ =	swait.ge [sflag:s4], $0x80  }
0x4e: {  	[sflag:s4] =	ssyncset.done $0x0  }
0x4f: {  	[sflag:s4] =	ssyncadd.s32 $0xFFFFFF80  }
0x50: {  	[tilespmem:s5], [sflag:$0x1] =	stream.indirect.gather [hbm4b:s2+s5], $0x80, s3, s5, $0xb8;
	[tilespmem:$0x4080] =	vst v63  }
0x51: {  	_ =	swait.ge [sflag:s6], $0x4000  }
0x52: {  	s10 =	sshll.u32 s10, $0x4;
	[sflag:s6] =	ssyncset.done $0x0  }
0x53: {  	s10 =	sadd.s32 s0, s10;
	[sflag:s6] =	ssyncadd.s32 $0xFFFFC000  }
0x54: {  	[hbm4b:s10+s3] =	stream.linear.scatter [tilespmem:s5], [sflag:$0x2], $0x4000, $0x38;
	[tilespmem:$0x4080] =	vst v63  }
0x55: {  	s12 =	sor.u32 $0x300, s1;
	_ =	swait.ge [sflag:s4], $0x4000  }
0x56: {  	s11 =	sshrl.u32 s12, $0x3;
	[sflag:s4] =	ssyncset.done $0x0  }
0x57: {  	s11 =	sadd.s32 s30, s11;
	[sflag:s4] =	ssyncadd.s32 $0xFFFFC000  }
0x58: {  	[tilespmem:s3], [sflag:$0x2] =	stream.linear.gather [hbm4b:s11+s3], $0x80, $0x38;
	[tilespmem:$0x4080] =	vst v63  }
0x59: {  	_ =	swait.ge [sflag:s4], $0x80  }
0x5a: {  	[sflag:s4] =	ssyncset.done $0x0  }
0x5b: {  	[sflag:s4] =	ssyncadd.s32 $0xFFFFFF80  }
0x5c: {  	[tilespmem:s5], [sflag:$0x1] =	stream.indirect.gather [hbm4b:s2+s5], $0x80, s3, s5, $0xb8;
	[tilespmem:$0x4080] =	vst v63  }
0x5d: {  	_ =	swait.ge [sflag:s6], $0x4000  }
0x5e: {  	s12 =	sshll.u32 s12, $0x4;
	[sflag:s6] =	ssyncset.done $0x0  }
0x5f: {  	s12 =	sadd.s32 s0, s12;
	[sflag:s6] =	ssyncadd.s32 $0xFFFFC000  }
0x60: {  	[hbm4b:s12+s3] =	stream.linear.scatter [tilespmem:s5], [sflag:$0x2], $0x4000, $0x38;
	[tilespmem:$0x4080] =	vst v63  }
0x61: {  	s14 =	sor.u32 $0x380, s1;
	_ =	swait.ge [sflag:s4], $0x4000  }
0x62: {  	s13 =	sshrl.u32 s14, $0x3;
	[sflag:s4] =	ssyncset.done $0x0  }
0x63: {  	s13 =	sadd.s32 s30, s13;
	[sflag:s4] =	ssyncadd.s32 $0xFFFFC000  }
0x64: {  	[tilespmem:s3], [sflag:$0x2] =	stream.linear.gather [hbm4b:s13+s3], $0x80, $0x38;
	[tilespmem:$0x4080] =	vst v63  }
0x65: {  	_ =	swait.ge [sflag:s4], $0x80  }
0x66: {  	[sflag:s4] =	ssyncset.done $0x0  }
0x67: {  	[sflag:s4] =	ssyncadd.s32 $0xFFFFFF80  }
0x68: {  	[tilespmem:s5], [sflag:$0x1] =	stream.indirect.gather [hbm4b:s2+s5], $0x80, s3, s5, $0xb8;
	[tilespmem:$0x4080] =	vst v63  }
0x69: {  	_ =	swait.ge [sflag:s6], $0x4000  }
0x6a: {  	s14 =	sshll.u32 s14, $0x4;
	[sflag:s6] =	ssyncset.done $0x0  }
0x6b: {  	s14 =	sadd.s32 s0, s14;
	[sflag:s6] =	ssyncadd.s32 $0xFFFFC000  }
0x6c: {  	[hbm4b:s14+s3] =	stream.linear.scatter [tilespmem:s5], [sflag:$0x2], $0x4000, $0x38;
	[tilespmem:$0x4080] =	vst v63  }
0x6d: {  	s16 =	sor.u32 $0x400, s1;
	_ =	swait.ge [sflag:s4], $0x4000  }
0x6e: {  	s15 =	sshrl.u32 s16, $0x3;
	[sflag:s4] =	ssyncset.done $0x0  }
0x6f: {  	s15 =	sadd.s32 s30, s15;
	[sflag:s4] =	ssyncadd.s32 $0xFFFFC000  }
0x70: {  	[tilespmem:s3], [sflag:$0x2] =	stream.linear.gather [hbm4b:s15+s3], $0x80, $0x38;
	[tilespmem:$0x4080] =	vst v63  }
0x71: {  	_ =	swait.ge [sflag:s4], $0x80  }
0x72: {  	[sflag:s4] =	ssyncset.done $0x0  }
0x73: {  	[sflag:s4] =	ssyncadd.s32 $0xFFFFFF80  }
0x74: {  	[tilespmem:s5], [sflag:$0x1] =	stream.indirect.gather [hbm4b:s2+s5], $0x80, s3, s5, $0xb8;
	[tilespmem:$0x4080] =	vst v63  }
0x75: {  	_ =	swait.ge [sflag:s6], $0x4000  }
0x76: {  	s16 =	sshll.u32 s16, $0x4;
	[sflag:s6] =	ssyncset.done $0x0  }
0x77: {  	s16 =	sadd.s32 s0, s16;
	[sflag:s6] =	ssyncadd.s32 $0xFFFFC000  }
0x78: {  	[hbm4b:s16+s3] =	stream.linear.scatter [tilespmem:s5], [sflag:$0x2], $0x4000, $0x38;
	[tilespmem:$0x4080] =	vst v63  }
0x79: {  	s18 =	sor.u32 $0x480, s1;
	_ =	swait.ge [sflag:s4], $0x4000  }
0x7a: {  	s17 =	sshrl.u32 s18, $0x3;
	[sflag:s4] =	ssyncset.done $0x0  }
0x7b: {  	s17 =	sadd.s32 s30, s17;
	[sflag:s4] =	ssyncadd.s32 $0xFFFFC000  }
0x7c: {  	[tilespmem:s3], [sflag:$0x2] =	stream.linear.gather [hbm4b:s17+s3], $0x80, $0x38;
	[tilespmem:$0x4080] =	vst v63  }
0x7d: {  	_ =	swait.ge [sflag:s4], $0x80  }
0x7e: {  	[sflag:s4] =	ssyncset.done $0x0  }
0x7f: {  	[sflag:s4] =	ssyncadd.s32 $0xFFFFFF80  }
0x80: {  	[tilespmem:s5], [sflag:$0x1] =	stream.indirect.gather [hbm4b:s2+s5], $0x80, s3, s5, $0xb8;
	[tilespmem:$0x4080] =	vst v63  }
0x81: {  	_ =	swait.ge [sflag:s6], $0x4000  }
0x82: {  	s18 =	sshll.u32 s18, $0x4;
	[sflag:s6] =	ssyncset.done $0x0  }
0x83: {  	s18 =	sadd.s32 s0, s18;
	[sflag:s6] =	ssyncadd.s32 $0xFFFFC000  }
0x84: {  	[hbm4b:s18+s3] =	stream.linear.scatter [tilespmem:s5], [sflag:$0x2], $0x4000, $0x38;
	[tilespmem:$0x4080] =	vst v63  }
0x85: {  	s20 =	sor.u32 $0x500, s1;
	_ =	swait.ge [sflag:s4], $0x4000  }
0x86: {  	s19 =	sshrl.u32 s20, $0x3;
	[sflag:s4] =	ssyncset.done $0x0  }
0x87: {  	s19 =	sadd.s32 s30, s19;
	[sflag:s4] =	ssyncadd.s32 $0xFFFFC000  }
0x88: {  	[tilespmem:s3], [sflag:$0x2] =	stream.linear.gather [hbm4b:s19+s3], $0x80, $0x38;
	[tilespmem:$0x4080] =	vst v63  }
0x89: {  	_ =	swait.ge [sflag:s4], $0x80  }
0x8a: {  	[sflag:s4] =	ssyncset.done $0x0  }
0x8b: {  	[sflag:s4] =	ssyncadd.s32 $0xFFFFFF80  }
0x8c: {  	[tilespmem:s5], [sflag:$0x1] =	stream.indirect.gather [hbm4b:s2+s5], $0x80, s3, s5, $0xb8;
	[tilespmem:$0x4080] =	vst v63  }
0x8d: {  	_ =	swait.ge [sflag:s6], $0x4000  }
0x8e: {  	s20 =	sshll.u32 s20, $0x4;
	[sflag:s6] =	ssyncset.done $0x0  }
0x8f: {  	s20 =	sadd.s32 s0, s20;
	[sflag:s6] =	ssyncadd.s32 $0xFFFFC000  }
0x90: {  	[hbm4b:s20+s3] =	stream.linear.scatter [tilespmem:s5], [sflag:$0x2], $0x4000, $0x38;
	[tilespmem:$0x4080] =	vst v63  }
0x91: {  	s22 =	sor.u32 $0x580, s1;
	_ =	swait.ge [sflag:s4], $0x4000  }
0x92: {  	s21 =	sshrl.u32 s22, $0x3;
	[sflag:s4] =	ssyncset.done $0x0  }
0x93: {  	s21 =	sadd.s32 s30, s21;
	[sflag:s4] =	ssyncadd.s32 $0xFFFFC000  }
0x94: {  	[tilespmem:s3], [sflag:$0x2] =	stream.linear.gather [hbm4b:s21+s3], $0x80, $0x38;
	[tilespmem:$0x4080] =	vst v63  }
0x95: {  	_ =	swait.ge [sflag:s4], $0x80  }
0x96: {  	[sflag:s4] =	ssyncset.done $0x0  }
0x97: {  	[sflag:s4] =	ssyncadd.s32 $0xFFFFFF80  }
0x98: {  	[tilespmem:s5], [sflag:$0x1] =	stream.indirect.gather [hbm4b:s2+s5], $0x80, s3, s5, $0xb8;
	[tilespmem:$0x4080] =	vst v63  }
0x99: {  	_ =	swait.ge [sflag:s6], $0x4000  }
0x9a: {  	s22 =	sshll.u32 s22, $0x4;
	[sflag:s6] =	ssyncset.done $0x0  }
0x9b: {  	s22 =	sadd.s32 s0, s22;
	[sflag:s6] =	ssyncadd.s32 $0xFFFFC000  }
0x9c: {  	[hbm4b:s22+s3] =	stream.linear.scatter [tilespmem:s5], [sflag:$0x2], $0x4000, $0x38;
	[tilespmem:$0x4080] =	vst v63  }
0x9d: {  	s24 =	sor.u32 $0x600, s1;
	_ =	swait.ge [sflag:s4], $0x4000  }
0x9e: {  	s23 =	sshrl.u32 s24, $0x3;
	[sflag:s4] =	ssyncset.done $0x0  }
0x9f: {  	s23 =	sadd.s32 s30, s23;
	[sflag:s4] =	ssyncadd.s32 $0xFFFFC000  }
0xa0: {  	[tilespmem:s3], [sflag:$0x2] =	stream.linear.gather [hbm4b:s23+s3], $0x80, $0x38;
	[tilespmem:$0x4080] =	vst v63  }
0xa1: {  	_ =	swait.ge [sflag:s4], $0x80  }
0xa2: {  	[sflag:s4] =	ssyncset.done $0x0  }
0xa3: {  	[sflag:s4] =	ssyncadd.s32 $0xFFFFFF80  }
0xa4: {  	[tilespmem:s5], [sflag:$0x1] =	stream.indirect.gather [hbm4b:s2+s5], $0x80, s3, s5, $0xb8;
	[tilespmem:$0x4080] =	vst v63  }
0xa5: {  	_ =	swait.ge [sflag:s6], $0x4000  }
0xa6: {  	s24 =	sshll.u32 s24, $0x4;
	[sflag:s6] =	ssyncset.done $0x0  }
0xa7: {  	s24 =	sadd.s32 s0, s24;
	[sflag:s6] =	ssyncadd.s32 $0xFFFFC000  }
0xa8: {  	[hbm4b:s24+s3] =	stream.linear.scatter [tilespmem:s5], [sflag:$0x2], $0x4000, $0x38;
	[tilespmem:$0x4080] =	vst v63  }
0xa9: {  	s26 =	sor.u32 $0x680, s1;
	_ =	swait.ge [sflag:s4], $0x4000  }
0xaa: {  	s25 =	sshrl.u32 s26, $0x3;
	[sflag:s4] =	ssyncset.done $0x0  }
0xab: {  	s25 =	sadd.s32 s30, s25;
	[sflag:s4] =	ssyncadd.s32 $0xFFFFC000  }
0xac: {  	[tilespmem:s3], [sflag:$0x2] =	stream.linear.gather [hbm4b:s25+s3], $0x80, $0x38;
	[tilespmem:$0x4080] =	vst v63  }
0xad: {  	_ =	swait.ge [sflag:s4], $0x80  }
0xae: {  	[sflag:s4] =	ssyncset.done $0x0  }
0xaf: {  	[sflag:s4] =	ssyncadd.s32 $0xFFFFFF80  }
0xb0: {  	[tilespmem:s5], [sflag:$0x1] =	stream.indirect.gather [hbm4b:s2+s5], $0x80, s3, s5, $0xb8;
	[tilespmem:$0x4080] =	vst v63  }
0xb1: {  	_ =	swait.ge [sflag:s6], $0x4000  }
0xb2: {  	s26 =	sshll.u32 s26, $0x4;
	[sflag:s6] =	ssyncset.done $0x0  }
0xb3: {  	s26 =	sadd.s32 s0, s26;
	[dreg:$0xb] =	wrdreg s0;
	[sflag:s6] =	ssyncadd.s32 $0xFFFFC000  }
0xb4: {  	[hbm4b:s26+s3] =	stream.linear.scatter [tilespmem:s5], [sflag:$0x2], $0x4000, $0x38;
	[tilespmem:$0x4080] =	vst v63  }
0xb5: {  	s29 =	sor.u32 $0x700, s1;
	_ =	swait.ge [sflag:s4], $0x4000  }
0xb6: {  	s28 =	sshrl.u32 s29, $0x3;
	[sflag:s4] =	ssyncset.done $0x0  }
0xb7: {  	s28 =	sadd.s32 s30, s28;
	[sflag:s4] =	ssyncadd.s32 $0xFFFFC000  }
0xb8: {  	[tilespmem:s3], [sflag:$0x2] =	stream.linear.gather [hbm4b:s28+s3], $0x80, $0x38;
	[tilespmem:$0x4080] =	vst v63  }
0xb9: {  	_ =	swait.ge [sflag:s4], $0x80  }
0xba: {  	[sflag:s4] =	ssyncset.done $0x0  }
0xbb: {  	[sflag:s4] =	ssyncadd.s32 $0xFFFFFF80  }
0xbc: {  	[tilespmem:s5], [sflag:$0x1] =	stream.indirect.gather [hbm4b:s2+s5], $0x80, s3, s5, $0xb8;
	[tilespmem:$0x4080] =	vst v63  }
0xbd: {  	_ =	swait.ge [sflag:s6], $0x4000  }
0xbe: {  	s29 =	sshll.u32 s29, $0x4;
	[sflag:s6] =	ssyncset.done $0x0  }
0xbf: {  	s29 =	sadd.s32 s0, s29;
	s1 =	sor.u32 $0x780, s1;
	[sflag:s6] =	ssyncadd.s32 $0xFFFFC000  }
0xc0: {  	[hbm4b:s29+s3] =	stream.linear.scatter [tilespmem:s5], [sflag:$0x2], $0x4000, $0x38;
	[tilespmem:$0x4080] =	vst v63  }
0xc1: {  	s0 =	sshrl.u32 s1, $0x3;
	_ =	swait.ge [sflag:s4], $0x4000  }
0xc2: {  	s30 =	sadd.s32 s30, s0;
	s0 =	ssub.s32 $0x2, s31;
	[sflag:s4] =	ssyncset.done $0x0  }
0xc3: {  	s31 =	sshrl.u32 s0, $0x1;
	[sflag:s4] =	ssyncadd.s32 $0xFFFFC000  }
0xc4: {  	[tilespmem:s3], [sflag:$0x2] =	stream.linear.gather [hbm4b:s30+s3], $0x80, $0x38;
	[tilespmem:$0x4080] =	vst v63  }
0xc5: {  	s0 =	ssub.s32 s0, s31;
	_ =	swait.ge [sflag:s4], $0x80  }
0xc6: {  	s0 =	smax.u32 s0, $0x1;
	[sflag:s4] =	ssyncset.done $0x0  }
0xc7: {  	p0 =	sne.s32 s0, $0x1;
	[sflag:s4] =	ssyncadd.s32 $0xFFFFFF80  }
0xc8: {  	[tilespmem:s5], [sflag:$0x1] =	stream.indirect.gather [hbm4b:s2+s5], $0x80, s3, s5, $0xb8;
	[tilespmem:$0x4080] =	vst v63  }
.Ltmp0:
0xc9: {  	_ =	swait.ge [sflag:s6], $0x4000;
	(pc) =	sbr.rel @!p0 .LBB2_2-.Ltmp0, $4  }
0xca: {  	s1 =	sshll.u32 s1, $0x4;
	[sflag:s6] =	ssyncset.done $0x0;
	s31 =	rddreg [dreg:$0xb]  }
0xcb: {  	s31 =	sadd.s32 s31, s1;
	[sflag:s6] =	ssyncadd.s32 $0xFFFFC000  }
0xcc: {  	[hbm4b:s31+s3] =	stream.linear.scatter [tilespmem:s5], [sflag:$0x2], $0x4000, $0x38;
	[tilespmem:$0x4080] =	vst v63  }
0xcd: {  	s0 =	sadd.s32 $0xFFFFFFFF, s0;
	_ =	swait.ge [sflag:s4], $0x4000  }
.LBB2_1:
0xce: {  	[sflag:s4] =	ssyncset.done $0x0  }
0xcf: {  	s1 =	rddreg [dreg:$0x3];
	[sflag:s4] =	ssyncadd.s32 $0xFFFFC000  }
0xd0: {  	[tilespmem:s3], [sflag:$0x2] =	stream.linear.gather [hbm4b:s1+s3], $0x80, $0x38;
	[tilespmem:$0x4080] =	vst v63  }
0xd1: {  	_ =	swait.ge [sflag:s4], $0x80  }
0xd2: {  	[sflag:s4] =	ssyncset.done $0x0  }
0xd3: {  	[sflag:s4] =	ssyncadd.s32 $0xFFFFFF80  }
0xd4: {  	[tilespmem:s5], [sflag:$0x1] =	stream.indirect.gather [hbm4b:s2+s5], $0x80, s3, s5, $0xb8;
	[tilespmem:$0x4080] =	vst v63  }
0xd5: {  	_ =	swait.ge [sflag:s6], $0x4000  }
0xd6: {  	[sflag:s6] =	ssyncset.done $0x0  }
0xd7: {  	s1 =	rddreg [dreg:$0x4];
	[sflag:s6] =	ssyncadd.s32 $0xFFFFC000  }
0xd8: {  	[hbm4b:s1+s3] =	stream.linear.scatter [tilespmem:s5], [sflag:$0x2], $0x4000, $0x38;
	[tilespmem:$0x4080] =	vst v63  }
0xd9: {  	_ =	swait.ge [sflag:s4], $0x4000  }
0xda: {  	[sflag:s4] =	ssyncset.done $0x0  }
0xdb: {  	s1 =	rddreg [dreg:$0x5];
	[sflag:s4] =	ssyncadd.s32 $0xFFFFC000  }
0xdc: {  	[tilespmem:s3], [sflag:$0x2] =	stream.linear.gather [hbm4b:s1+s3], $0x80, $0x38;
	[tilespmem:$0x4080] =	vst v63  }
0xdd: {  	_ =	swait.ge [sflag:s4], $0x80  }
0xde: {  	[sflag:s4] =	ssyncset.done $0x0  }
0xdf: {  	[sflag:s4] =	ssyncadd.s32 $0xFFFFFF80  }
0xe0: {  	[tilespmem:s5], [sflag:$0x1] =	stream.indirect.gather [hbm4b:s2+s5], $0x80, s3, s5, $0xb8;
	[tilespmem:$0x4080] =	vst v63  }
0xe1: {  	_ =	swait.ge [sflag:s6], $0x4000  }
0xe2: {  	[sflag:s6] =	ssyncset.done $0x0  }
0xe3: {  	s1 =	rddreg [dreg:$0x6];
	[sflag:s6] =	ssyncadd.s32 $0xFFFFC000  }
0xe4: {  	[hbm4b:s1+s3] =	stream.linear.scatter [tilespmem:s5], [sflag:$0x2], $0x4000, $0x38;
	[tilespmem:$0x4080] =	vst v63  }
0xe5: {  	_ =	swait.ge [sflag:s4], $0x4000  }
0xe6: {  	[sflag:s4] =	ssyncset.done $0x0  }
0xe7: {  	s1 =	rddreg [dreg:$0x7];
	[sflag:s4] =	ssyncadd.s32 $0xFFFFC000  }
0xe8: {  	[tilespmem:s3], [sflag:$0x2] =	stream.linear.gather [hbm4b:s1+s3], $0x80, $0x38;
	[tilespmem:$0x4080] =	vst v63  }
0xe9: {  	_ =	swait.ge [sflag:s4], $0x80  }
0xea: {  	[sflag:s4] =	ssyncset.done $0x0  }
0xeb: {  	[sflag:s4] =	ssyncadd.s32 $0xFFFFFF80  }
0xec: {  	[tilespmem:s5], [sflag:$0x1] =	stream.indirect.gather [hbm4b:s2+s5], $0x80, s3, s5, $0xb8;
	[tilespmem:$0x4080] =	vst v63  }
0xed: {  	_ =	swait.ge [sflag:s6], $0x4000  }
0xee: {  	[sflag:s6] =	ssyncset.done $0x0  }
0xef: {  	s1 =	rddreg [dreg:$0x8];
	[sflag:s6] =	ssyncadd.s32 $0xFFFFC000  }
0xf0: {  	[hbm4b:s1+s3] =	stream.linear.scatter [tilespmem:s5], [sflag:$0x2], $0x4000, $0x38;
	[tilespmem:$0x4080] =	vst v63  }
0xf1: {  	_ =	swait.ge [sflag:s4], $0x4000  }
0xf2: {  	[sflag:s4] =	ssyncset.done $0x0  }
0xf3: {  	s1 =	rddreg [dreg:$0x9];
	[sflag:s4] =	ssyncadd.s32 $0xFFFFC000  }
0xf4: {  	[tilespmem:s3], [sflag:$0x2] =	stream.linear.gather [hbm4b:s1+s3], $0x80, $0x38;
	[tilespmem:$0x4080] =	vst v63  }
0xf5: {  	_ =	swait.ge [sflag:s4], $0x80  }
0xf6: {  	[sflag:s4] =	ssyncset.done $0x0  }
0xf7: {  	[sflag:s4] =	ssyncadd.s32 $0xFFFFFF80  }
0xf8: {  	[tilespmem:s5], [sflag:$0x1] =	stream.indirect.gather [hbm4b:s2+s5], $0x80, s3, s5, $0xb8;
	[tilespmem:$0x4080] =	vst v63  }
0xf9: {  	_ =	swait.ge [sflag:s6], $0x4000  }
0xfa: {  	[sflag:s6] =	ssyncset.done $0x0  }
0xfb: {  	s1 =	rddreg [dreg:$0xa];
	[sflag:s6] =	ssyncadd.s32 $0xFFFFC000  }
0xfc: {  	[hbm4b:s1+s3] =	stream.linear.scatter [tilespmem:s5], [sflag:$0x2], $0x4000, $0x38;
	[tilespmem:$0x4080] =	vst v63  }
0xfd: {  	_ =	swait.ge [sflag:s4], $0x4000  }
0xfe: {  	[sflag:s4] =	ssyncset.done $0x0  }
0xff: {  	[sflag:s4] =	ssyncadd.s32 $0xFFFFC000  }
0x100: {  	[tilespmem:s3], [sflag:$0x2] =	stream.linear.gather [hbm4b:s7+s3], $0x80, $0x38;
	[tilespmem:$0x4080] =	vst v63  }
0x101: {  	_ =	swait.ge [sflag:s4], $0x80  }
0x102: {  	[sflag:s4] =	ssyncset.done $0x0  }
0x103: {  	[sflag:s4] =	ssyncadd.s32 $0xFFFFFF80  }
0x104: {  	[tilespmem:s5], [sflag:$0x1] =	stream.indirect.gather [hbm4b:s2+s5], $0x80, s3, s5, $0xb8;
	[tilespmem:$0x4080] =	vst v63  }
0x105: {  	_ =	swait.ge [sflag:s6], $0x4000  }
0x106: {  	[sflag:s6] =	ssyncset.done $0x0  }
0x107: {  	[sflag:s6] =	ssyncadd.s32 $0xFFFFC000  }
0x108: {  	[hbm4b:s8+s3] =	stream.linear.scatter [tilespmem:s5], [sflag:$0x2], $0x4000, $0x38;
	[tilespmem:$0x4080] =	vst v63  }
0x109: {  	_ =	swait.ge [sflag:s4], $0x4000  }
0x10a: {  	[sflag:s4] =	ssyncset.done $0x0  }
0x10b: {  	[sflag:s4] =	ssyncadd.s32 $0xFFFFC000  }
0x10c: {  	[tilespmem:s3], [sflag:$0x2] =	stream.linear.gather [hbm4b:s9+s3], $0x80, $0x38;
	[tilespmem:$0x4080] =	vst v63  }
0x10d: {  	_ =	swait.ge [sflag:s4], $0x80  }
0x10e: {  	[sflag:s4] =	ssyncset.done $0x0  }
0x10f: {  	[sflag:s4] =	ssyncadd.s32 $0xFFFFFF80  }
0x110: {  	[tilespmem:s5], [sflag:$0x1] =	stream.indirect.gather [hbm4b:s2+s5], $0x80, s3, s5, $0xb8;
	[tilespmem:$0x4080] =	vst v63  }
0x111: {  	_ =	swait.ge [sflag:s6], $0x4000  }
0x112: {  	[sflag:s6] =	ssyncset.done $0x0  }
0x113: {  	[sflag:s6] =	ssyncadd.s32 $0xFFFFC000  }
0x114: {  	[hbm4b:s10+s3] =	stream.linear.scatter [tilespmem:s5], [sflag:$0x2], $0x4000, $0x38;
	[tilespmem:$0x4080] =	vst v63  }
0x115: {  	_ =	swait.ge [sflag:s4], $0x4000  }
0x116: {  	[sflag:s4] =	ssyncset.done $0x0  }
0x117: {  	[sflag:s4] =	ssyncadd.s32 $0xFFFFC000  }
0x118: {  	[tilespmem:s3], [sflag:$0x2] =	stream.linear.gather [hbm4b:s11+s3], $0x80, $0x38;
	[tilespmem:$0x4080] =	vst v63  }
0x119: {  	_ =	swait.ge [sflag:s4], $0x80  }
0x11a: {  	[sflag:s4] =	ssyncset.done $0x0  }
0x11b: {  	[sflag:s4] =	ssyncadd.s32 $0xFFFFFF80  }
0x11c: {  	[tilespmem:s5], [sflag:$0x1] =	stream.indirect.gather [hbm4b:s2+s5], $0x80, s3, s5, $0xb8;
	[tilespmem:$0x4080] =	vst v63  }
0x11d: {  	_ =	swait.ge [sflag:s6], $0x4000  }
0x11e: {  	[sflag:s6] =	ssyncset.done $0x0  }
0x11f: {  	[sflag:s6] =	ssyncadd.s32 $0xFFFFC000  }
0x120: {  	[hbm4b:s12+s3] =	stream.linear.scatter [tilespmem:s5], [sflag:$0x2], $0x4000, $0x38;
	[tilespmem:$0x4080] =	vst v63  }
0x121: {  	_ =	swait.ge [sflag:s4], $0x4000  }
0x122: {  	[sflag:s4] =	ssyncset.done $0x0  }
0x123: {  	[sflag:s4] =	ssyncadd.s32 $0xFFFFC000  }
0x124: {  	[tilespmem:s3], [sflag:$0x2] =	stream.linear.gather [hbm4b:s13+s3], $0x80, $0x38;
	[tilespmem:$0x4080] =	vst v63  }
0x125: {  	_ =	swait.ge [sflag:s4], $0x80  }
0x126: {  	[sflag:s4] =	ssyncset.done $0x0  }
0x127: {  	[sflag:s4] =	ssyncadd.s32 $0xFFFFFF80  }
0x128: {  	[tilespmem:s5], [sflag:$0x1] =	stream.indirect.gather [hbm4b:s2+s5], $0x80, s3, s5, $0xb8;
	[tilespmem:$0x4080] =	vst v63  }
0x129: {  	_ =	swait.ge [sflag:s6], $0x4000  }
0x12a: {  	[sflag:s6] =	ssyncset.done $0x0  }
0x12b: {  	[sflag:s6] =	ssyncadd.s32 $0xFFFFC000  }
0x12c: {  	[hbm4b:s14+s3] =	stream.linear.scatter [tilespmem:s5], [sflag:$0x2], $0x4000, $0x38;
	[tilespmem:$0x4080] =	vst v63  }
0x12d: {  	_ =	swait.ge [sflag:s4], $0x4000  }
0x12e: {  	[sflag:s4] =	ssyncset.done $0x0  }
0x12f: {  	[sflag:s4] =	ssyncadd.s32 $0xFFFFC000  }
0x130: {  	[tilespmem:s3], [sflag:$0x2] =	stream.linear.gather [hbm4b:s15+s3], $0x80, $0x38;
	[tilespmem:$0x4080] =	vst v63  }
0x131: {  	_ =	swait.ge [sflag:s4], $0x80  }
0x132: {  	[sflag:s4] =	ssyncset.done $0x0  }
0x133: {  	[sflag:s4] =	ssyncadd.s32 $0xFFFFFF80  }
0x134: {  	[tilespmem:s5], [sflag:$0x1] =	stream.indirect.gather [hbm4b:s2+s5], $0x80, s3, s5, $0xb8;
	[tilespmem:$0x4080] =	vst v63  }
0x135: {  	_ =	swait.ge [sflag:s6], $0x4000  }
0x136: {  	[sflag:s6] =	ssyncset.done $0x0  }
0x137: {  	[sflag:s6] =	ssyncadd.s32 $0xFFFFC000  }
0x138: {  	[hbm4b:s16+s3] =	stream.linear.scatter [tilespmem:s5], [sflag:$0x2], $0x4000, $0x38;
	[tilespmem:$0x4080] =	vst v63  }
0x139: {  	_ =	swait.ge [sflag:s4], $0x4000  }
0x13a: {  	[sflag:s4] =	ssyncset.done $0x0  }
0x13b: {  	[sflag:s4] =	ssyncadd.s32 $0xFFFFC000  }
0x13c: {  	[tilespmem:s3], [sflag:$0x2] =	stream.linear.gather [hbm4b:s17+s3], $0x80, $0x38;
	[tilespmem:$0x4080] =	vst v63  }
0x13d: {  	_ =	swait.ge [sflag:s4], $0x80  }
0x13e: {  	[sflag:s4] =	ssyncset.done $0x0  }
0x13f: {  	[sflag:s4] =	ssyncadd.s32 $0xFFFFFF80  }
0x140: {  	[tilespmem:s5], [sflag:$0x1] =	stream.indirect.gather [hbm4b:s2+s5], $0x80, s3, s5, $0xb8;
	[tilespmem:$0x4080] =	vst v63  }
0x141: {  	_ =	swait.ge [sflag:s6], $0x4000  }
0x142: {  	[sflag:s6] =	ssyncset.done $0x0  }
0x143: {  	[sflag:s6] =	ssyncadd.s32 $0xFFFFC000  }
0x144: {  	[hbm4b:s18+s3] =	stream.linear.scatter [tilespmem:s5], [sflag:$0x2], $0x4000, $0x38;
	[tilespmem:$0x4080] =	vst v63  }
0x145: {  	_ =	swait.ge [sflag:s4], $0x4000  }
0x146: {  	[sflag:s4] =	ssyncset.done $0x0  }
0x147: {  	[sflag:s4] =	ssyncadd.s32 $0xFFFFC000  }
0x148: {  	[tilespmem:s3], [sflag:$0x2] =	stream.linear.gather [hbm4b:s19+s3], $0x80, $0x38;
	[tilespmem:$0x4080] =	vst v63  }
0x149: {  	_ =	swait.ge [sflag:s4], $0x80  }
0x14a: {  	[sflag:s4] =	ssyncset.done $0x0  }
0x14b: {  	[sflag:s4] =	ssyncadd.s32 $0xFFFFFF80  }
0x14c: {  	[tilespmem:s5], [sflag:$0x1] =	stream.indirect.gather [hbm4b:s2+s5], $0x80, s3, s5, $0xb8;
	[tilespmem:$0x4080] =	vst v63  }
0x14d: {  	_ =	swait.ge [sflag:s6], $0x4000  }
0x14e: {  	[sflag:s6] =	ssyncset.done $0x0  }
0x14f: {  	[sflag:s6] =	ssyncadd.s32 $0xFFFFC000  }
0x150: {  	[hbm4b:s20+s3] =	stream.linear.scatter [tilespmem:s5], [sflag:$0x2], $0x4000, $0x38;
	[tilespmem:$0x4080] =	vst v63  }
0x151: {  	_ =	swait.ge [sflag:s4], $0x4000  }
0x152: {  	[sflag:s4] =	ssyncset.done $0x0  }
0x153: {  	[sflag:s4] =	ssyncadd.s32 $0xFFFFC000  }
0x154: {  	[tilespmem:s3], [sflag:$0x2] =	stream.linear.gather [hbm4b:s21+s3], $0x80, $0x38;
	[tilespmem:$0x4080] =	vst v63  }
0x155: {  	_ =	swait.ge [sflag:s4], $0x80  }
0x156: {  	[sflag:s4] =	ssyncset.done $0x0  }
0x157: {  	[sflag:s4] =	ssyncadd.s32 $0xFFFFFF80  }
0x158: {  	[tilespmem:s5], [sflag:$0x1] =	stream.indirect.gather [hbm4b:s2+s5], $0x80, s3, s5, $0xb8;
	[tilespmem:$0x4080] =	vst v63  }
0x159: {  	_ =	swait.ge [sflag:s6], $0x4000  }
0x15a: {  	[sflag:s6] =	ssyncset.done $0x0  }
0x15b: {  	[sflag:s6] =	ssyncadd.s32 $0xFFFFC000  }
0x15c: {  	[hbm4b:s22+s3] =	stream.linear.scatter [tilespmem:s5], [sflag:$0x2], $0x4000, $0x38;
	[tilespmem:$0x4080] =	vst v63  }
0x15d: {  	_ =	swait.ge [sflag:s4], $0x4000  }
0x15e: {  	[sflag:s4] =	ssyncset.done $0x0  }
0x15f: {  	[sflag:s4] =	ssyncadd.s32 $0xFFFFC000  }
0x160: {  	[tilespmem:s3], [sflag:$0x2] =	stream.linear.gather [hbm4b:s23+s3], $0x80, $0x38;
	[tilespmem:$0x4080] =	vst v63  }
0x161: {  	_ =	swait.ge [sflag:s4], $0x80  }
0x162: {  	[sflag:s4] =	ssyncset.done $0x0  }
0x163: {  	[sflag:s4] =	ssyncadd.s32 $0xFFFFFF80  }
0x164: {  	[tilespmem:s5], [sflag:$0x1] =	stream.indirect.gather [hbm4b:s2+s5], $0x80, s3, s5, $0xb8;
	[tilespmem:$0x4080] =	vst v63  }
0x165: {  	_ =	swait.ge [sflag:s6], $0x4000  }
0x166: {  	[sflag:s6] =	ssyncset.done $0x0  }
0x167: {  	[sflag:s6] =	ssyncadd.s32 $0xFFFFC000  }
0x168: {  	[hbm4b:s24+s3] =	stream.linear.scatter [tilespmem:s5], [sflag:$0x2], $0x4000, $0x38;
	[tilespmem:$0x4080] =	vst v63  }
0x169: {  	_ =	swait.ge [sflag:s4], $0x4000  }
0x16a: {  	[sflag:s4] =	ssyncset.done $0x0  }
0x16b: {  	[sflag:s4] =	ssyncadd.s32 $0xFFFFC000  }
0x16c: {  	[tilespmem:s3], [sflag:$0x2] =	stream.linear.gather [hbm4b:s25+s3], $0x80, $0x38;
	[tilespmem:$0x4080] =	vst v63  }
0x16d: {  	_ =	swait.ge [sflag:s4], $0x80  }
0x16e: {  	[sflag:s4] =	ssyncset.done $0x0  }
0x16f: {  	[sflag:s4] =	ssyncadd.s32 $0xFFFFFF80  }
0x170: {  	[tilespmem:s5], [sflag:$0x1] =	stream.indirect.gather [hbm4b:s2+s5], $0x80, s3, s5, $0xb8;
	[tilespmem:$0x4080] =	vst v63  }
0x171: {  	_ =	swait.ge [sflag:s6], $0x4000  }
0x172: {  	[sflag:s6] =	ssyncset.done $0x0  }
0x173: {  	[sflag:s6] =	ssyncadd.s32 $0xFFFFC000  }
0x174: {  	[hbm4b:s26+s3] =	stream.linear.scatter [tilespmem:s5], [sflag:$0x2], $0x4000, $0x38;
	[tilespmem:$0x4080] =	vst v63  }
0x175: {  	_ =	swait.ge [sflag:s4], $0x4000  }
0x176: {  	[sflag:s4] =	ssyncset.done $0x0  }
0x177: {  	[sflag:s4] =	ssyncadd.s32 $0xFFFFC000  }
0x178: {  	[tilespmem:s3], [sflag:$0x2] =	stream.linear.gather [hbm4b:s28+s3], $0x80, $0x38;
	[tilespmem:$0x4080] =	vst v63  }
0x179: {  	_ =	swait.ge [sflag:s4], $0x80  }
0x17a: {  	[sflag:s4] =	ssyncset.done $0x0  }
0x17b: {  	[sflag:s4] =	ssyncadd.s32 $0xFFFFFF80  }
0x17c: {  	[tilespmem:s5], [sflag:$0x1] =	stream.indirect.gather [hbm4b:s2+s5], $0x80, s3, s5, $0xb8;
	[tilespmem:$0x4080] =	vst v63  }
0x17d: {  	_ =	swait.ge [sflag:s6], $0x4000  }
0x17e: {  	[sflag:s6] =	ssyncset.done $0x0  }
0x17f: {  	[sflag:s6] =	ssyncadd.s32 $0xFFFFC000  }
0x180: {  	[hbm4b:s29+s3] =	stream.linear.scatter [tilespmem:s5], [sflag:$0x2], $0x4000, $0x38;
	[tilespmem:$0x4080] =	vst v63  }
0x181: {  	_ =	swait.ge [sflag:s4], $0x4000  }
0x182: {  	[sflag:s4] =	ssyncset.done $0x0  }
0x183: {  	[sflag:s4] =	ssyncadd.s32 $0xFFFFC000  }
0x184: {  	[tilespmem:s3], [sflag:$0x2] =	stream.linear.gather [hbm4b:s30+s3], $0x80, $0x38;
	[tilespmem:$0x4080] =	vst v63  }
0x185: {  	_ =	swait.ge [sflag:s4], $0x80  }
0x186: {  	[sflag:s4] =	ssyncset.done $0x0  }
0x187: {  	p0 =	sne.s32 s0, $0x1;
	[sflag:s4] =	ssyncadd.s32 $0xFFFFFF80  }
0x188: {  	[tilespmem:s5], [sflag:$0x1] =	stream.indirect.gather [hbm4b:s2+s5], $0x80, s3, s5, $0xb8;
	[tilespmem:$0x4080] =	vst v63  }
.Ltmp1:
0x189: {  	_ =	swait.ge [sflag:s6], $0x4000;
	(pc) =	sbr.rel @p0 .LBB2_1-.Ltmp1, $4  }
0x18a: {  	[sflag:s6] =	ssyncset.done $0x0  }
0x18b: {  	[sflag:s6] =	ssyncadd.s32 $0xFFFFC000  }
0x18c: {  	[hbm4b:s31+s3] =	stream.linear.scatter [tilespmem:s5], [sflag:$0x2], $0x4000, $0x38;
	[tilespmem:$0x4080] =	vst v63  }
0x18d: {  	s0 =	sadd.s32 $0xFFFFFFFF, s0;
	_ =	swait.ge [sflag:s4], $0x4000  }
.LBB2_2:
0x18e: {  	[sflag:s4] =	ssyncset.done $0x0  }
0x18f: {  	[sflag:s4] =	ssyncadd.s32 $0xFFFFC000  }
0x190: {  	_ =	sfence.sel $0x180000  }
0x191: {  	[bflag:$0x0] =	sbarrier.arrive $0xFFFF  }
0x192: {  	_ =	strace $0x90000047  }
0x193: {  	s0 =	stileid.u32;
	[bflag:$0x2] =	sbarrier.arrive $0xFFFF  }
0x194: {  	p0 =	sne.s32 s0, $0x0;
	s0 =	rddreg [dreg:$0x2]  }
0x195: {  	s0 =	sadd.s32 @!p0 $0x100000, s0  }
0x196: {  	[sflag:s0] =	ssyncadd.tile.s32 @!p0 $0x1;
	_ =	shalt  }
.Lfunc_end2:
_tile_overlayer_lowered:
.L_overlay_start_2:
0x197: {  	(tag) =	ssettag $0x2  }
0x198: {  	s0 =	rddreg [dreg:$0x0];
	s2 =	stileid.u32  }
0x199: {  	s1 =	rddreg [dreg:$0x1];
	p0 =	sne.s32 s2, $0x0  }
0x19a: {  	s3 =	rddreg [dreg:$0x2];
	[bflag:$0x3] =	sbarrier.arrive $0xFFFF;
	s2 =	simm.s32 @!p0 $0x1C02  }
0x19b: {  	[timem:s3], [sflag:s2] =	dma.local @!p0 [hbm:s0], s1  }
0x19c: {  	s0 =	simm.s32 @!p0 $0x2  }
0x19d: {  	_ =	swait.ge @!p0 [sflag:s0], s1  }
0x19e: {  	s1 =	ssub.s32 @!p0 $0x0, s1;
	[sflag:s0] =	ssyncset.done @!p0 $0x0  }
0x19f: {  	[sflag:s0] =	ssyncadd.s32 @!p0 s1  }
0x1a0: {  	[bflag:$0x3] =	sbarrier.arrive $0xFFFF  }
0x1a1: {  	_ =	shalt  }

</sc_bundles>
